<compile_context>
chip_gen: v7x
topology: tpu7x:2x2x1
jax: 0.10.2.dev20260603
libtpu: 0.0.44.dev20260713+nightly
codegen_flags: <defaults>
</compile_context>

<pallas_src>
import functools

import jax
import jax.numpy as jnp
from jax import lax
from jax.experimental import pallas as pl
from jax.experimental.pallas import tpu as pltpu
from jax.experimental.pallas import tpu_sc as plsc

N = 10000
E = 320000
H = 128
DS = 16
DE = 16
HID = 128
MSG = 64

NC = 2
NS = 16
NW = NC * NS
EPW = E // NW
CH = 80
NCH = EPW // CH
SRCW = 384
DSTW = 256
NPAD = 10240
ROWS_PER_TILE = NPAD // NS

_mesh = plsc.VectorSubcoreMesh(core_axis_name="c", subcore_axis_name="s")


def _node_tables_body(hs, hd, xs, xd, dgW1, dgb1, esW1,
                      plW1, plb1, plW2, plb2, src_out, dst_out):
    f32 = jnp.float32
    a = jnp.dot(hs[...], dgW1[:H, :], preferred_element_type=f32) + dgb1[...]
    c = jnp.dot(xs[...], esW1[DE:DE + DS, :], preferred_element_type=f32)
    vh = jnp.maximum(
        jnp.dot(hs[...], plW1[...], preferred_element_type=f32) + plb1[...], 0.0)
    v = jnp.dot(vh, plW2[...], preferred_element_type=f32) + plb2[...]
    src_out[...] = jnp.concatenate(
        [a, c, v, jnp.zeros_like(v)], axis=1)
    b = jnp.dot(hd[...], dgW1[H:, :], preferred_element_type=f32)
    dd = jnp.dot(xd[...], esW1[DE + DS:, :], preferred_element_type=f32)
    dst_out[...] = jnp.concatenate([b, dd], axis=1)


def _node_tables(h_src, h_dst, xs, xd, dgW1, dgb1, esW1, plW1, plb1, plW2, plb2):
    nb = 2000
    grid = (N // nb,)
    row_spec = lambda w: pl.BlockSpec((nb, w), lambda i: (i, 0))
    full = lambda arr: pl.BlockSpec(arr.shape, lambda i: (0,) * arr.ndim)
    return pl.pallas_call(
        _node_tables_body,
        grid=grid,
        in_specs=[row_spec(H), row_spec(H), row_spec(DS), row_spec(DS),
                  full(dgW1), full(dgb1), full(esW1),
                  full(plW1), full(plb1), full(plW2), full(plb2)],
        out_specs=[row_spec(SRCW), row_spec(DSTW)],
        out_shape=[jax.ShapeDtypeStruct((N, SRCW), jnp.float32),
                   jax.ShapeDtypeStruct((N, DSTW), jnp.float32)],
    )(h_src, h_dst, xs, xd, dgW1, dgb1, esW1, plW1, plb1, plW2, plb2)


@functools.partial(
    pl.kernel,
    out_type=[jax.ShapeDtypeStruct((E, SRCW), jnp.float32),
              jax.ShapeDtypeStruct((E, DSTW), jnp.float32)],
    mesh=_mesh,
    scratch_types=[pltpu.VMEM((CH,), jnp.int32),
                   pltpu.VMEM((CH,), jnp.int32),
                   pltpu.VMEM((CH, SRCW), jnp.float32),
                   pltpu.VMEM((CH, DSTW), jnp.float32),
                   pltpu.SemaphoreType.DMA,
                   pltpu.SemaphoreType.DMA],
)
def _gather_kernel(srctab, dsttab, src_idx, dst_idx, sg_out, dg_out,
                   si_v, di_v, sr_v, dr_v, sem_s, sem_d):
    wid = lax.axis_index("s") * NC + lax.axis_index("c")
    base0 = wid * EPW

    def body(c, carry):
        base = base0 + c * CH
        pltpu.sync_copy(src_idx.at[pl.ds(base, CH)], si_v)
        pltpu.sync_copy(dst_idx.at[pl.ds(base, CH)], di_v)
        cp_s = pltpu.async_copy(srctab.at[si_v], sr_v, sem_s)
        cp_d = pltpu.async_copy(dsttab.at[di_v], dr_v, sem_d)
        cp_s.wait()
        cp_d.wait()
        pltpu.sync_copy(sr_v, sg_out.at[pl.ds(base, CH)])
        pltpu.sync_copy(dr_v, dg_out.at[pl.ds(base, CH)])
        return carry

    lax.fori_loop(0, NCH, body, 0)


def _edge_math_body(sg, dg, ea, dstev, dstod, esW1, esb1, esW2, esb2,
                    bwW, bwb, dgW2, dgb2, tgt_out, cm_out, *outs):
    f32 = jnp.float32
    eap = jnp.dot(ea[...], esW1[:DE, :], preferred_element_type=f32) + esb1[...]
    h1 = jnp.maximum(eap + sg[:, H:2 * H] + dg[:, H:2 * H], 0.0)
    wc = jnp.dot(esW2[...], bwW[...], preferred_element_type=f32)
    cb = jnp.dot(esb2[...], bwW[...], preferred_element_type=f32) + bwb[...]
    z = jnp.dot(h1, wc, preferred_element_type=f32) + cb
    be = jax.nn.softplus(z)
    gh = jnp.maximum(sg[:, :H] + dg[:, :H], 0.0)
    y = jnp.dot(gh, dgW2[...], preferred_element_type=f32) + dgb2[...]
    ge = jax.nn.sigmoid(y)
    msg = (be * ge) * sg[:, 2 * H:2 * H + MSG]
    for q in range(NPASS):
        outs[q][...] = msg[:, 8 * q:8 * q + 8]
    npair = dstev.shape[0]
    de = dstev[...]
    do = dstod[...]
    hi = lax.broadcasted_iota(jnp.int32, (npair, 16), 1) >= 8
    col = lax.broadcasted_iota(jnp.int32, (npair, 16), 1) - 8 * hi.astype(
        jnp.int32)
    tgt_out[...] = jnp.where(hi, do * 8, de * 8) + col
    cm_out[...] = (hi & (de == do)).astype(jnp.int32)


def _edge_math(sg, dg, ea, dstev, dstod,
               esW1, esb1, esW2, esb2, bwW, bwb, dgW2, dgb2):
    be_blk = 1600
    npair = be_blk // 2
    grid = (E // be_blk,)
    row_spec = lambda w: pl.BlockSpec((be_blk, w), lambda i: (i, 0))
    full = lambda arr: pl.BlockSpec(arr.shape, lambda i: (0,) * arr.ndim)
    pair_spec = pl.BlockSpec((npair, 1), lambda i: (i, 0))
    pout_spec = pl.BlockSpec((npair, 16), lambda i: (i, 0))
    return pl.pallas_call(
        _edge_math_body,
        grid=grid,
        in_specs=[row_spec(SRCW), row_spec(DSTW), row_spec(DE),
                  pair_spec, pair_spec,
                  full(esW1), full(esb1), full(esW2), full(esb2),
                  full(bwW), full(bwb), full(dgW2), full(dgb2)],
        out_specs=[pout_spec, pout_spec] + [row_spec(8)] * NPASS,
        out_shape=[jax.ShapeDtypeStruct((E // 2, 16), jnp.int32),
                   jax.ShapeDtypeStruct((E // 2, 16), jnp.int32)]
        + [jax.ShapeDtypeStruct((E, 8), jnp.float32)] * NPASS,
        compiler_params=pltpu.CompilerParams(
            dimension_semantics=("arbitrary",)),
    )(sg, dg, ea, dstev, dstod,
      esW1, esb1, esW2, esb2, bwW, bwb, dgW2, dgb2)


CH2 = 1000
NCH2 = EPW // CH2
NPASS = MSG // 8


@functools.partial(
    pl.kernel,
    out_type=jax.ShapeDtypeStruct((NW, NPASS, NPAD * 8), jnp.float32),
    mesh=_mesh,
    scratch_types=[pltpu.VMEM((CH2 * 8,), jnp.int32),
                   pltpu.VMEM((CH2 * 8,), jnp.int32),
                   pltpu.VMEM((CH2 * 8,), jnp.float32),
                   pltpu.VMEM((NPAD * 8,), jnp.float32)],
    compiler_params=pltpu.CompilerParams(needs_layout_passes=False),
)
def _scatter_kernel(m0, m1, m2, m3, m4, m5, m6, m7, tgt_hbm, cm_hbm,
                    zeros_hbm, out_hbm, tgt_v, cm_v, msg_v, acc):
    cid = lax.axis_index("c")
    sid = lax.axis_index("s")
    wid = cid * NS + sid
    base0 = wid * EPW
    msgs = (m0, m1, m2, m3, m4, m5, m6, m7)
    npair = CH2 // 2

    for p in range(NPASS):
        pltpu.sync_copy(zeros_hbm, acc)

        def chunk_body(c, carry, _mp=msgs[p]):
            base = base0 + c * CH2
            pltpu.sync_copy(tgt_hbm.at[pl.ds(base * 8, CH2 * 8)], tgt_v)
            pltpu.sync_copy(cm_hbm.at[pl.ds(base * 8, CH2 * 8)], cm_v)
            pltpu.sync_copy(_mp.at[pl.ds(base * 8, CH2 * 8)], msg_v)

            @plsc.parallel_loop(0, npair, 1, unroll=8)
            def _pair_body(k):
                sl = pl.ds(16 * k, 16)
                tgt = tgt_v[sl]
                mask2 = cm_v[sl] > 0
                vals = msg_v[sl]
                plsc.addupdate_scatter(acc, [tgt], vals,
                                       mask=jnp.logical_not(mask2))
                plsc.addupdate_scatter(acc, [tgt], vals, mask=mask2)

            return carry

        lax.fori_loop(0, NCH2, chunk_body, 0)
        pltpu.sync_copy(acc, out_hbm.at[wid, p])


def _sum_body(p, out):
    out[...] = jnp.sum(p[...], axis=0)


def _sum_partials(partials):
    rows = NPASS * NPAD * 8 // 128
    p3 = partials.reshape(NW, rows, 128)
    blk = 512
    grid = (rows // blk,)
    red = pl.pallas_call(
        _sum_body,
        grid=grid,
        in_specs=[pl.BlockSpec((NW, blk, 128), lambda i: (0, i, 0))],
        out_specs=pl.BlockSpec((blk, 128), lambda i: (i, 0)),
        out_shape=jax.ShapeDtypeStruct((rows, 128), jnp.float32),
        compiler_params=pltpu.CompilerParams(
            dimension_semantics=("arbitrary",)),
    )(p3)
    r = red.reshape(NPASS, NPAD, 8)
    return jnp.transpose(r, (1, 0, 2)).reshape(NPAD, MSG)[:N]


def kernel(h_src, h_dst, edge_attr_static, x_static_src, x_static_dst,
           edge_index,
           es_W1, es_b1, es_W2, es_b2,
           bw_W, bw_b,
           dg_W1, dg_b1, dg_W2, dg_b2,
           pl_W1, pl_b1, pl_W2, pl_b2):
    f32 = jnp.float32
    src = edge_index[0].astype(jnp.int32)
    dst = edge_index[1].astype(jnp.int32)
    dgb1 = dg_b1.reshape(1, HID).astype(f32)
    esb1 = es_b1.reshape(1, HID).astype(f32)
    esb2 = es_b2.reshape(1, HID).astype(f32)
    plb1 = pl_b1.reshape(1, HID).astype(f32)
    plb2 = pl_b2.reshape(1, MSG).astype(f32)
    bwb = bw_b.reshape(1, 1).astype(f32)
    dgb2 = dg_b2.reshape(1, 1).astype(f32)

    srctab, dsttab = _node_tables(h_src, h_dst, x_static_src, x_static_dst,
                                  dg_W1, dgb1, es_W1, pl_W1, plb1, pl_W2, plb2)
    sg, dg = _gather_kernel(srctab, dsttab, src, dst)
    dstev = dst[0::2].reshape(E // 2, 1)
    dstod = dst[1::2].reshape(E // 2, 1)
    tgt16, cm16, *msgs = _edge_math(sg, dg, edge_attr_static, dstev, dstod,
                                    es_W1, esb1, es_W2, esb2, bw_W, bwb,
                                    dg_W2, dgb2)
    zeros = jnp.zeros((NPAD * 8,), f32)
    partials = _scatter_kernel(*[m.reshape(E * 8) for m in msgs],
                               tgt16.reshape(E * 8), cm16.reshape(E * 8),
                               zeros)
    return _sum_partials(partials.reshape(NW, NPASS * NPAD * 8))

# --- scband reference (transcript-rebuilt; emitter-appended) ---
"""Pipeline reference for scband-hetero-encoder-decoder-model-43885975830667 (READ-ONLY COPY).

The authoritative reference and input builder live on the scoring server;
editing this copy changes nothing except your own understanding.
"""

import jax, jax.numpy as jnp
import numpy as np

N = 10000
E = 320000
H = 128
DS = 16
DE = 16
HID = 128
MSG = 64


def setup_inputs(seed: int = 0) -> dict:
    key = jax.random.key(seed)
    ks = jax.random.split(key, 24)
    s = 0.05
    inp = {}
    inp["h_src"] = jax.random.normal(ks[0], (N, H), jnp.float32)
    inp["h_dst"] = jax.random.normal(ks[1], (N, H), jnp.float32)
    inp["edge_attr_static"] = jax.random.normal(ks[2], (E, DE), jnp.float32)
    inp["x_static_src"] = jax.random.normal(ks[3], (N, DS), jnp.float32)
    inp["x_static_dst"] = jax.random.normal(ks[4], (N, DS), jnp.float32)
    inp["edge_index"] = jax.random.randint(ks[5], (2, E), 0, N)
    # edge_static_embed MLP: (DE+DS+DS) -> HID -> HID
    inp["es_W1"] = jax.random.normal(ks[6], (DE + 2 * DS, HID), jnp.float32) * s
    inp["es_b1"] = jnp.zeros((HID,), jnp.float32)
    inp["es_W2"] = jax.random.normal(ks[7], (HID, HID), jnp.float32) * s
    inp["es_b2"] = jnp.zeros((HID,), jnp.float32)
    # base_weight: HID -> 1
    inp["bw_W"] = jax.random.normal(ks[8], (HID, 1), jnp.float32) * s
    inp["bw_b"] = jnp.zeros((1,), jnp.float32)
    # dynamic_gate MLP: 2*H -> HID -> 1
    inp["dg_W1"] = jax.random.normal(ks[9], (2 * H, HID), jnp.float32) * s
    inp["dg_b1"] = jnp.zeros((HID,), jnp.float32)
    inp["dg_W2"] = jax.random.normal(ks[10], (HID, 1), jnp.float32) * s
    inp["dg_b2"] = jnp.zeros((1,), jnp.float32)
    # payload MLP: H -> HID -> MSG
    inp["pl_W1"] = jax.random.normal(ks[11], (H, HID), jnp.float32) * s
    inp["pl_b1"] = jnp.zeros((HID,), jnp.float32)
    inp["pl_W2"] = jax.random.normal(ks[12], (HID, MSG), jnp.float32) * s
    inp["pl_b2"] = jnp.zeros((MSG,), jnp.float32)
    return inp


def _mlp(x, W1, b1, W2, b2):
    h = jax.nn.relu(jnp.dot(x, W1) + b1)
    return jnp.dot(h, W2) + b2


def reference(h_src, h_dst, edge_attr_static, x_static_src, x_static_dst,
              edge_index,
              es_W1, es_b1, es_W2, es_b2,
              bw_W, bw_b,
              dg_W1, dg_b1, dg_W2, dg_b2,
              pl_W1, pl_b1, pl_W2, pl_b2):
    src = edge_index[0]
    dst = edge_index[1]
    # per-edge gathers
    h_src_j = jnp.take(h_src, src, axis=0)
    h_dst_i = jnp.take(h_dst, dst, axis=0)
    x_static_src_j = jnp.take(x_static_src, src, axis=0)
    x_static_dst_i = jnp.take(x_static_dst, dst, axis=0)
    # static gate
    static_cat = jnp.concatenate([edge_attr_static, x_static_src_j, x_static_dst_i], axis=-1)
    u_e = _mlp(static_cat, es_W1, es_b1, es_W2, es_b2)
    b_e = jax.nn.softplus(jnp.dot(u_e, bw_W) + bw_b)
    # dynamic gate
    gate_in = jnp.concatenate([h_src_j, h_dst_i], axis=-1)
    g_e = jax.nn.sigmoid(_mlp(gate_in, dg_W1, dg_b1, dg_W2, dg_b2))
    # payload message
    v = _mlp(h_src_j, pl_W1, pl_b1, pl_W2, pl_b2)
    msg = b_e * g_e * v
    # aggr='add' scatter into dst nodes
    out = jnp.zeros((h_dst.shape[0], msg.shape[1]), msg.dtype).at[dst].add(msg)
    return out

if __name__ == "__main__":
    import jax
    _d = setup_inputs()
    print(jax.jit(kernel)(*tuple(_d.values())))

</pallas_src>

<mosaic_0001>
#map = affine_map<(d0, d1) -> (0)>
#map1 = affine_map<(d0, d1) -> (0, 0, 0)>
module attributes {stable_mosaic.version = 14 : i64} {
  func.func @_scatter_kernel(%arg0: i32, %arg1: i32, %arg2: memref<2560000xf32, #tpu.memory_space<hbm>>, %arg3: memref<2560000xf32, #tpu.memory_space<hbm>>, %arg4: memref<2560000xf32, #tpu.memory_space<hbm>>, %arg5: memref<2560000xf32, #tpu.memory_space<hbm>>, %arg6: memref<2560000xf32, #tpu.memory_space<hbm>>, %arg7: memref<2560000xf32, #tpu.memory_space<hbm>>, %arg8: memref<2560000xf32, #tpu.memory_space<hbm>>, %arg9: memref<2560000xf32, #tpu.memory_space<hbm>>, %arg10: memref<2560000xi32, #tpu.memory_space<hbm>>, %arg11: memref<2560000xi32, #tpu.memory_space<hbm>>, %arg12: memref<81920xf32, #tpu.memory_space<hbm>>, %arg13: memref<32x8x81920xf32, #tpu.memory_space<hbm>>, %arg14: memref<8000xi32, #tpu.memory_space<vmem>>, %arg15: memref<8000xi32, #tpu.memory_space<vmem>>, %arg16: memref<8000xf32, #tpu.memory_space<vmem>>, %arg17: memref<81920xf32, #tpu.memory_space<vmem>>) attributes {dimension_semantics = [#tpu.dimension_semantics<core_parallel>, #tpu.dimension_semantics<subcore_parallel>], iteration_bounds = array<i64: 2, 16>, scalar_prefetch = 0 : i64, scratch_operands = 4 : i64, tpu.core_type = #tpu.core_type<sc_vector_subcore>, window_params = [{transform_indices = #map}, {transform_indices = #map}, {transform_indices = #map}, {transform_indices = #map}, {transform_indices = #map}, {transform_indices = #map}, {transform_indices = #map}, {transform_indices = #map}, {transform_indices = #map}, {transform_indices = #map}, {transform_indices = #map}, {transform_indices = #map1}]} {
    %mul3A = arith.constant 16 : i32
    %mul3A_0 = arith.muli %arg0, %mul3A : i32
    %add3A = arith.addi %mul3A_0, %arg1 : i32
    %mul3A_1 = arith.constant 10000 : i32
    %mul3A_2 = arith.muli %add3A, %mul3A_1 : i32
    "tpu.region"() ({
      %run_scoped3A_57 = tpu.sem_alloc : memref<!tpu.dma_semaphore, #tpu.memory_space<semaphore_mem>>
      tpu.enqueue_dma source(%arg12 : memref<81920xf32, #tpu.memory_space<hbm>>) target(%arg17 : memref<81920xf32, #tpu.memory_space<vmem>>) target_semaphore(%run_scoped3A_57 : memref<!tpu.dma_semaphore, #tpu.memory_space<semaphore_mem>>)
      tpu.wait_dma2 semaphore(%run_scoped3A_57 : memref<!tpu.dma_semaphore, #tpu.memory_space<semaphore_mem>>) src(%arg12 : memref<81920xf32, #tpu.memory_space<hbm>>) dst(%arg17 : memref<81920xf32, #tpu.memory_space<vmem>>)
      tpu.yield
    }) : () -> ()
    %scan3A = arith.constant 0 : i32
    %scan3A_3 = arith.constant 0 : i32
    %scan3A_4 = arith.constant 10 : i32
    %scan3A_5 = arith.addi %scan3A_3, %scan3A_4 : i32
    %scan3A_6 = arith.constant 1 : i32
    scf.for %scan3A_57 = %scan3A_3 to %scan3A_5 step %scan3A_6  : i32 {
      %mul3A_58 = arith.constant 1000 : i32
      %mul3A_59 = arith.muli %scan3A_57, %mul3A_58 : i32
      %add3A_60 = arith.addi %mul3A_2, %mul3A_59 : i32
      %mul3A_61 = arith.constant 8 : i32
      %mul3A_62 = arith.muli %add3A_60, %mul3A_61 : i32
      "tpu.region"() ({
        %run_scoped3A_69 = tpu.sem_alloc : memref<!tpu.dma_semaphore, #tpu.memory_space<semaphore_mem>>
        %dma_start3A = tpu.memref_slice %arg10[%mul3A_62] : memref<2560000xi32, #tpu.memory_space<hbm>> -> memref<8000xi32, #tpu.memory_space<hbm>>
        %dma_start3A_70 = tpu.memref_slice %arg10[%mul3A_62] : memref<2560000xi32, #tpu.memory_space<hbm>> -> memref<8000xi32, #tpu.memory_space<hbm>>
        tpu.enqueue_dma source(%dma_start3A_70 : memref<8000xi32, #tpu.memory_space<hbm>>) target(%arg14 : memref<8000xi32, #tpu.memory_space<vmem>>) target_semaphore(%run_scoped3A_69 : memref<!tpu.dma_semaphore, #tpu.memory_space<semaphore_mem>>)
        %dma_wait3A = tpu.memref_slice %arg10[%mul3A_62] : memref<2560000xi32, #tpu.memory_space<hbm>> -> memref<8000xi32, #tpu.memory_space<hbm>>
        %dma_wait3A_71 = tpu.memref_slice %arg10[%mul3A_62] : memref<2560000xi32, #tpu.memory_space<hbm>> -> memref<8000xi32, #tpu.memory_space<hbm>>
        tpu.wait_dma2 semaphore(%run_scoped3A_69 : memref<!tpu.dma_semaphore, #tpu.memory_space<semaphore_mem>>) src(%dma_wait3A_71 : memref<8000xi32, #tpu.memory_space<hbm>>) dst(%arg14 : memref<8000xi32, #tpu.memory_space<vmem>>)
        tpu.yield
      }) : () -> ()
      %mul3A_63 = arith.constant 8 : i32
      %mul3A_64 = arith.muli %add3A_60, %mul3A_63 : i32
      "tpu.region"() ({
        %run_scoped3A_69 = tpu.sem_alloc : memref<!tpu.dma_semaphore, #tpu.memory_space<semaphore_mem>>
        %dma_start3A = tpu.memref_slice %arg11[%mul3A_64] : memref<2560000xi32, #tpu.memory_space<hbm>> -> memref<8000xi32, #tpu.memory_space<hbm>>
        %dma_start3A_70 = tpu.memref_slice %arg11[%mul3A_64] : memref<2560000xi32, #tpu.memory_space<hbm>> -> memref<8000xi32, #tpu.memory_space<hbm>>
        tpu.enqueue_dma source(%dma_start3A_70 : memref<8000xi32, #tpu.memory_space<hbm>>) target(%arg15 : memref<8000xi32, #tpu.memory_space<vmem>>) target_semaphore(%run_scoped3A_69 : memref<!tpu.dma_semaphore, #tpu.memory_space<semaphore_mem>>)
        %dma_wait3A = tpu.memref_slice %arg11[%mul3A_64] : memref<2560000xi32, #tpu.memory_space<hbm>> -> memref<8000xi32, #tpu.memory_space<hbm>>
        %dma_wait3A_71 = tpu.memref_slice %arg11[%mul3A_64] : memref<2560000xi32, #tpu.memory_space<hbm>> -> memref<8000xi32, #tpu.memory_space<hbm>>
        tpu.wait_dma2 semaphore(%run_scoped3A_69 : memref<!tpu.dma_semaphore, #tpu.memory_space<semaphore_mem>>) src(%dma_wait3A_71 : memref<8000xi32, #tpu.memory_space<hbm>>) dst(%arg15 : memref<8000xi32, #tpu.memory_space<vmem>>)
        tpu.yield
      }) : () -> ()
      %mul3A_65 = arith.constant 8 : i32
      %mul3A_66 = arith.muli %add3A_60, %mul3A_65 : i32
      "tpu.region"() ({
        %run_scoped3A_69 = tpu.sem_alloc : memref<!tpu.dma_semaphore, #tpu.memory_space<semaphore_mem>>
        %dma_start3A = tpu.memref_slice %arg2[%mul3A_66] : memref<2560000xf32, #tpu.memory_space<hbm>> -> memref<8000xf32, #tpu.memory_space<hbm>>
        %dma_start3A_70 = tpu.memref_slice %arg2[%mul3A_66] : memref<2560000xf32, #tpu.memory_space<hbm>> -> memref<8000xf32, #tpu.memory_space<hbm>>
        tpu.enqueue_dma source(%dma_start3A_70 : memref<8000xf32, #tpu.memory_space<hbm>>) target(%arg16 : memref<8000xf32, #tpu.memory_space<vmem>>) target_semaphore(%run_scoped3A_69 : memref<!tpu.dma_semaphore, #tpu.memory_space<semaphore_mem>>)
        %dma_wait3A = tpu.memref_slice %arg2[%mul3A_66] : memref<2560000xf32, #tpu.memory_space<hbm>> -> memref<8000xf32, #tpu.memory_space<hbm>>
        %dma_wait3A_71 = tpu.memref_slice %arg2[%mul3A_66] : memref<2560000xf32, #tpu.memory_space<hbm>> -> memref<8000xf32, #tpu.memory_space<hbm>>
        tpu.wait_dma2 semaphore(%run_scoped3A_69 : memref<!tpu.dma_semaphore, #tpu.memory_space<semaphore_mem>>) src(%dma_wait3A_71 : memref<8000xf32, #tpu.memory_space<hbm>>) dst(%arg16 : memref<8000xf32, #tpu.memory_space<vmem>>)
        tpu.yield
      }) : () -> ()
      %parallel_loop3A = arith.constant 0 : i32
      %parallel_loop3A_67 = arith.constant 500 : i32
      %parallel_loop3A_68 = arith.constant 1 : i32
      scf.for %parallel_loop3A_69 = %parallel_loop3A to %parallel_loop3A_67 step %parallel_loop3A_68  : i32 {
        %parallel_loop3A_70 = arith.constant 16 : i32
        %parallel_loop3A_71 = arith.muli %parallel_loop3A_70, %parallel_loop3A_69 : i32
        %parallel_loop3A_72 = arith.index_cast %parallel_loop3A_71 : i32 to index
        %parallel_loop3A_73 = tpu.vector_load %arg14[%parallel_loop3A_72] {strides = array<i32>} : memref<8000xi32, #tpu.memory_space<vmem>>, vector<16xi32>,
        %parallel_loop3A_74 = arith.index_cast %parallel_loop3A_71 : i32 to index
        %parallel_loop3A_75 = tpu.vector_load %arg15[%parallel_loop3A_74] {strides = array<i32>} : memref<8000xi32, #tpu.memory_space<vmem>>, vector<16xi32>,
        %parallel_loop3A_76 = arith.constant 0 : i32
        %parallel_loop3A_77 = vector.broadcast %parallel_loop3A_76 : i32 to vector<16xi32>
        %parallel_loop3A_78 = arith.cmpi sgt, %parallel_loop3A_75, %parallel_loop3A_77 : vector<16xi32>
        %parallel_loop3A_79 = arith.index_cast %parallel_loop3A_71 : i32 to index
        %parallel_loop3A_80 = tpu.vector_load %arg16[%parallel_loop3A_79] {strides = array<i32>} : memref<8000xf32, #tpu.memory_space<vmem>>, vector<16xf32>,
        %parallel_loop3A_81 = arith.constant dense<true> : vector<16xi1>
        %parallel_loop3A_82 = arith.xori %parallel_loop3A_78, %parallel_loop3A_81 : vector<16xi1>
        tpu.vector_store_idx %arg17[%parallel_loop3A_73], %parallel_loop3A_80 masked %parallel_loop3A_82 {add = true} : memref<81920xf32, #tpu.memory_space<vmem>>[vector<16xi32>], vector<16xf32>, vector<16xi1>
        tpu.vector_store_idx %arg17[%parallel_loop3A_73], %parallel_loop3A_80 masked %parallel_loop3A_78 {add = true} : memref<81920xf32, #tpu.memory_space<vmem>>[vector<16xi32>], vector<16xf32>, vector<16xi1>
      } {sc.loop_unroll_factor = 8 : i64, sc.parallel_access}
    }
    %scan3A_7 = arith.constant 10 : i32
    %run_scoped3A = arith.constant 0 : i32
    "tpu.region"() ({
      %run_scoped3A_57 = tpu.sem_alloc : memref<!tpu.dma_semaphore, #tpu.memory_space<semaphore_mem>>
      %dma_start3A = arith.constant 0 : i32
      %dma_start3A_58 = tpu.memref_slice %arg13[%add3A, %run_scoped3A, %dma_start3A] : memref<32x8x81920xf32, #tpu.memory_space<hbm>> -> memref<1x1x81920xf32, #tpu.memory_space<hbm>>
      %dma_start3A_59 = tpu.memref_squeeze %dma_start3A_58 : memref<1x1x81920xf32, #tpu.memory_space<hbm>> -> memref<81920xf32, #tpu.memory_space<hbm>>
      %dma_start3A_60 = arith.constant 0 : i32
      %dma_start3A_61 = tpu.memref_slice %arg13[%add3A, %run_scoped3A, %dma_start3A_60] : memref<32x8x81920xf32, #tpu.memory_space<hbm>> -> memref<1x1x81920xf32, #tpu.memory_space<hbm>>
      %dma_start3A_62 = tpu.memref_squeeze %dma_start3A_61 : memref<1x1x81920xf32, #tpu.memory_space<hbm>> -> memref<81920xf32, #tpu.memory_space<hbm>>
      tpu.enqueue_dma source(%arg17 : memref<81920xf32, #tpu.memory_space<vmem>>) target(%dma_start3A_62 : memref<81920xf32, #tpu.memory_space<hbm>>) target_semaphore(%run_scoped3A_57 : memref<!tpu.dma_semaphore, #tpu.memory_space<semaphore_mem>>)
      %dma_wait3A = arith.constant 0 : i32
      %dma_wait3A_63 = tpu.memref_slice %arg13[%add3A, %run_scoped3A, %dma_wait3A] : memref<32x8x81920xf32, #tpu.memory_space<hbm>> -> memref<1x1x81920xf32, #tpu.memory_space<hbm>>
      %dma_wait3A_64 = tpu.memref_squeeze %dma_wait3A_63 : memref<1x1x81920xf32, #tpu.memory_space<hbm>> -> memref<81920xf32, #tpu.memory_space<hbm>>
      %dma_wait3A_65 = arith.constant 0 : i32
      %dma_wait3A_66 = tpu.memref_slice %arg13[%add3A, %run_scoped3A, %dma_wait3A_65] : memref<32x8x81920xf32, #tpu.memory_space<hbm>> -> memref<1x1x81920xf32, #tpu.memory_space<hbm>>
      %dma_wait3A_67 = tpu.memref_squeeze %dma_wait3A_66 : memref<1x1x81920xf32, #tpu.memory_space<hbm>> -> memref<81920xf32, #tpu.memory_space<hbm>>
      tpu.wait_dma2 semaphore(%run_scoped3A_57 : memref<!tpu.dma_semaphore, #tpu.memory_space<semaphore_mem>>) src(%arg17 : memref<81920xf32, #tpu.memory_space<vmem>>) dst(%dma_wait3A_67 : memref<81920xf32, #tpu.memory_space<hbm>>)
      tpu.yield
    }) : () -> ()
    "tpu.region"() ({
      %run_scoped3A_57 = tpu.sem_alloc : memref<!tpu.dma_semaphore, #tpu.memory_space<semaphore_mem>>
      tpu.enqueue_dma source(%arg12 : memref<81920xf32, #tpu.memory_space<hbm>>) target(%arg17 : memref<81920xf32, #tpu.memory_space<vmem>>) target_semaphore(%run_scoped3A_57 : memref<!tpu.dma_semaphore, #tpu.memory_space<semaphore_mem>>)
      tpu.wait_dma2 semaphore(%run_scoped3A_57 : memref<!tpu.dma_semaphore, #tpu.memory_space<semaphore_mem>>) src(%arg12 : memref<81920xf32, #tpu.memory_space<hbm>>) dst(%arg17 : memref<81920xf32, #tpu.memory_space<vmem>>)
      tpu.yield
    }) : () -> ()
    %scan3A_8 = arith.constant 0 : i32
    %scan3A_9 = arith.constant 0 : i32
    %scan3A_10 = arith.constant 10 : i32
    %scan3A_11 = arith.addi %scan3A_9, %scan3A_10 : i32
    %scan3A_12 = arith.constant 1 : i32
    scf.for %scan3A_57 = %scan3A_9 to %scan3A_11 step %scan3A_12  : i32 {
      %mul3A_58 = arith.constant 1000 : i32
      %mul3A_59 = arith.muli %scan3A_57, %mul3A_58 : i32
      %add3A_60 = arith.addi %mul3A_2, %mul3A_59 : i32
      %mul3A_61 = arith.constant 8 : i32
      %mul3A_62 = arith.muli %add3A_60, %mul3A_61 : i32
      "tpu.region"() ({
        %run_scoped3A_69 = tpu.sem_alloc : memref<!tpu.dma_semaphore, #tpu.memory_space<semaphore_mem>>
        %dma_start3A = tpu.memref_slice %arg10[%mul3A_62] : memref<2560000xi32, #tpu.memory_space<hbm>> -> memref<8000xi32, #tpu.memory_space<hbm>>
        %dma_start3A_70 = tpu.memref_slice %arg10[%mul3A_62] : memref<2560000xi32, #tpu.memory_space<hbm>> -> memref<8000xi32, #tpu.memory_space<hbm>>
        tpu.enqueue_dma source(%dma_start3A_70 : memref<8000xi32, #tpu.memory_space<hbm>>) target(%arg14 : memref<8000xi32, #tpu.memory_space<vmem>>) target_semaphore(%run_scoped3A_69 : memref<!tpu.dma_semaphore, #tpu.memory_space<semaphore_mem>>)
        %dma_wait3A = tpu.memref_slice %arg10[%mul3A_62] : memref<2560000xi32, #tpu.memory_space<hbm>> -> memref<8000xi32, #tpu.memory_space<hbm>>
        %dma_wait3A_71 = tpu.memref_slice %arg10[%mul3A_62] : memref<2560000xi32, #tpu.memory_space<hbm>> -> memref<8000xi32, #tpu.memory_space<hbm>>
        tpu.wait_dma2 semaphore(%run_scoped3A_69 : memref<!tpu.dma_semaphore, #tpu.memory_space<semaphore_mem>>) src(%dma_wait3A_71 : memref<8000xi32, #tpu.memory_space<hbm>>) dst(%arg14 : memref<8000xi32, #tpu.memory_space<vmem>>)
        tpu.yield
      }) : () -> ()
      %mul3A_63 = arith.constant 8 : i32
      %mul3A_64 = arith.muli %add3A_60, %mul3A_63 : i32
      "tpu.region"() ({
        %run_scoped3A_69 = tpu.sem_alloc : memref<!tpu.dma_semaphore, #tpu.memory_space<semaphore_mem>>
        %dma_start3A = tpu.memref_slice %arg11[%mul3A_64] : memref<2560000xi32, #tpu.memory_space<hbm>> -> memref<8000xi32, #tpu.memory_space<hbm>>
        %dma_start3A_70 = tpu.memref_slice %arg11[%mul3A_64] : memref<2560000xi32, #tpu.memory_space<hbm>> -> memref<8000xi32, #tpu.memory_space<hbm>>
        tpu.enqueue_dma source(%dma_start3A_70 : memref<8000xi32, #tpu.memory_space<hbm>>) target(%arg15 : memref<8000xi32, #tpu.memory_space<vmem>>) target_semaphore(%run_scoped3A_69 : memref<!tpu.dma_semaphore, #tpu.memory_space<semaphore_mem>>)
        %dma_wait3A = tpu.memref_slice %arg11[%mul3A_64] : memref<2560000xi32, #tpu.memory_space<hbm>> -> memref<8000xi32, #tpu.memory_space<hbm>>
        %dma_wait3A_71 = tpu.memref_slice %arg11[%mul3A_64] : memref<2560000xi32, #tpu.memory_space<hbm>> -> memref<8000xi32, #tpu.memory_space<hbm>>
        tpu.wait_dma2 semaphore(%run_scoped3A_69 : memref<!tpu.dma_semaphore, #tpu.memory_space<semaphore_mem>>) src(%dma_wait3A_71 : memref<8000xi32, #tpu.memory_space<hbm>>) dst(%arg15 : memref<8000xi32, #tpu.memory_space<vmem>>)
        tpu.yield
      }) : () -> ()
      %mul3A_65 = arith.constant 8 : i32
      %mul3A_66 = arith.muli %add3A_60, %mul3A_65 : i32
      "tpu.region"() ({
        %run_scoped3A_69 = tpu.sem_alloc : memref<!tpu.dma_semaphore, #tpu.memory_space<semaphore_mem>>
        %dma_start3A = tpu.memref_slice %arg3[%mul3A_66] : memref<2560000xf32, #tpu.memory_space<hbm>> -> memref<8000xf32, #tpu.memory_space<hbm>>
        %dma_start3A_70 = tpu.memref_slice %arg3[%mul3A_66] : memref<2560000xf32, #tpu.memory_space<hbm>> -> memref<8000xf32, #tpu.memory_space<hbm>>
        tpu.enqueue_dma source(%dma_start3A_70 : memref<8000xf32, #tpu.memory_space<hbm>>) target(%arg16 : memref<8000xf32, #tpu.memory_space<vmem>>) target_semaphore(%run_scoped3A_69 : memref<!tpu.dma_semaphore, #tpu.memory_space<semaphore_mem>>)
        %dma_wait3A = tpu.memref_slice %arg3[%mul3A_66] : memref<2560000xf32, #tpu.memory_space<hbm>> -> memref<8000xf32, #tpu.memory_space<hbm>>
        %dma_wait3A_71 = tpu.memref_slice %arg3[%mul3A_66] : memref<2560000xf32, #tpu.memory_space<hbm>> -> memref<8000xf32, #tpu.memory_space<hbm>>
        tpu.wait_dma2 semaphore(%run_scoped3A_69 : memref<!tpu.dma_semaphore, #tpu.memory_space<semaphore_mem>>) src(%dma_wait3A_71 : memref<8000xf32, #tpu.memory_space<hbm>>) dst(%arg16 : memref<8000xf32, #tpu.memory_space<vmem>>)
        tpu.yield
      }) : () -> ()
      %parallel_loop3A = arith.constant 0 : i32
      %parallel_loop3A_67 = arith.constant 500 : i32
      %parallel_loop3A_68 = arith.constant 1 : i32
      scf.for %parallel_loop3A_69 = %parallel_loop3A to %parallel_loop3A_67 step %parallel_loop3A_68  : i32 {
        %parallel_loop3A_70 = arith.constant 16 : i32
        %parallel_loop3A_71 = arith.muli %parallel_loop3A_70, %parallel_loop3A_69 : i32
        %parallel_loop3A_72 = arith.index_cast %parallel_loop3A_71 : i32 to index
        %parallel_loop3A_73 = tpu.vector_load %arg14[%parallel_loop3A_72] {strides = array<i32>} : memref<8000xi32, #tpu.memory_space<vmem>>, vector<16xi32>,
        %parallel_loop3A_74 = arith.index_cast %parallel_loop3A_71 : i32 to index
        %parallel_loop3A_75 = tpu.vector_load %arg15[%parallel_loop3A_74] {strides = array<i32>} : memref<8000xi32, #tpu.memory_space<vmem>>, vector<16xi32>,
        %parallel_loop3A_76 = arith.constant 0 : i32
        %parallel_loop3A_77 = vector.broadcast %parallel_loop3A_76 : i32 to vector<16xi32>
        %parallel_loop3A_78 = arith.cmpi sgt, %parallel_loop3A_75, %parallel_loop3A_77 : vector<16xi32>
        %parallel_loop3A_79 = arith.index_cast %parallel_loop3A_71 : i32 to index
        %parallel_loop3A_80 = tpu.vector_load %arg16[%parallel_loop3A_79] {strides = array<i32>} : memref<8000xf32, #tpu.memory_space<vmem>>, vector<16xf32>,
        %parallel_loop3A_81 = arith.constant dense<true> : vector<16xi1>
        %parallel_loop3A_82 = arith.xori %parallel_loop3A_78, %parallel_loop3A_81 : vector<16xi1>
        tpu.vector_store_idx %arg17[%parallel_loop3A_73], %parallel_loop3A_80 masked %parallel_loop3A_82 {add = true} : memref<81920xf32, #tpu.memory_space<vmem>>[vector<16xi32>], vector<16xf32>, vector<16xi1>
        tpu.vector_store_idx %arg17[%parallel_loop3A_73], %parallel_loop3A_80 masked %parallel_loop3A_78 {add = true} : memref<81920xf32, #tpu.memory_space<vmem>>[vector<16xi32>], vector<16xf32>, vector<16xi1>
      } {sc.loop_unroll_factor = 8 : i64, sc.parallel_access}
    }
    %scan3A_13 = arith.constant 10 : i32
    %run_scoped3A_14 = arith.constant 1 : i32
    "tpu.region"() ({
      %run_scoped3A_57 = tpu.sem_alloc : memref<!tpu.dma_semaphore, #tpu.memory_space<semaphore_mem>>
      %dma_start3A = arith.constant 0 : i32
      %dma_start3A_58 = tpu.memref_slice %arg13[%add3A, %run_scoped3A_14, %dma_start3A] : memref<32x8x81920xf32, #tpu.memory_space<hbm>> -> memref<1x1x81920xf32, #tpu.memory_space<hbm>>
      %dma_start3A_59 = tpu.memref_squeeze %dma_start3A_58 : memref<1x1x81920xf32, #tpu.memory_space<hbm>> -> memref<81920xf32, #tpu.memory_space<hbm>>
      %dma_start3A_60 = arith.constant 0 : i32
      %dma_start3A_61 = tpu.memref_slice %arg13[%add3A, %run_scoped3A_14, %dma_start3A_60] : memref<32x8x81920xf32, #tpu.memory_space<hbm>> -> memref<1x1x81920xf32, #tpu.memory_space<hbm>>
      %dma_start3A_62 = tpu.memref_squeeze %dma_start3A_61 : memref<1x1x81920xf32, #tpu.memory_space<hbm>> -> memref<81920xf32, #tpu.memory_space<hbm>>
      tpu.enqueue_dma source(%arg17 : memref<81920xf32, #tpu.memory_space<vmem>>) target(%dma_start3A_62 : memref<81920xf32, #tpu.memory_space<hbm>>) target_semaphore(%run_scoped3A_57 : memref<!tpu.dma_semaphore, #tpu.memory_space<semaphore_mem>>)
      %dma_wait3A = arith.constant 0 : i32
      %dma_wait3A_63 = tpu.memref_slice %arg13[%add3A, %run_scoped3A_14, %dma_wait3A] : memref<32x8x81920xf32, #tpu.memory_space<hbm>> -> memref<1x1x81920xf32, #tpu.memory_space<hbm>>
      %dma_wait3A_64 = tpu.memref_squeeze %dma_wait3A_63 : memref<1x1x81920xf32, #tpu.memory_space<hbm>> -> memref<81920xf32, #tpu.memory_space<hbm>>
      %dma_wait3A_65 = arith.constant 0 : i32
      %dma_wait3A_66 = tpu.memref_slice %arg13[%add3A, %run_scoped3A_14, %dma_wait3A_65] : memref<32x8x81920xf32, #tpu.memory_space<hbm>> -> memref<1x1x81920xf32, #tpu.memory_space<hbm>>
      %dma_wait3A_67 = tpu.memref_squeeze %dma_wait3A_66 : memref<1x1x81920xf32, #tpu.memory_space<hbm>> -> memref<81920xf32, #tpu.memory_space<hbm>>
      tpu.wait_dma2 semaphore(%run_scoped3A_57 : memref<!tpu.dma_semaphore, #tpu.memory_space<semaphore_mem>>) src(%arg17 : memref<81920xf32, #tpu.memory_space<vmem>>) dst(%dma_wait3A_67 : memref<81920xf32, #tpu.memory_space<hbm>>)
      tpu.yield
    }) : () -> ()
    "tpu.region"() ({
      %run_scoped3A_57 = tpu.sem_alloc : memref<!tpu.dma_semaphore, #tpu.memory_space<semaphore_mem>>
      tpu.enqueue_dma source(%arg12 : memref<81920xf32, #tpu.memory_space<hbm>>) target(%arg17 : memref<81920xf32, #tpu.memory_space<vmem>>) target_semaphore(%run_scoped3A_57 : memref<!tpu.dma_semaphore, #tpu.memory_space<semaphore_mem>>)
      tpu.wait_dma2 semaphore(%run_scoped3A_57 : memref<!tpu.dma_semaphore, #tpu.memory_space<semaphore_mem>>) src(%arg12 : memref<81920xf32, #tpu.memory_space<hbm>>) dst(%arg17 : memref<81920xf32, #tpu.memory_space<vmem>>)
      tpu.yield
    }) : () -> ()
    %scan3A_15 = arith.constant 0 : i32
    %scan3A_16 = arith.constant 0 : i32
    %scan3A_17 = arith.constant 10 : i32
    %scan3A_18 = arith.addi %scan3A_16, %scan3A_17 : i32
    %scan3A_19 = arith.constant 1 : i32
    scf.for %scan3A_57 = %scan3A_16 to %scan3A_18 step %scan3A_19  : i32 {
      %mul3A_58 = arith.constant 1000 : i32
      %mul3A_59 = arith.muli %scan3A_57, %mul3A_58 : i32
      %add3A_60 = arith.addi %mul3A_2, %mul3A_59 : i32
      %mul3A_61 = arith.constant 8 : i32
      %mul3A_62 = arith.muli %add3A_60, %mul3A_61 : i32
      "tpu.region"() ({
        %run_scoped3A_69 = tpu.sem_alloc : memref<!tpu.dma_semaphore, #tpu.memory_space<semaphore_mem>>
        %dma_start3A = tpu.memref_slice %arg10[%mul3A_62] : memref<2560000xi32, #tpu.memory_space<hbm>> -> memref<8000xi32, #tpu.memory_space<hbm>>
        %dma_start3A_70 = tpu.memref_slice %arg10[%mul3A_62] : memref<2560000xi32, #tpu.memory_space<hbm>> -> memref<8000xi32, #tpu.memory_space<hbm>>
        tpu.enqueue_dma source(%dma_start3A_70 : memref<8000xi32, #tpu.memory_space<hbm>>) target(%arg14 : memref<8000xi32, #tpu.memory_space<vmem>>) target_semaphore(%run_scoped3A_69 : memref<!tpu.dma_semaphore, #tpu.memory_space<semaphore_mem>>)
        %dma_wait3A = tpu.memref_slice %arg10[%mul3A_62] : memref<2560000xi32, #tpu.memory_space<hbm>> -> memref<8000xi32, #tpu.memory_space<hbm>>
        %dma_wait3A_71 = tpu.memref_slice %arg10[%mul3A_62] : memref<2560000xi32, #tpu.memory_space<hbm>> -> memref<8000xi32, #tpu.memory_space<hbm>>
        tpu.wait_dma2 semaphore(%run_scoped3A_69 : memref<!tpu.dma_semaphore, #tpu.memory_space<semaphore_mem>>) src(%dma_wait3A_71 : memref<8000xi32, #tpu.memory_space<hbm>>) dst(%arg14 : memref<8000xi32, #tpu.memory_space<vmem>>)
        tpu.yield
      }) : () -> ()
      %mul3A_63 = arith.constant 8 : i32
      %mul3A_64 = arith.muli %add3A_60, %mul3A_63 : i32
      "tpu.region"() ({
        %run_scoped3A_69 = tpu.sem_alloc : memref<!tpu.dma_semaphore, #tpu.memory_space<semaphore_mem>>
        %dma_start3A = tpu.memref_slice %arg11[%mul3A_64] : memref<2560000xi32, #tpu.memory_space<hbm>> -> memref<8000xi32, #tpu.memory_space<hbm>>
        %dma_start3A_70 = tpu.memref_slice %arg11[%mul3A_64] : memref<2560000xi32, #tpu.memory_space<hbm>> -> memref<8000xi32, #tpu.memory_space<hbm>>
        tpu.enqueue_dma source(%dma_start3A_70 : memref<8000xi32, #tpu.memory_space<hbm>>) target(%arg15 : memref<8000xi32, #tpu.memory_space<vmem>>) target_semaphore(%run_scoped3A_69 : memref<!tpu.dma_semaphore, #tpu.memory_space<semaphore_mem>>)
        %dma_wait3A = tpu.memref_slice %arg11[%mul3A_64] : memref<2560000xi32, #tpu.memory_space<hbm>> -> memref<8000xi32, #tpu.memory_space<hbm>>
        %dma_wait3A_71 = tpu.memref_slice %arg11[%mul3A_64] : memref<2560000xi32, #tpu.memory_space<hbm>> -> memref<8000xi32, #tpu.memory_space<hbm>>
        tpu.wait_dma2 semaphore(%run_scoped3A_69 : memref<!tpu.dma_semaphore, #tpu.memory_space<semaphore_mem>>) src(%dma_wait3A_71 : memref<8000xi32, #tpu.memory_space<hbm>>) dst(%arg15 : memref<8000xi32, #tpu.memory_space<vmem>>)
        tpu.yield
      }) : () -> ()
      %mul3A_65 = arith.constant 8 : i32
      %mul3A_66 = arith.muli %add3A_60, %mul3A_65 : i32
      "tpu.region"() ({
        %run_scoped3A_69 = tpu.sem_alloc : memref<!tpu.dma_semaphore, #tpu.memory_space<semaphore_mem>>
        %dma_start3A = tpu.memref_slice %arg4[%mul3A_66] : memref<2560000xf32, #tpu.memory_space<hbm>> -> memref<8000xf32, #tpu.memory_space<hbm>>
        %dma_start3A_70 = tpu.memref_slice %arg4[%mul3A_66] : memref<2560000xf32, #tpu.memory_space<hbm>> -> memref<8000xf32, #tpu.memory_space<hbm>>
        tpu.enqueue_dma source(%dma_start3A_70 : memref<8000xf32, #tpu.memory_space<hbm>>) target(%arg16 : memref<8000xf32, #tpu.memory_space<vmem>>) target_semaphore(%run_scoped3A_69 : memref<!tpu.dma_semaphore, #tpu.memory_space<semaphore_mem>>)
        %dma_wait3A = tpu.memref_slice %arg4[%mul3A_66] : memref<2560000xf32, #tpu.memory_space<hbm>> -> memref<8000xf32, #tpu.memory_space<hbm>>
        %dma_wait3A_71 = tpu.memref_slice %arg4[%mul3A_66] : memref<2560000xf32, #tpu.memory_space<hbm>> -> memref<8000xf32, #tpu.memory_space<hbm>>
        tpu.wait_dma2 semaphore(%run_scoped3A_69 : memref<!tpu.dma_semaphore, #tpu.memory_space<semaphore_mem>>) src(%dma_wait3A_71 : memref<8000xf32, #tpu.memory_space<hbm>>) dst(%arg16 : memref<8000xf32, #tpu.memory_space<vmem>>)
        tpu.yield
      }) : () -> ()
      %parallel_loop3A = arith.constant 0 : i32
      %parallel_loop3A_67 = arith.constant 500 : i32
      %parallel_loop3A_68 = arith.constant 1 : i32
      scf.for %parallel_loop3A_69 = %parallel_loop3A to %parallel_loop3A_67 step %parallel_loop3A_68  : i32 {
        %parallel_loop3A_70 = arith.constant 16 : i32
        %parallel_loop3A_71 = arith.muli %parallel_loop3A_70, %parallel_loop3A_69 : i32
        %parallel_loop3A_72 = arith.index_cast %parallel_loop3A_71 : i32 to index
        %parallel_loop3A_73 = tpu.vector_load %arg14[%parallel_loop3A_72] {strides = array<i32>} : memref<8000xi32, #tpu.memory_space<vmem>>, vector<16xi32>,
        %parallel_loop3A_74 = arith.index_cast %parallel_loop3A_71 : i32 to index
        %parallel_loop3A_75 = tpu.vector_load %arg15[%parallel_loop3A_74] {strides = array<i32>} : memref<8000xi32, #tpu.memory_space<vmem>>, vector<16xi32>,
        %parallel_loop3A_76 = arith.constant 0 : i32
        %parallel_loop3A_77 = vector.broadcast %parallel_loop3A_76 : i32 to vector<16xi32>
        %parallel_loop3A_78 = arith.cmpi sgt, %parallel_loop3A_75, %parallel_loop3A_77 : vector<16xi32>
        %parallel_loop3A_79 = arith.index_cast %parallel_loop3A_71 : i32 to index
        %parallel_loop3A_80 = tpu.vector_load %arg16[%parallel_loop3A_79] {strides = array<i32>} : memref<8000xf32, #tpu.memory_space<vmem>>, vector<16xf32>,
        %parallel_loop3A_81 = arith.constant dense<true> : vector<16xi1>
        %parallel_loop3A_82 = arith.xori %parallel_loop3A_78, %parallel_loop3A_81 : vector<16xi1>
        tpu.vector_store_idx %arg17[%parallel_loop3A_73], %parallel_loop3A_80 masked %parallel_loop3A_82 {add = true} : memref<81920xf32, #tpu.memory_space<vmem>>[vector<16xi32>], vector<16xf32>, vector<16xi1>
        tpu.vector_store_idx %arg17[%parallel_loop3A_73], %parallel_loop3A_80 masked %parallel_loop3A_78 {add = true} : memref<81920xf32, #tpu.memory_space<vmem>>[vector<16xi32>], vector<16xf32>, vector<16xi1>
      } {sc.loop_unroll_factor = 8 : i64, sc.parallel_access}
    }
    %scan3A_20 = arith.constant 10 : i32
    %run_scoped3A_21 = arith.constant 2 : i32
    "tpu.region"() ({
      %run_scoped3A_57 = tpu.sem_alloc : memref<!tpu.dma_semaphore, #tpu.memory_space<semaphore_mem>>
      %dma_start3A = arith.constant 0 : i32
      %dma_start3A_58 = tpu.memref_slice %arg13[%add3A, %run_scoped3A_21, %dma_start3A] : memref<32x8x81920xf32, #tpu.memory_space<hbm>> -> memref<1x1x81920xf32, #tpu.memory_space<hbm>>
      %dma_start3A_59 = tpu.memref_squeeze %dma_start3A_58 : memref<1x1x81920xf32, #tpu.memory_space<hbm>> -> memref<81920xf32, #tpu.memory_space<hbm>>
      %dma_start3A_60 = arith.constant 0 : i32
      %dma_start3A_61 = tpu.memref_slice %arg13[%add3A, %run_scoped3A_21, %dma_start3A_60] : memref<32x8x81920xf32, #tpu.memory_space<hbm>> -> memref<1x1x81920xf32, #tpu.memory_space<hbm>>
      %dma_start3A_62 = tpu.memref_squeeze %dma_start3A_61 : memref<1x1x81920xf32, #tpu.memory_space<hbm>> -> memref<81920xf32, #tpu.memory_space<hbm>>
      tpu.enqueue_dma source(%arg17 : memref<81920xf32, #tpu.memory_space<vmem>>) target(%dma_start3A_62 : memref<81920xf32, #tpu.memory_space<hbm>>) target_semaphore(%run_scoped3A_57 : memref<!tpu.dma_semaphore, #tpu.memory_space<semaphore_mem>>)
      %dma_wait3A = arith.constant 0 : i32
      %dma_wait3A_63 = tpu.memref_slice %arg13[%add3A, %run_scoped3A_21, %dma_wait3A] : memref<32x8x81920xf32, #tpu.memory_space<hbm>> -> memref<1x1x81920xf32, #tpu.memory_space<hbm>>
      %dma_wait3A_64 = tpu.memref_squeeze %dma_wait3A_63 : memref<1x1x81920xf32, #tpu.memory_space<hbm>> -> memref<81920xf32, #tpu.memory_space<hbm>>
      %dma_wait3A_65 = arith.constant 0 : i32
      %dma_wait3A_66 = tpu.memref_slice %arg13[%add3A, %run_scoped3A_21, %dma_wait3A_65] : memref<32x8x81920xf32, #tpu.memory_space<hbm>> -> memref<1x1x81920xf32, #tpu.memory_space<hbm>>
      %dma_wait3A_67 = tpu.memref_squeeze %dma_wait3A_66 : memref<1x1x81920xf32, #tpu.memory_space<hbm>> -> memref<81920xf32, #tpu.memory_space<hbm>>
      tpu.wait_dma2 semaphore(%run_scoped3A_57 : memref<!tpu.dma_semaphore, #tpu.memory_space<semaphore_mem>>) src(%arg17 : memref<81920xf32, #tpu.memory_space<vmem>>) dst(%dma_wait3A_67 : memref<81920xf32, #tpu.memory_space<hbm>>)
      tpu.yield
    }) : () -> ()
    "tpu.region"() ({
      %run_scoped3A_57 = tpu.sem_alloc : memref<!tpu.dma_semaphore, #tpu.memory_space<semaphore_mem>>
      tpu.enqueue_dma source(%arg12 : memref<81920xf32, #tpu.memory_space<hbm>>) target(%arg17 : memref<81920xf32, #tpu.memory_space<vmem>>) target_semaphore(%run_scoped3A_57 : memref<!tpu.dma_semaphore, #tpu.memory_space<semaphore_mem>>)
      tpu.wait_dma2 semaphore(%run_scoped3A_57 : memref<!tpu.dma_semaphore, #tpu.memory_space<semaphore_mem>>) src(%arg12 : memref<81920xf32, #tpu.memory_space<hbm>>) dst(%arg17 : memref<81920xf32, #tpu.memory_space<vmem>>)
      tpu.yield
    }) : () -> ()
    %scan3A_22 = arith.constant 0 : i32
    %scan3A_23 = arith.constant 0 : i32
    %scan3A_24 = arith.constant 10 : i32
    %scan3A_25 = arith.addi %scan3A_23, %scan3A_24 : i32
    %scan3A_26 = arith.constant 1 : i32
    scf.for %scan3A_57 = %scan3A_23 to %scan3A_25 step %scan3A_26  : i32 {
      %mul3A_58 = arith.constant 1000 : i32
      %mul3A_59 = arith.muli %scan3A_57, %mul3A_58 : i32
      %add3A_60 = arith.addi %mul3A_2, %mul3A_59 : i32
      %mul3A_61 = arith.constant 8 : i32
      %mul3A_62 = arith.muli %add3A_60, %mul3A_61 : i32
      "tpu.region"() ({
        %run_scoped3A_69 = tpu.sem_alloc : memref<!tpu.dma_semaphore, #tpu.memory_space<semaphore_mem>>
        %dma_start3A = tpu.memref_slice %arg10[%mul3A_62] : memref<2560000xi32, #tpu.memory_space<hbm>> -> memref<8000xi32, #tpu.memory_space<hbm>>
        %dma_start3A_70 = tpu.memref_slice %arg10[%mul3A_62] : memref<2560000xi32, #tpu.memory_space<hbm>> -> memref<8000xi32, #tpu.memory_space<hbm>>
        tpu.enqueue_dma source(%dma_start3A_70 : memref<8000xi32, #tpu.memory_space<hbm>>) target(%arg14 : memref<8000xi32, #tpu.memory_space<vmem>>) target_semaphore(%run_scoped3A_69 : memref<!tpu.dma_semaphore, #tpu.memory_space<semaphore_mem>>)
        %dma_wait3A = tpu.memref_slice %arg10[%mul3A_62] : memref<2560000xi32, #tpu.memory_space<hbm>> -> memref<8000xi32, #tpu.memory_space<hbm>>
        %dma_wait3A_71 = tpu.memref_slice %arg10[%mul3A_62] : memref<2560000xi32, #tpu.memory_space<hbm>> -> memref<8000xi32, #tpu.memory_space<hbm>>
        tpu.wait_dma2 semaphore(%run_scoped3A_69 : memref<!tpu.dma_semaphore, #tpu.memory_space<semaphore_mem>>) src(%dma_wait3A_71 : memref<8000xi32, #tpu.memory_space<hbm>>) dst(%arg14 : memref<8000xi32, #tpu.memory_space<vmem>>)
        tpu.yield
      }) : () -> ()
      %mul3A_63 = arith.constant 8 : i32
      %mul3A_64 = arith.muli %add3A_60, %mul3A_63 : i32
      "tpu.region"() ({
        %run_scoped3A_69 = tpu.sem_alloc : memref<!tpu.dma_semaphore, #tpu.memory_space<semaphore_mem>>
        %dma_start3A = tpu.memref_slice %arg11[%mul3A_64] : memref<2560000xi32, #tpu.memory_space<hbm>> -> memref<8000xi32, #tpu.memory_space<hbm>>
        %dma_start3A_70 = tpu.memref_slice %arg11[%mul3A_64] : memref<2560000xi32, #tpu.memory_space<hbm>> -> memref<8000xi32, #tpu.memory_space<hbm>>
        tpu.enqueue_dma source(%dma_start3A_70 : memref<8000xi32, #tpu.memory_space<hbm>>) target(%arg15 : memref<8000xi32, #tpu.memory_space<vmem>>) target_semaphore(%run_scoped3A_69 : memref<!tpu.dma_semaphore, #tpu.memory_space<semaphore_mem>>)
        %dma_wait3A = tpu.memref_slice %arg11[%mul3A_64] : memref<2560000xi32, #tpu.memory_space<hbm>> -> memref<8000xi32, #tpu.memory_space<hbm>>
        %dma_wait3A_71 = tpu.memref_slice %arg11[%mul3A_64] : memref<2560000xi32, #tpu.memory_space<hbm>> -> memref<8000xi32, #tpu.memory_space<hbm>>
        tpu.wait_dma2 semaphore(%run_scoped3A_69 : memref<!tpu.dma_semaphore, #tpu.memory_space<semaphore_mem>>) src(%dma_wait3A_71 : memref<8000xi32, #tpu.memory_space<hbm>>) dst(%arg15 : memref<8000xi32, #tpu.memory_space<vmem>>)
        tpu.yield
      }) : () -> ()
      %mul3A_65 = arith.constant 8 : i32
      %mul3A_66 = arith.muli %add3A_60, %mul3A_65 : i32
      "tpu.region"() ({
        %run_scoped3A_69 = tpu.sem_alloc : memref<!tpu.dma_semaphore, #tpu.memory_space<semaphore_mem>>
        %dma_start3A = tpu.memref_slice %arg5[%mul3A_66] : memref<2560000xf32, #tpu.memory_space<hbm>> -> memref<8000xf32, #tpu.memory_space<hbm>>
        %dma_start3A_70 = tpu.memref_slice %arg5[%mul3A_66] : memref<2560000xf32, #tpu.memory_space<hbm>> -> memref<8000xf32, #tpu.memory_space<hbm>>
        tpu.enqueue_dma source(%dma_start3A_70 : memref<8000xf32, #tpu.memory_space<hbm>>) target(%arg16 : memref<8000xf32, #tpu.memory_space<vmem>>) target_semaphore(%run_scoped3A_69 : memref<!tpu.dma_semaphore, #tpu.memory_space<semaphore_mem>>)
        %dma_wait3A = tpu.memref_slice %arg5[%mul3A_66] : memref<2560000xf32, #tpu.memory_space<hbm>> -> memref<8000xf32, #tpu.memory_space<hbm>>
        %dma_wait3A_71 = tpu.memref_slice %arg5[%mul3A_66] : memref<2560000xf32, #tpu.memory_space<hbm>> -> memref<8000xf32, #tpu.memory_space<hbm>>
        tpu.wait_dma2 semaphore(%run_scoped3A_69 : memref<!tpu.dma_semaphore, #tpu.memory_space<semaphore_mem>>) src(%dma_wait3A_71 : memref<8000xf32, #tpu.memory_space<hbm>>) dst(%arg16 : memref<8000xf32, #tpu.memory_space<vmem>>)
        tpu.yield
      }) : () -> ()
      %parallel_loop3A = arith.constant 0 : i32
      %parallel_loop3A_67 = arith.constant 500 : i32
      %parallel_loop3A_68 = arith.constant 1 : i32
      scf.for %parallel_loop3A_69 = %parallel_loop3A to %parallel_loop3A_67 step %parallel_loop3A_68  : i32 {
        %parallel_loop3A_70 = arith.constant 16 : i32
        %parallel_loop3A_71 = arith.muli %parallel_loop3A_70, %parallel_loop3A_69 : i32
        %parallel_loop3A_72 = arith.index_cast %parallel_loop3A_71 : i32 to index
        %parallel_loop3A_73 = tpu.vector_load %arg14[%parallel_loop3A_72] {strides = array<i32>} : memref<8000xi32, #tpu.memory_space<vmem>>, vector<16xi32>,
        %parallel_loop3A_74 = arith.index_cast %parallel_loop3A_71 : i32 to index
        %parallel_loop3A_75 = tpu.vector_load %arg15[%parallel_loop3A_74] {strides = array<i32>} : memref<8000xi32, #tpu.memory_space<vmem>>, vector<16xi32>,
        %parallel_loop3A_76 = arith.constant 0 : i32
        %parallel_loop3A_77 = vector.broadcast %parallel_loop3A_76 : i32 to vector<16xi32>
        %parallel_loop3A_78 = arith.cmpi sgt, %parallel_loop3A_75, %parallel_loop3A_77 : vector<16xi32>
        %parallel_loop3A_79 = arith.index_cast %parallel_loop3A_71 : i32 to index
        %parallel_loop3A_80 = tpu.vector_load %arg16[%parallel_loop3A_79] {strides = array<i32>} : memref<8000xf32, #tpu.memory_space<vmem>>, vector<16xf32>,
        %parallel_loop3A_81 = arith.constant dense<true> : vector<16xi1>
        %parallel_loop3A_82 = arith.xori %parallel_loop3A_78, %parallel_loop3A_81 : vector<16xi1>
        tpu.vector_store_idx %arg17[%parallel_loop3A_73], %parallel_loop3A_80 masked %parallel_loop3A_82 {add = true} : memref<81920xf32, #tpu.memory_space<vmem>>[vector<16xi32>], vector<16xf32>, vector<16xi1>
        tpu.vector_store_idx %arg17[%parallel_loop3A_73], %parallel_loop3A_80 masked %parallel_loop3A_78 {add = true} : memref<81920xf32, #tpu.memory_space<vmem>>[vector<16xi32>], vector<16xf32>, vector<16xi1>
      } {sc.loop_unroll_factor = 8 : i64, sc.parallel_access}
    }
    %scan3A_27 = arith.constant 10 : i32
    %run_scoped3A_28 = arith.constant 3 : i32
    "tpu.region"() ({
      %run_scoped3A_57 = tpu.sem_alloc : memref<!tpu.dma_semaphore, #tpu.memory_space<semaphore_mem>>
      %dma_start3A = arith.constant 0 : i32
      %dma_start3A_58 = tpu.memref_slice %arg13[%add3A, %run_scoped3A_28, %dma_start3A] : memref<32x8x81920xf32, #tpu.memory_space<hbm>> -> memref<1x1x81920xf32, #tpu.memory_space<hbm>>
      %dma_start3A_59 = tpu.memref_squeeze %dma_start3A_58 : memref<1x1x81920xf32, #tpu.memory_space<hbm>> -> memref<81920xf32, #tpu.memory_space<hbm>>
      %dma_start3A_60 = arith.constant 0 : i32
      %dma_start3A_61 = tpu.memref_slice %arg13[%add3A, %run_scoped3A_28, %dma_start3A_60] : memref<32x8x81920xf32, #tpu.memory_space<hbm>> -> memref<1x1x81920xf32, #tpu.memory_space<hbm>>
      %dma_start3A_62 = tpu.memref_squeeze %dma_start3A_61 : memref<1x1x81920xf32, #tpu.memory_space<hbm>> -> memref<81920xf32, #tpu.memory_space<hbm>>
      tpu.enqueue_dma source(%arg17 : memref<81920xf32, #tpu.memory_space<vmem>>) target(%dma_start3A_62 : memref<81920xf32, #tpu.memory_space<hbm>>) target_semaphore(%run_scoped3A_57 : memref<!tpu.dma_semaphore, #tpu.memory_space<semaphore_mem>>)
      %dma_wait3A = arith.constant 0 : i32
      %dma_wait3A_63 = tpu.memref_slice %arg13[%add3A, %run_scoped3A_28, %dma_wait3A] : memref<32x8x81920xf32, #tpu.memory_space<hbm>> -> memref<1x1x81920xf32, #tpu.memory_space<hbm>>
      %dma_wait3A_64 = tpu.memref_squeeze %dma_wait3A_63 : memref<1x1x81920xf32, #tpu.memory_space<hbm>> -> memref<81920xf32, #tpu.memory_space<hbm>>
      %dma_wait3A_65 = arith.constant 0 : i32
      %dma_wait3A_66 = tpu.memref_slice %arg13[%add3A, %run_scoped3A_28, %dma_wait3A_65] : memref<32x8x81920xf32, #tpu.memory_space<hbm>> -> memref<1x1x81920xf32, #tpu.memory_space<hbm>>
      %dma_wait3A_67 = tpu.memref_squeeze %dma_wait3A_66 : memref<1x1x81920xf32, #tpu.memory_space<hbm>> -> memref<81920xf32, #tpu.memory_space<hbm>>
      tpu.wait_dma2 semaphore(%run_scoped3A_57 : memref<!tpu.dma_semaphore, #tpu.memory_space<semaphore_mem>>) src(%arg17 : memref<81920xf32, #tpu.memory_space<vmem>>) dst(%dma_wait3A_67 : memref<81920xf32, #tpu.memory_space<hbm>>)
      tpu.yield
    }) : () -> ()
    "tpu.region"() ({
      %run_scoped3A_57 = tpu.sem_alloc : memref<!tpu.dma_semaphore, #tpu.memory_space<semaphore_mem>>
      tpu.enqueue_dma source(%arg12 : memref<81920xf32, #tpu.memory_space<hbm>>) target(%arg17 : memref<81920xf32, #tpu.memory_space<vmem>>) target_semaphore(%run_scoped3A_57 : memref<!tpu.dma_semaphore, #tpu.memory_space<semaphore_mem>>)
      tpu.wait_dma2 semaphore(%run_scoped3A_57 : memref<!tpu.dma_semaphore, #tpu.memory_space<semaphore_mem>>) src(%arg12 : memref<81920xf32, #tpu.memory_space<hbm>>) dst(%arg17 : memref<81920xf32, #tpu.memory_space<vmem>>)
      tpu.yield
    }) : () -> ()
    %scan3A_29 = arith.constant 0 : i32
    %scan3A_30 = arith.constant 0 : i32
    %scan3A_31 = arith.constant 10 : i32
    %scan3A_32 = arith.addi %scan3A_30, %scan3A_31 : i32
    %scan3A_33 = arith.constant 1 : i32
    scf.for %scan3A_57 = %scan3A_30 to %scan3A_32 step %scan3A_33  : i32 {
      %mul3A_58 = arith.constant 1000 : i32
      %mul3A_59 = arith.muli %scan3A_57, %mul3A_58 : i32
      %add3A_60 = arith.addi %mul3A_2, %mul3A_59 : i32
      %mul3A_61 = arith.constant 8 : i32
      %mul3A_62 = arith.muli %add3A_60, %mul3A_61 : i32
      "tpu.region"() ({
        %run_scoped3A_69 = tpu.sem_alloc : memref<!tpu.dma_semaphore, #tpu.memory_space<semaphore_mem>>
        %dma_start3A = tpu.memref_slice %arg10[%mul3A_62] : memref<2560000xi32, #tpu.memory_space<hbm>> -> memref<8000xi32, #tpu.memory_space<hbm>>
        %dma_start3A_70 = tpu.memref_slice %arg10[%mul3A_62] : memref<2560000xi32, #tpu.memory_space<hbm>> -> memref<8000xi32, #tpu.memory_space<hbm>>
        tpu.enqueue_dma source(%dma_start3A_70 : memref<8000xi32, #tpu.memory_space<hbm>>) target(%arg14 : memref<8000xi32, #tpu.memory_space<vmem>>) target_semaphore(%run_scoped3A_69 : memref<!tpu.dma_semaphore, #tpu.memory_space<semaphore_mem>>)
        %dma_wait3A = tpu.memref_slice %arg10[%mul3A_62] : memref<2560000xi32, #tpu.memory_space<hbm>> -> memref<8000xi32, #tpu.memory_space<hbm>>
        %dma_wait3A_71 = tpu.memref_slice %arg10[%mul3A_62] : memref<2560000xi32, #tpu.memory_space<hbm>> -> memref<8000xi32, #tpu.memory_space<hbm>>
        tpu.wait_dma2 semaphore(%run_scoped3A_69 : memref<!tpu.dma_semaphore, #tpu.memory_space<semaphore_mem>>) src(%dma_wait3A_71 : memref<8000xi32, #tpu.memory_space<hbm>>) dst(%arg14 : memref<8000xi32, #tpu.memory_space<vmem>>)
        tpu.yield
      }) : () -> ()
      %mul3A_63 = arith.constant 8 : i32
      %mul3A_64 = arith.muli %add3A_60, %mul3A_63 : i32
      "tpu.region"() ({
        %run_scoped3A_69 = tpu.sem_alloc : memref<!tpu.dma_semaphore, #tpu.memory_space<semaphore_mem>>
        %dma_start3A = tpu.memref_slice %arg11[%mul3A_64] : memref<2560000xi32, #tpu.memory_space<hbm>> -> memref<8000xi32, #tpu.memory_space<hbm>>
        %dma_start3A_70 = tpu.memref_slice %arg11[%mul3A_64] : memref<2560000xi32, #tpu.memory_space<hbm>> -> memref<8000xi32, #tpu.memory_space<hbm>>
        tpu.enqueue_dma source(%dma_start3A_70 : memref<8000xi32, #tpu.memory_space<hbm>>) target(%arg15 : memref<8000xi32, #tpu.memory_space<vmem>>) target_semaphore(%run_scoped3A_69 : memref<!tpu.dma_semaphore, #tpu.memory_space<semaphore_mem>>)
        %dma_wait3A = tpu.memref_slice %arg11[%mul3A_64] : memref<2560000xi32, #tpu.memory_space<hbm>> -> memref<8000xi32, #tpu.memory_space<hbm>>
        %dma_wait3A_71 = tpu.memref_slice %arg11[%mul3A_64] : memref<2560000xi32, #tpu.memory_space<hbm>> -> memref<8000xi32, #tpu.memory_space<hbm>>
        tpu.wait_dma2 semaphore(%run_scoped3A_69 : memref<!tpu.dma_semaphore, #tpu.memory_space<semaphore_mem>>) src(%dma_wait3A_71 : memref<8000xi32, #tpu.memory_space<hbm>>) dst(%arg15 : memref<8000xi32, #tpu.memory_space<vmem>>)
        tpu.yield
      }) : () -> ()
      %mul3A_65 = arith.constant 8 : i32
      %mul3A_66 = arith.muli %add3A_60, %mul3A_65 : i32
      "tpu.region"() ({
        %run_scoped3A_69 = tpu.sem_alloc : memref<!tpu.dma_semaphore, #tpu.memory_space<semaphore_mem>>
        %dma_start3A = tpu.memref_slice %arg6[%mul3A_66] : memref<2560000xf32, #tpu.memory_space<hbm>> -> memref<8000xf32, #tpu.memory_space<hbm>>
        %dma_start3A_70 = tpu.memref_slice %arg6[%mul3A_66] : memref<2560000xf32, #tpu.memory_space<hbm>> -> memref<8000xf32, #tpu.memory_space<hbm>>
        tpu.enqueue_dma source(%dma_start3A_70 : memref<8000xf32, #tpu.memory_space<hbm>>) target(%arg16 : memref<8000xf32, #tpu.memory_space<vmem>>) target_semaphore(%run_scoped3A_69 : memref<!tpu.dma_semaphore, #tpu.memory_space<semaphore_mem>>)
        %dma_wait3A = tpu.memref_slice %arg6[%mul3A_66] : memref<2560000xf32, #tpu.memory_space<hbm>> -> memref<8000xf32, #tpu.memory_space<hbm>>
        %dma_wait3A_71 = tpu.memref_slice %arg6[%mul3A_66] : memref<2560000xf32, #tpu.memory_space<hbm>> -> memref<8000xf32, #tpu.memory_space<hbm>>
        tpu.wait_dma2 semaphore(%run_scoped3A_69 : memref<!tpu.dma_semaphore, #tpu.memory_space<semaphore_mem>>) src(%dma_wait3A_71 : memref<8000xf32, #tpu.memory_space<hbm>>) dst(%arg16 : memref<8000xf32, #tpu.memory_space<vmem>>)
        tpu.yield
      }) : () -> ()
      %parallel_loop3A = arith.constant 0 : i32
      %parallel_loop3A_67 = arith.constant 500 : i32
      %parallel_loop3A_68 = arith.constant 1 : i32
      scf.for %parallel_loop3A_69 = %parallel_loop3A to %parallel_loop3A_67 step %parallel_loop3A_68  : i32 {
        %parallel_loop3A_70 = arith.constant 16 : i32
        %parallel_loop3A_71 = arith.muli %parallel_loop3A_70, %parallel_loop3A_69 : i32
        %parallel_loop3A_72 = arith.index_cast %parallel_loop3A_71 : i32 to index
        %parallel_loop3A_73 = tpu.vector_load %arg14[%parallel_loop3A_72] {strides = array<i32>} : memref<8000xi32, #tpu.memory_space<vmem>>, vector<16xi32>,
        %parallel_loop3A_74 = arith.index_cast %parallel_loop3A_71 : i32 to index
        %parallel_loop3A_75 = tpu.vector_load %arg15[%parallel_loop3A_74] {strides = array<i32>} : memref<8000xi32, #tpu.memory_space<vmem>>, vector<16xi32>,
        %parallel_loop3A_76 = arith.constant 0 : i32
        %parallel_loop3A_77 = vector.broadcast %parallel_loop3A_76 : i32 to vector<16xi32>
        %parallel_loop3A_78 = arith.cmpi sgt, %parallel_loop3A_75, %parallel_loop3A_77 : vector<16xi32>
        %parallel_loop3A_79 = arith.index_cast %parallel_loop3A_71 : i32 to index
        %parallel_loop3A_80 = tpu.vector_load %arg16[%parallel_loop3A_79] {strides = array<i32>} : memref<8000xf32, #tpu.memory_space<vmem>>, vector<16xf32>,
        %parallel_loop3A_81 = arith.constant dense<true> : vector<16xi1>
        %parallel_loop3A_82 = arith.xori %parallel_loop3A_78, %parallel_loop3A_81 : vector<16xi1>
        tpu.vector_store_idx %arg17[%parallel_loop3A_73], %parallel_loop3A_80 masked %parallel_loop3A_82 {add = true} : memref<81920xf32, #tpu.memory_space<vmem>>[vector<16xi32>], vector<16xf32>, vector<16xi1>
        tpu.vector_store_idx %arg17[%parallel_loop3A_73], %parallel_loop3A_80 masked %parallel_loop3A_78 {add = true} : memref<81920xf32, #tpu.memory_space<vmem>>[vector<16xi32>], vector<16xf32>, vector<16xi1>
      } {sc.loop_unroll_factor = 8 : i64, sc.parallel_access}
    }
    %scan3A_34 = arith.constant 10 : i32
    %run_scoped3A_35 = arith.constant 4 : i32
    "tpu.region"() ({
      %run_scoped3A_57 = tpu.sem_alloc : memref<!tpu.dma_semaphore, #tpu.memory_space<semaphore_mem>>
      %dma_start3A = arith.constant 0 : i32
      %dma_start3A_58 = tpu.memref_slice %arg13[%add3A, %run_scoped3A_35, %dma_start3A] : memref<32x8x81920xf32, #tpu.memory_space<hbm>> -> memref<1x1x81920xf32, #tpu.memory_space<hbm>>
      %dma_start3A_59 = tpu.memref_squeeze %dma_start3A_58 : memref<1x1x81920xf32, #tpu.memory_space<hbm>> -> memref<81920xf32, #tpu.memory_space<hbm>>
      %dma_start3A_60 = arith.constant 0 : i32
      %dma_start3A_61 = tpu.memref_slice %arg13[%add3A, %run_scoped3A_35, %dma_start3A_60] : memref<32x8x81920xf32, #tpu.memory_space<hbm>> -> memref<1x1x81920xf32, #tpu.memory_space<hbm>>
      %dma_start3A_62 = tpu.memref_squeeze %dma_start3A_61 : memref<1x1x81920xf32, #tpu.memory_space<hbm>> -> memref<81920xf32, #tpu.memory_space<hbm>>
      tpu.enqueue_dma source(%arg17 : memref<81920xf32, #tpu.memory_space<vmem>>) target(%dma_start3A_62 : memref<81920xf32, #tpu.memory_space<hbm>>) target_semaphore(%run_scoped3A_57 : memref<!tpu.dma_semaphore, #tpu.memory_space<semaphore_mem>>)
      %dma_wait3A = arith.constant 0 : i32
      %dma_wait3A_63 = tpu.memref_slice %arg13[%add3A, %run_scoped3A_35, %dma_wait3A] : memref<32x8x81920xf32, #tpu.memory_space<hbm>> -> memref<1x1x81920xf32, #tpu.memory_space<hbm>>
      %dma_wait3A_64 = tpu.memref_squeeze %dma_wait3A_63 : memref<1x1x81920xf32, #tpu.memory_space<hbm>> -> memref<81920xf32, #tpu.memory_space<hbm>>
      %dma_wait3A_65 = arith.constant 0 : i32
      %dma_wait3A_66 = tpu.memref_slice %arg13[%add3A, %run_scoped3A_35, %dma_wait3A_65] : memref<32x8x81920xf32, #tpu.memory_space<hbm>> -> memref<1x1x81920xf32, #tpu.memory_space<hbm>>
      %dma_wait3A_67 = tpu.memref_squeeze %dma_wait3A_66 : memref<1x1x81920xf32, #tpu.memory_space<hbm>> -> memref<81920xf32, #tpu.memory_space<hbm>>
      tpu.wait_dma2 semaphore(%run_scoped3A_57 : memref<!tpu.dma_semaphore, #tpu.memory_space<semaphore_mem>>) src(%arg17 : memref<81920xf32, #tpu.memory_space<vmem>>) dst(%dma_wait3A_67 : memref<81920xf32, #tpu.memory_space<hbm>>)
      tpu.yield
    }) : () -> ()
    "tpu.region"() ({
      %run_scoped3A_57 = tpu.sem_alloc : memref<!tpu.dma_semaphore, #tpu.memory_space<semaphore_mem>>
      tpu.enqueue_dma source(%arg12 : memref<81920xf32, #tpu.memory_space<hbm>>) target(%arg17 : memref<81920xf32, #tpu.memory_space<vmem>>) target_semaphore(%run_scoped3A_57 : memref<!tpu.dma_semaphore, #tpu.memory_space<semaphore_mem>>)
      tpu.wait_dma2 semaphore(%run_scoped3A_57 : memref<!tpu.dma_semaphore, #tpu.memory_space<semaphore_mem>>) src(%arg12 : memref<81920xf32, #tpu.memory_space<hbm>>) dst(%arg17 : memref<81920xf32, #tpu.memory_space<vmem>>)
      tpu.yield
    }) : () -> ()
    %scan3A_36 = arith.constant 0 : i32
    %scan3A_37 = arith.constant 0 : i32
    %scan3A_38 = arith.constant 10 : i32
    %scan3A_39 = arith.addi %scan3A_37, %scan3A_38 : i32
    %scan3A_40 = arith.constant 1 : i32
    scf.for %scan3A_57 = %scan3A_37 to %scan3A_39 step %scan3A_40  : i32 {
      %mul3A_58 = arith.constant 1000 : i32
      %mul3A_59 = arith.muli %scan3A_57, %mul3A_58 : i32
      %add3A_60 = arith.addi %mul3A_2, %mul3A_59 : i32
      %mul3A_61 = arith.constant 8 : i32
      %mul3A_62 = arith.muli %add3A_60, %mul3A_61 : i32
      "tpu.region"() ({
        %run_scoped3A_69 = tpu.sem_alloc : memref<!tpu.dma_semaphore, #tpu.memory_space<semaphore_mem>>
        %dma_start3A = tpu.memref_slice %arg10[%mul3A_62] : memref<2560000xi32, #tpu.memory_space<hbm>> -> memref<8000xi32, #tpu.memory_space<hbm>>
        %dma_start3A_70 = tpu.memref_slice %arg10[%mul3A_62] : memref<2560000xi32, #tpu.memory_space<hbm>> -> memref<8000xi32, #tpu.memory_space<hbm>>
        tpu.enqueue_dma source(%dma_start3A_70 : memref<8000xi32, #tpu.memory_space<hbm>>) target(%arg14 : memref<8000xi32, #tpu.memory_space<vmem>>) target_semaphore(%run_scoped3A_69 : memref<!tpu.dma_semaphore, #tpu.memory_space<semaphore_mem>>)
        %dma_wait3A = tpu.memref_slice %arg10[%mul3A_62] : memref<2560000xi32, #tpu.memory_space<hbm>> -> memref<8000xi32, #tpu.memory_space<hbm>>
        %dma_wait3A_71 = tpu.memref_slice %arg10[%mul3A_62] : memref<2560000xi32, #tpu.memory_space<hbm>> -> memref<8000xi32, #tpu.memory_space<hbm>>
        tpu.wait_dma2 semaphore(%run_scoped3A_69 : memref<!tpu.dma_semaphore, #tpu.memory_space<semaphore_mem>>) src(%dma_wait3A_71 : memref<8000xi32, #tpu.memory_space<hbm>>) dst(%arg14 : memref<8000xi32, #tpu.memory_space<vmem>>)
        tpu.yield
      }) : () -> ()
      %mul3A_63 = arith.constant 8 : i32
      %mul3A_64 = arith.muli %add3A_60, %mul3A_63 : i32
      "tpu.region"() ({
        %run_scoped3A_69 = tpu.sem_alloc : memref<!tpu.dma_semaphore, #tpu.memory_space<semaphore_mem>>
        %dma_start3A = tpu.memref_slice %arg11[%mul3A_64] : memref<2560000xi32, #tpu.memory_space<hbm>> -> memref<8000xi32, #tpu.memory_space<hbm>>
        %dma_start3A_70 = tpu.memref_slice %arg11[%mul3A_64] : memref<2560000xi32, #tpu.memory_space<hbm>> -> memref<8000xi32, #tpu.memory_space<hbm>>
        tpu.enqueue_dma source(%dma_start3A_70 : memref<8000xi32, #tpu.memory_space<hbm>>) target(%arg15 : memref<8000xi32, #tpu.memory_space<vmem>>) target_semaphore(%run_scoped3A_69 : memref<!tpu.dma_semaphore, #tpu.memory_space<semaphore_mem>>)
        %dma_wait3A = tpu.memref_slice %arg11[%mul3A_64] : memref<2560000xi32, #tpu.memory_space<hbm>> -> memref<8000xi32, #tpu.memory_space<hbm>>
        %dma_wait3A_71 = tpu.memref_slice %arg11[%mul3A_64] : memref<2560000xi32, #tpu.memory_space<hbm>> -> memref<8000xi32, #tpu.memory_space<hbm>>
        tpu.wait_dma2 semaphore(%run_scoped3A_69 : memref<!tpu.dma_semaphore, #tpu.memory_space<semaphore_mem>>) src(%dma_wait3A_71 : memref<8000xi32, #tpu.memory_space<hbm>>) dst(%arg15 : memref<8000xi32, #tpu.memory_space<vmem>>)
        tpu.yield
      }) : () -> ()
      %mul3A_65 = arith.constant 8 : i32
      %mul3A_66 = arith.muli %add3A_60, %mul3A_65 : i32
      "tpu.region"() ({
        %run_scoped3A_69 = tpu.sem_alloc : memref<!tpu.dma_semaphore, #tpu.memory_space<semaphore_mem>>
        %dma_start3A = tpu.memref_slice %arg7[%mul3A_66] : memref<2560000xf32, #tpu.memory_space<hbm>> -> memref<8000xf32, #tpu.memory_space<hbm>>
        %dma_start3A_70 = tpu.memref_slice %arg7[%mul3A_66] : memref<2560000xf32, #tpu.memory_space<hbm>> -> memref<8000xf32, #tpu.memory_space<hbm>>
        tpu.enqueue_dma source(%dma_start3A_70 : memref<8000xf32, #tpu.memory_space<hbm>>) target(%arg16 : memref<8000xf32, #tpu.memory_space<vmem>>) target_semaphore(%run_scoped3A_69 : memref<!tpu.dma_semaphore, #tpu.memory_space<semaphore_mem>>)
        %dma_wait3A = tpu.memref_slice %arg7[%mul3A_66] : memref<2560000xf32, #tpu.memory_space<hbm>> -> memref<8000xf32, #tpu.memory_space<hbm>>
        %dma_wait3A_71 = tpu.memref_slice %arg7[%mul3A_66] : memref<2560000xf32, #tpu.memory_space<hbm>> -> memref<8000xf32, #tpu.memory_space<hbm>>
        tpu.wait_dma2 semaphore(%run_scoped3A_69 : memref<!tpu.dma_semaphore, #tpu.memory_space<semaphore_mem>>) src(%dma_wait3A_71 : memref<8000xf32, #tpu.memory_space<hbm>>) dst(%arg16 : memref<8000xf32, #tpu.memory_space<vmem>>)
        tpu.yield
      }) : () -> ()
      %parallel_loop3A = arith.constant 0 : i32
      %parallel_loop3A_67 = arith.constant 500 : i32
      %parallel_loop3A_68 = arith.constant 1 : i32
      scf.for %parallel_loop3A_69 = %parallel_loop3A to %parallel_loop3A_67 step %parallel_loop3A_68  : i32 {
        %parallel_loop3A_70 = arith.constant 16 : i32
        %parallel_loop3A_71 = arith.muli %parallel_loop3A_70, %parallel_loop3A_69 : i32
        %parallel_loop3A_72 = arith.index_cast %parallel_loop3A_71 : i32 to index
        %parallel_loop3A_73 = tpu.vector_load %arg14[%parallel_loop3A_72] {strides = array<i32>} : memref<8000xi32, #tpu.memory_space<vmem>>, vector<16xi32>,
        %parallel_loop3A_74 = arith.index_cast %parallel_loop3A_71 : i32 to index
        %parallel_loop3A_75 = tpu.vector_load %arg15[%parallel_loop3A_74] {strides = array<i32>} : memref<8000xi32, #tpu.memory_space<vmem>>, vector<16xi32>,
        %parallel_loop3A_76 = arith.constant 0 : i32
        %parallel_loop3A_77 = vector.broadcast %parallel_loop3A_76 : i32 to vector<16xi32>
        %parallel_loop3A_78 = arith.cmpi sgt, %parallel_loop3A_75, %parallel_loop3A_77 : vector<16xi32>
        %parallel_loop3A_79 = arith.index_cast %parallel_loop3A_71 : i32 to index
        %parallel_loop3A_80 = tpu.vector_load %arg16[%parallel_loop3A_79] {strides = array<i32>} : memref<8000xf32, #tpu.memory_space<vmem>>, vector<16xf32>,
        %parallel_loop3A_81 = arith.constant dense<true> : vector<16xi1>
        %parallel_loop3A_82 = arith.xori %parallel_loop3A_78, %parallel_loop3A_81 : vector<16xi1>
        tpu.vector_store_idx %arg17[%parallel_loop3A_73], %parallel_loop3A_80 masked %parallel_loop3A_82 {add = true} : memref<81920xf32, #tpu.memory_space<vmem>>[vector<16xi32>], vector<16xf32>, vector<16xi1>
        tpu.vector_store_idx %arg17[%parallel_loop3A_73], %parallel_loop3A_80 masked %parallel_loop3A_78 {add = true} : memref<81920xf32, #tpu.memory_space<vmem>>[vector<16xi32>], vector<16xf32>, vector<16xi1>
      } {sc.loop_unroll_factor = 8 : i64, sc.parallel_access}
    }
    %scan3A_41 = arith.constant 10 : i32
    %run_scoped3A_42 = arith.constant 5 : i32
    "tpu.region"() ({
      %run_scoped3A_57 = tpu.sem_alloc : memref<!tpu.dma_semaphore, #tpu.memory_space<semaphore_mem>>
      %dma_start3A = arith.constant 0 : i32
      %dma_start3A_58 = tpu.memref_slice %arg13[%add3A, %run_scoped3A_42, %dma_start3A] : memref<32x8x81920xf32, #tpu.memory_space<hbm>> -> memref<1x1x81920xf32, #tpu.memory_space<hbm>>
      %dma_start3A_59 = tpu.memref_squeeze %dma_start3A_58 : memref<1x1x81920xf32, #tpu.memory_space<hbm>> -> memref<81920xf32, #tpu.memory_space<hbm>>
      %dma_start3A_60 = arith.constant 0 : i32
      %dma_start3A_61 = tpu.memref_slice %arg13[%add3A, %run_scoped3A_42, %dma_start3A_60] : memref<32x8x81920xf32, #tpu.memory_space<hbm>> -> memref<1x1x81920xf32, #tpu.memory_space<hbm>>
      %dma_start3A_62 = tpu.memref_squeeze %dma_start3A_61 : memref<1x1x81920xf32, #tpu.memory_space<hbm>> -> memref<81920xf32, #tpu.memory_space<hbm>>
      tpu.enqueue_dma source(%arg17 : memref<81920xf32, #tpu.memory_space<vmem>>) target(%dma_start3A_62 : memref<81920xf32, #tpu.memory_space<hbm>>) target_semaphore(%run_scoped3A_57 : memref<!tpu.dma_semaphore, #tpu.memory_space<semaphore_mem>>)
      %dma_wait3A = arith.constant 0 : i32
      %dma_wait3A_63 = tpu.memref_slice %arg13[%add3A, %run_scoped3A_42, %dma_wait3A] : memref<32x8x81920xf32, #tpu.memory_space<hbm>> -> memref<1x1x81920xf32, #tpu.memory_space<hbm>>
      %dma_wait3A_64 = tpu.memref_squeeze %dma_wait3A_63 : memref<1x1x81920xf32, #tpu.memory_space<hbm>> -> memref<81920xf32, #tpu.memory_space<hbm>>
      %dma_wait3A_65 = arith.constant 0 : i32
      %dma_wait3A_66 = tpu.memref_slice %arg13[%add3A, %run_scoped3A_42, %dma_wait3A_65] : memref<32x8x81920xf32, #tpu.memory_space<hbm>> -> memref<1x1x81920xf32, #tpu.memory_space<hbm>>
      %dma_wait3A_67 = tpu.memref_squeeze %dma_wait3A_66 : memref<1x1x81920xf32, #tpu.memory_space<hbm>> -> memref<81920xf32, #tpu.memory_space<hbm>>
      tpu.wait_dma2 semaphore(%run_scoped3A_57 : memref<!tpu.dma_semaphore, #tpu.memory_space<semaphore_mem>>) src(%arg17 : memref<81920xf32, #tpu.memory_space<vmem>>) dst(%dma_wait3A_67 : memref<81920xf32, #tpu.memory_space<hbm>>)
      tpu.yield
    }) : () -> ()
    "tpu.region"() ({
      %run_scoped3A_57 = tpu.sem_alloc : memref<!tpu.dma_semaphore, #tpu.memory_space<semaphore_mem>>
      tpu.enqueue_dma source(%arg12 : memref<81920xf32, #tpu.memory_space<hbm>>) target(%arg17 : memref<81920xf32, #tpu.memory_space<vmem>>) target_semaphore(%run_scoped3A_57 : memref<!tpu.dma_semaphore, #tpu.memory_space<semaphore_mem>>)
      tpu.wait_dma2 semaphore(%run_scoped3A_57 : memref<!tpu.dma_semaphore, #tpu.memory_space<semaphore_mem>>) src(%arg12 : memref<81920xf32, #tpu.memory_space<hbm>>) dst(%arg17 : memref<81920xf32, #tpu.memory_space<vmem>>)
      tpu.yield
    }) : () -> ()
    %scan3A_43 = arith.constant 0 : i32
    %scan3A_44 = arith.constant 0 : i32
    %scan3A_45 = arith.constant 10 : i32
    %scan3A_46 = arith.addi %scan3A_44, %scan3A_45 : i32
    %scan3A_47 = arith.constant 1 : i32
    scf.for %scan3A_57 = %scan3A_44 to %scan3A_46 step %scan3A_47  : i32 {
      %mul3A_58 = arith.constant 1000 : i32
      %mul3A_59 = arith.muli %scan3A_57, %mul3A_58 : i32
      %add3A_60 = arith.addi %mul3A_2, %mul3A_59 : i32
      %mul3A_61 = arith.constant 8 : i32
      %mul3A_62 = arith.muli %add3A_60, %mul3A_61 : i32
      "tpu.region"() ({
        %run_scoped3A_69 = tpu.sem_alloc : memref<!tpu.dma_semaphore, #tpu.memory_space<semaphore_mem>>
        %dma_start3A = tpu.memref_slice %arg10[%mul3A_62] : memref<2560000xi32, #tpu.memory_space<hbm>> -> memref<8000xi32, #tpu.memory_space<hbm>>
        %dma_start3A_70 = tpu.memref_slice %arg10[%mul3A_62] : memref<2560000xi32, #tpu.memory_space<hbm>> -> memref<8000xi32, #tpu.memory_space<hbm>>
        tpu.enqueue_dma source(%dma_start3A_70 : memref<8000xi32, #tpu.memory_space<hbm>>) target(%arg14 : memref<8000xi32, #tpu.memory_space<vmem>>) target_semaphore(%run_scoped3A_69 : memref<!tpu.dma_semaphore, #tpu.memory_space<semaphore_mem>>)
        %dma_wait3A = tpu.memref_slice %arg10[%mul3A_62] : memref<2560000xi32, #tpu.memory_space<hbm>> -> memref<8000xi32, #tpu.memory_space<hbm>>
        %dma_wait3A_71 = tpu.memref_slice %arg10[%mul3A_62] : memref<2560000xi32, #tpu.memory_space<hbm>> -> memref<8000xi32, #tpu.memory_space<hbm>>
        tpu.wait_dma2 semaphore(%run_scoped3A_69 : memref<!tpu.dma_semaphore, #tpu.memory_space<semaphore_mem>>) src(%dma_wait3A_71 : memref<8000xi32, #tpu.memory_space<hbm>>) dst(%arg14 : memref<8000xi32, #tpu.memory_space<vmem>>)
        tpu.yield
      }) : () -> ()
      %mul3A_63 = arith.constant 8 : i32
      %mul3A_64 = arith.muli %add3A_60, %mul3A_63 : i32
      "tpu.region"() ({
        %run_scoped3A_69 = tpu.sem_alloc : memref<!tpu.dma_semaphore, #tpu.memory_space<semaphore_mem>>
        %dma_start3A = tpu.memref_slice %arg11[%mul3A_64] : memref<2560000xi32, #tpu.memory_space<hbm>> -> memref<8000xi32, #tpu.memory_space<hbm>>
        %dma_start3A_70 = tpu.memref_slice %arg11[%mul3A_64] : memref<2560000xi32, #tpu.memory_space<hbm>> -> memref<8000xi32, #tpu.memory_space<hbm>>
        tpu.enqueue_dma source(%dma_start3A_70 : memref<8000xi32, #tpu.memory_space<hbm>>) target(%arg15 : memref<8000xi32, #tpu.memory_space<vmem>>) target_semaphore(%run_scoped3A_69 : memref<!tpu.dma_semaphore, #tpu.memory_space<semaphore_mem>>)
        %dma_wait3A = tpu.memref_slice %arg11[%mul3A_64] : memref<2560000xi32, #tpu.memory_space<hbm>> -> memref<8000xi32, #tpu.memory_space<hbm>>
        %dma_wait3A_71 = tpu.memref_slice %arg11[%mul3A_64] : memref<2560000xi32, #tpu.memory_space<hbm>> -> memref<8000xi32, #tpu.memory_space<hbm>>
        tpu.wait_dma2 semaphore(%run_scoped3A_69 : memref<!tpu.dma_semaphore, #tpu.memory_space<semaphore_mem>>) src(%dma_wait3A_71 : memref<8000xi32, #tpu.memory_space<hbm>>) dst(%arg15 : memref<8000xi32, #tpu.memory_space<vmem>>)
        tpu.yield
      }) : () -> ()
      %mul3A_65 = arith.constant 8 : i32
      %mul3A_66 = arith.muli %add3A_60, %mul3A_65 : i32
      "tpu.region"() ({
        %run_scoped3A_69 = tpu.sem_alloc : memref<!tpu.dma_semaphore, #tpu.memory_space<semaphore_mem>>
        %dma_start3A = tpu.memref_slice %arg8[%mul3A_66] : memref<2560000xf32, #tpu.memory_space<hbm>> -> memref<8000xf32, #tpu.memory_space<hbm>>
        %dma_start3A_70 = tpu.memref_slice %arg8[%mul3A_66] : memref<2560000xf32, #tpu.memory_space<hbm>> -> memref<8000xf32, #tpu.memory_space<hbm>>
        tpu.enqueue_dma source(%dma_start3A_70 : memref<8000xf32, #tpu.memory_space<hbm>>) target(%arg16 : memref<8000xf32, #tpu.memory_space<vmem>>) target_semaphore(%run_scoped3A_69 : memref<!tpu.dma_semaphore, #tpu.memory_space<semaphore_mem>>)
        %dma_wait3A = tpu.memref_slice %arg8[%mul3A_66] : memref<2560000xf32, #tpu.memory_space<hbm>> -> memref<8000xf32, #tpu.memory_space<hbm>>
        %dma_wait3A_71 = tpu.memref_slice %arg8[%mul3A_66] : memref<2560000xf32, #tpu.memory_space<hbm>> -> memref<8000xf32, #tpu.memory_space<hbm>>
        tpu.wait_dma2 semaphore(%run_scoped3A_69 : memref<!tpu.dma_semaphore, #tpu.memory_space<semaphore_mem>>) src(%dma_wait3A_71 : memref<8000xf32, #tpu.memory_space<hbm>>) dst(%arg16 : memref<8000xf32, #tpu.memory_space<vmem>>)
        tpu.yield
      }) : () -> ()
      %parallel_loop3A = arith.constant 0 : i32
      %parallel_loop3A_67 = arith.constant 500 : i32
      %parallel_loop3A_68 = arith.constant 1 : i32
      scf.for %parallel_loop3A_69 = %parallel_loop3A to %parallel_loop3A_67 step %parallel_loop3A_68  : i32 {
        %parallel_loop3A_70 = arith.constant 16 : i32
        %parallel_loop3A_71 = arith.muli %parallel_loop3A_70, %parallel_loop3A_69 : i32
        %parallel_loop3A_72 = arith.index_cast %parallel_loop3A_71 : i32 to index
        %parallel_loop3A_73 = tpu.vector_load %arg14[%parallel_loop3A_72] {strides = array<i32>} : memref<8000xi32, #tpu.memory_space<vmem>>, vector<16xi32>,
        %parallel_loop3A_74 = arith.index_cast %parallel_loop3A_71 : i32 to index
        %parallel_loop3A_75 = tpu.vector_load %arg15[%parallel_loop3A_74] {strides = array<i32>} : memref<8000xi32, #tpu.memory_space<vmem>>, vector<16xi32>,
        %parallel_loop3A_76 = arith.constant 0 : i32
        %parallel_loop3A_77 = vector.broadcast %parallel_loop3A_76 : i32 to vector<16xi32>
        %parallel_loop3A_78 = arith.cmpi sgt, %parallel_loop3A_75, %parallel_loop3A_77 : vector<16xi32>
        %parallel_loop3A_79 = arith.index_cast %parallel_loop3A_71 : i32 to index
        %parallel_loop3A_80 = tpu.vector_load %arg16[%parallel_loop3A_79] {strides = array<i32>} : memref<8000xf32, #tpu.memory_space<vmem>>, vector<16xf32>,
        %parallel_loop3A_81 = arith.constant dense<true> : vector<16xi1>
        %parallel_loop3A_82 = arith.xori %parallel_loop3A_78, %parallel_loop3A_81 : vector<16xi1>
        tpu.vector_store_idx %arg17[%parallel_loop3A_73], %parallel_loop3A_80 masked %parallel_loop3A_82 {add = true} : memref<81920xf32, #tpu.memory_space<vmem>>[vector<16xi32>], vector<16xf32>, vector<16xi1>
        tpu.vector_store_idx %arg17[%parallel_loop3A_73], %parallel_loop3A_80 masked %parallel_loop3A_78 {add = true} : memref<81920xf32, #tpu.memory_space<vmem>>[vector<16xi32>], vector<16xf32>, vector<16xi1>
      } {sc.loop_unroll_factor = 8 : i64, sc.parallel_access}
    }
    %scan3A_48 = arith.constant 10 : i32
    %run_scoped3A_49 = arith.constant 6 : i32
    "tpu.region"() ({
      %run_scoped3A_57 = tpu.sem_alloc : memref<!tpu.dma_semaphore, #tpu.memory_space<semaphore_mem>>
      %dma_start3A = arith.constant 0 : i32
      %dma_start3A_58 = tpu.memref_slice %arg13[%add3A, %run_scoped3A_49, %dma_start3A] : memref<32x8x81920xf32, #tpu.memory_space<hbm>> -> memref<1x1x81920xf32, #tpu.memory_space<hbm>>
      %dma_start3A_59 = tpu.memref_squeeze %dma_start3A_58 : memref<1x1x81920xf32, #tpu.memory_space<hbm>> -> memref<81920xf32, #tpu.memory_space<hbm>>
      %dma_start3A_60 = arith.constant 0 : i32
      %dma_start3A_61 = tpu.memref_slice %arg13[%add3A, %run_scoped3A_49, %dma_start3A_60] : memref<32x8x81920xf32, #tpu.memory_space<hbm>> -> memref<1x1x81920xf32, #tpu.memory_space<hbm>>
      %dma_start3A_62 = tpu.memref_squeeze %dma_start3A_61 : memref<1x1x81920xf32, #tpu.memory_space<hbm>> -> memref<81920xf32, #tpu.memory_space<hbm>>
      tpu.enqueue_dma source(%arg17 : memref<81920xf32, #tpu.memory_space<vmem>>) target(%dma_start3A_62 : memref<81920xf32, #tpu.memory_space<hbm>>) target_semaphore(%run_scoped3A_57 : memref<!tpu.dma_semaphore, #tpu.memory_space<semaphore_mem>>)
      %dma_wait3A = arith.constant 0 : i32
      %dma_wait3A_63 = tpu.memref_slice %arg13[%add3A, %run_scoped3A_49, %dma_wait3A] : memref<32x8x81920xf32, #tpu.memory_space<hbm>> -> memref<1x1x81920xf32, #tpu.memory_space<hbm>>
      %dma_wait3A_64 = tpu.memref_squeeze %dma_wait3A_63 : memref<1x1x81920xf32, #tpu.memory_space<hbm>> -> memref<81920xf32, #tpu.memory_space<hbm>>
      %dma_wait3A_65 = arith.constant 0 : i32
      %dma_wait3A_66 = tpu.memref_slice %arg13[%add3A, %run_scoped3A_49, %dma_wait3A_65] : memref<32x8x81920xf32, #tpu.memory_space<hbm>> -> memref<1x1x81920xf32, #tpu.memory_space<hbm>>
      %dma_wait3A_67 = tpu.memref_squeeze %dma_wait3A_66 : memref<1x1x81920xf32, #tpu.memory_space<hbm>> -> memref<81920xf32, #tpu.memory_space<hbm>>
      tpu.wait_dma2 semaphore(%run_scoped3A_57 : memref<!tpu.dma_semaphore, #tpu.memory_space<semaphore_mem>>) src(%arg17 : memref<81920xf32, #tpu.memory_space<vmem>>) dst(%dma_wait3A_67 : memref<81920xf32, #tpu.memory_space<hbm>>)
      tpu.yield
    }) : () -> ()
    "tpu.region"() ({
      %run_scoped3A_57 = tpu.sem_alloc : memref<!tpu.dma_semaphore, #tpu.memory_space<semaphore_mem>>
      tpu.enqueue_dma source(%arg12 : memref<81920xf32, #tpu.memory_space<hbm>>) target(%arg17 : memref<81920xf32, #tpu.memory_space<vmem>>) target_semaphore(%run_scoped3A_57 : memref<!tpu.dma_semaphore, #tpu.memory_space<semaphore_mem>>)
      tpu.wait_dma2 semaphore(%run_scoped3A_57 : memref<!tpu.dma_semaphore, #tpu.memory_space<semaphore_mem>>) src(%arg12 : memref<81920xf32, #tpu.memory_space<hbm>>) dst(%arg17 : memref<81920xf32, #tpu.memory_space<vmem>>)
      tpu.yield
    }) : () -> ()
    %scan3A_50 = arith.constant 0 : i32
    %scan3A_51 = arith.constant 0 : i32
    %scan3A_52 = arith.constant 10 : i32
    %scan3A_53 = arith.addi %scan3A_51, %scan3A_52 : i32
    %scan3A_54 = arith.constant 1 : i32
    scf.for %scan3A_57 = %scan3A_51 to %scan3A_53 step %scan3A_54  : i32 {
      %mul3A_58 = arith.constant 1000 : i32
      %mul3A_59 = arith.muli %scan3A_57, %mul3A_58 : i32
      %add3A_60 = arith.addi %mul3A_2, %mul3A_59 : i32
      %mul3A_61 = arith.constant 8 : i32
      %mul3A_62 = arith.muli %add3A_60, %mul3A_61 : i32
      "tpu.region"() ({
        %run_scoped3A_69 = tpu.sem_alloc : memref<!tpu.dma_semaphore, #tpu.memory_space<semaphore_mem>>
        %dma_start3A = tpu.memref_slice %arg10[%mul3A_62] : memref<2560000xi32, #tpu.memory_space<hbm>> -> memref<8000xi32, #tpu.memory_space<hbm>>
        %dma_start3A_70 = tpu.memref_slice %arg10[%mul3A_62] : memref<2560000xi32, #tpu.memory_space<hbm>> -> memref<8000xi32, #tpu.memory_space<hbm>>
        tpu.enqueue_dma source(%dma_start3A_70 : memref<8000xi32, #tpu.memory_space<hbm>>) target(%arg14 : memref<8000xi32, #tpu.memory_space<vmem>>) target_semaphore(%run_scoped3A_69 : memref<!tpu.dma_semaphore, #tpu.memory_space<semaphore_mem>>)
        %dma_wait3A = tpu.memref_slice %arg10[%mul3A_62] : memref<2560000xi32, #tpu.memory_space<hbm>> -> memref<8000xi32, #tpu.memory_space<hbm>>
        %dma_wait3A_71 = tpu.memref_slice %arg10[%mul3A_62] : memref<2560000xi32, #tpu.memory_space<hbm>> -> memref<8000xi32, #tpu.memory_space<hbm>>
        tpu.wait_dma2 semaphore(%run_scoped3A_69 : memref<!tpu.dma_semaphore, #tpu.memory_space<semaphore_mem>>) src(%dma_wait3A_71 : memref<8000xi32, #tpu.memory_space<hbm>>) dst(%arg14 : memref<8000xi32, #tpu.memory_space<vmem>>)
        tpu.yield
      }) : () -> ()
      %mul3A_63 = arith.constant 8 : i32
      %mul3A_64 = arith.muli %add3A_60, %mul3A_63 : i32
      "tpu.region"() ({
        %run_scoped3A_69 = tpu.sem_alloc : memref<!tpu.dma_semaphore, #tpu.memory_space<semaphore_mem>>
        %dma_start3A = tpu.memref_slice %arg11[%mul3A_64] : memref<2560000xi32, #tpu.memory_space<hbm>> -> memref<8000xi32, #tpu.memory_space<hbm>>
        %dma_start3A_70 = tpu.memref_slice %arg11[%mul3A_64] : memref<2560000xi32, #tpu.memory_space<hbm>> -> memref<8000xi32, #tpu.memory_space<hbm>>
        tpu.enqueue_dma source(%dma_start3A_70 : memref<8000xi32, #tpu.memory_space<hbm>>) target(%arg15 : memref<8000xi32, #tpu.memory_space<vmem>>) target_semaphore(%run_scoped3A_69 : memref<!tpu.dma_semaphore, #tpu.memory_space<semaphore_mem>>)
        %dma_wait3A = tpu.memref_slice %arg11[%mul3A_64] : memref<2560000xi32, #tpu.memory_space<hbm>> -> memref<8000xi32, #tpu.memory_space<hbm>>
        %dma_wait3A_71 = tpu.memref_slice %arg11[%mul3A_64] : memref<2560000xi32, #tpu.memory_space<hbm>> -> memref<8000xi32, #tpu.memory_space<hbm>>
        tpu.wait_dma2 semaphore(%run_scoped3A_69 : memref<!tpu.dma_semaphore, #tpu.memory_space<semaphore_mem>>) src(%dma_wait3A_71 : memref<8000xi32, #tpu.memory_space<hbm>>) dst(%arg15 : memref<8000xi32, #tpu.memory_space<vmem>>)
        tpu.yield
      }) : () -> ()
      %mul3A_65 = arith.constant 8 : i32
      %mul3A_66 = arith.muli %add3A_60, %mul3A_65 : i32
      "tpu.region"() ({
        %run_scoped3A_69 = tpu.sem_alloc : memref<!tpu.dma_semaphore, #tpu.memory_space<semaphore_mem>>
        %dma_start3A = tpu.memref_slice %arg9[%mul3A_66] : memref<2560000xf32, #tpu.memory_space<hbm>> -> memref<8000xf32, #tpu.memory_space<hbm>>
        %dma_start3A_70 = tpu.memref_slice %arg9[%mul3A_66] : memref<2560000xf32, #tpu.memory_space<hbm>> -> memref<8000xf32, #tpu.memory_space<hbm>>
        tpu.enqueue_dma source(%dma_start3A_70 : memref<8000xf32, #tpu.memory_space<hbm>>) target(%arg16 : memref<8000xf32, #tpu.memory_space<vmem>>) target_semaphore(%run_scoped3A_69 : memref<!tpu.dma_semaphore, #tpu.memory_space<semaphore_mem>>)
        %dma_wait3A = tpu.memref_slice %arg9[%mul3A_66] : memref<2560000xf32, #tpu.memory_space<hbm>> -> memref<8000xf32, #tpu.memory_space<hbm>>
        %dma_wait3A_71 = tpu.memref_slice %arg9[%mul3A_66] : memref<2560000xf32, #tpu.memory_space<hbm>> -> memref<8000xf32, #tpu.memory_space<hbm>>
        tpu.wait_dma2 semaphore(%run_scoped3A_69 : memref<!tpu.dma_semaphore, #tpu.memory_space<semaphore_mem>>) src(%dma_wait3A_71 : memref<8000xf32, #tpu.memory_space<hbm>>) dst(%arg16 : memref<8000xf32, #tpu.memory_space<vmem>>)
        tpu.yield
      }) : () -> ()
      %parallel_loop3A = arith.constant 0 : i32
      %parallel_loop3A_67 = arith.constant 500 : i32
      %parallel_loop3A_68 = arith.constant 1 : i32
      scf.for %parallel_loop3A_69 = %parallel_loop3A to %parallel_loop3A_67 step %parallel_loop3A_68  : i32 {
        %parallel_loop3A_70 = arith.constant 16 : i32
        %parallel_loop3A_71 = arith.muli %parallel_loop3A_70, %parallel_loop3A_69 : i32
        %parallel_loop3A_72 = arith.index_cast %parallel_loop3A_71 : i32 to index
        %parallel_loop3A_73 = tpu.vector_load %arg14[%parallel_loop3A_72] {strides = array<i32>} : memref<8000xi32, #tpu.memory_space<vmem>>, vector<16xi32>,
        %parallel_loop3A_74 = arith.index_cast %parallel_loop3A_71 : i32 to index
        %parallel_loop3A_75 = tpu.vector_load %arg15[%parallel_loop3A_74] {strides = array<i32>} : memref<8000xi32, #tpu.memory_space<vmem>>, vector<16xi32>,
        %parallel_loop3A_76 = arith.constant 0 : i32
        %parallel_loop3A_77 = vector.broadcast %parallel_loop3A_76 : i32 to vector<16xi32>
        %parallel_loop3A_78 = arith.cmpi sgt, %parallel_loop3A_75, %parallel_loop3A_77 : vector<16xi32>
        %parallel_loop3A_79 = arith.index_cast %parallel_loop3A_71 : i32 to index
        %parallel_loop3A_80 = tpu.vector_load %arg16[%parallel_loop3A_79] {strides = array<i32>} : memref<8000xf32, #tpu.memory_space<vmem>>, vector<16xf32>,
        %parallel_loop3A_81 = arith.constant dense<true> : vector<16xi1>
        %parallel_loop3A_82 = arith.xori %parallel_loop3A_78, %parallel_loop3A_81 : vector<16xi1>
        tpu.vector_store_idx %arg17[%parallel_loop3A_73], %parallel_loop3A_80 masked %parallel_loop3A_82 {add = true} : memref<81920xf32, #tpu.memory_space<vmem>>[vector<16xi32>], vector<16xf32>, vector<16xi1>
        tpu.vector_store_idx %arg17[%parallel_loop3A_73], %parallel_loop3A_80 masked %parallel_loop3A_78 {add = true} : memref<81920xf32, #tpu.memory_space<vmem>>[vector<16xi32>], vector<16xf32>, vector<16xi1>
      } {sc.loop_unroll_factor = 8 : i64, sc.parallel_access}
    }
    %scan3A_55 = arith.constant 10 : i32
    %run_scoped3A_56 = arith.constant 7 : i32
    "tpu.region"() ({
      %run_scoped3A_57 = tpu.sem_alloc : memref<!tpu.dma_semaphore, #tpu.memory_space<semaphore_mem>>
      %dma_start3A = arith.constant 0 : i32
      %dma_start3A_58 = tpu.memref_slice %arg13[%add3A, %run_scoped3A_56, %dma_start3A] : memref<32x8x81920xf32, #tpu.memory_space<hbm>> -> memref<1x1x81920xf32, #tpu.memory_space<hbm>>
      %dma_start3A_59 = tpu.memref_squeeze %dma_start3A_58 : memref<1x1x81920xf32, #tpu.memory_space<hbm>> -> memref<81920xf32, #tpu.memory_space<hbm>>
      %dma_start3A_60 = arith.constant 0 : i32
      %dma_start3A_61 = tpu.memref_slice %arg13[%add3A, %run_scoped3A_56, %dma_start3A_60] : memref<32x8x81920xf32, #tpu.memory_space<hbm>> -> memref<1x1x81920xf32, #tpu.memory_space<hbm>>
      %dma_start3A_62 = tpu.memref_squeeze %dma_start3A_61 : memref<1x1x81920xf32, #tpu.memory_space<hbm>> -> memref<81920xf32, #tpu.memory_space<hbm>>
      tpu.enqueue_dma source(%arg17 : memref<81920xf32, #tpu.memory_space<vmem>>) target(%dma_start3A_62 : memref<81920xf32, #tpu.memory_space<hbm>>) target_semaphore(%run_scoped3A_57 : memref<!tpu.dma_semaphore, #tpu.memory_space<semaphore_mem>>)
      %dma_wait3A = arith.constant 0 : i32
      %dma_wait3A_63 = tpu.memref_slice %arg13[%add3A, %run_scoped3A_56, %dma_wait3A] : memref<32x8x81920xf32, #tpu.memory_space<hbm>> -> memref<1x1x81920xf32, #tpu.memory_space<hbm>>
      %dma_wait3A_64 = tpu.memref_squeeze %dma_wait3A_63 : memref<1x1x81920xf32, #tpu.memory_space<hbm>> -> memref<81920xf32, #tpu.memory_space<hbm>>
      %dma_wait3A_65 = arith.constant 0 : i32
      %dma_wait3A_66 = tpu.memref_slice %arg13[%add3A, %run_scoped3A_56, %dma_wait3A_65] : memref<32x8x81920xf32, #tpu.memory_space<hbm>> -> memref<1x1x81920xf32, #tpu.memory_space<hbm>>
      %dma_wait3A_67 = tpu.memref_squeeze %dma_wait3A_66 : memref<1x1x81920xf32, #tpu.memory_space<hbm>> -> memref<81920xf32, #tpu.memory_space<hbm>>
      tpu.wait_dma2 semaphore(%run_scoped3A_57 : memref<!tpu.dma_semaphore, #tpu.memory_space<semaphore_mem>>) src(%arg17 : memref<81920xf32, #tpu.memory_space<vmem>>) dst(%dma_wait3A_67 : memref<81920xf32, #tpu.memory_space<hbm>>)
      tpu.yield
    }) : () -> ()
    return
  }
}

#map = affine_map<(d0, d1) -> (0, 0)>
#map1 = affine_map<(d0, d1) -> (0)>
module attributes {stable_mosaic.version = 14 : i64} {
  func.func @_gather_kernel(%arg0: i32, %arg1: i32, %arg2: memref<10000x384xf32, #tpu.memory_space<hbm>>, %arg3: memref<10000x256xf32, #tpu.memory_space<hbm>>, %arg4: memref<320000xi32, #tpu.memory_space<hbm>>, %arg5: memref<320000xi32, #tpu.memory_space<hbm>>, %arg6: memref<320000x384xf32, #tpu.memory_space<hbm>>, %arg7: memref<320000x256xf32, #tpu.memory_space<hbm>>, %arg8: memref<80xi32, #tpu.memory_space<vmem>>, %arg9: memref<80xi32, #tpu.memory_space<vmem>>, %arg10: memref<80x384xf32, #tpu.memory_space<vmem>>, %arg11: memref<80x256xf32, #tpu.memory_space<vmem>>, %arg12: memref<!tpu.dma_semaphore, #tpu.memory_space<semaphore_mem>>, %arg13: memref<!tpu.dma_semaphore, #tpu.memory_space<semaphore_mem>>) attributes {dimension_semantics = [#tpu.dimension_semantics<core_parallel>, #tpu.dimension_semantics<subcore_parallel>], iteration_bounds = array<i64: 2, 16>, scalar_prefetch = 0 : i64, scratch_operands = 6 : i64, tpu.core_type = #tpu.core_type<sc_vector_subcore>, window_params = [{transform_indices = #map}, {transform_indices = #map}, {transform_indices = #map1}, {transform_indices = #map1}, {transform_indices = #map}, {transform_indices = #map}]} {
    %mul3A = arith.constant 2 : i32
    %mul3A_0 = arith.muli %arg1, %mul3A : i32
    %add3A = arith.addi %mul3A_0, %arg0 : i32
    %mul3A_1 = arith.constant 10000 : i32
    %mul3A_2 = arith.muli %add3A, %mul3A_1 : i32
    %scan3A = arith.constant 0 : i32
    %scan3A_3 = arith.constant 0 : i32
    %scan3A_4 = arith.constant 125 : i32
    %scan3A_5 = arith.addi %scan3A_3, %scan3A_4 : i32
    %scan3A_6 = arith.constant 1 : i32
    scf.for %scan3A_8 = %scan3A_3 to %scan3A_5 step %scan3A_6  : i32 {
      %mul3A_9 = arith.constant 80 : i32
      %mul3A_10 = arith.muli %scan3A_8, %mul3A_9 : i32
      %add3A_11 = arith.addi %mul3A_2, %mul3A_10 : i32
      "tpu.region"() ({
        %run_scoped3A = tpu.sem_alloc : memref<!tpu.dma_semaphore, #tpu.memory_space<semaphore_mem>>
        %dma_start3A_22 = tpu.memref_slice %arg4[%add3A_11] : memref<320000xi32, #tpu.memory_space<hbm>> -> memref<80xi32, #tpu.memory_space<hbm>>
        %dma_start3A_23 = tpu.memref_slice %arg4[%add3A_11] : memref<320000xi32, #tpu.memory_space<hbm>> -> memref<80xi32, #tpu.memory_space<hbm>>
        tpu.enqueue_dma source(%dma_start3A_23 : memref<80xi32, #tpu.memory_space<hbm>>) target(%arg8 : memref<80xi32, #tpu.memory_space<vmem>>) target_semaphore(%run_scoped3A : memref<!tpu.dma_semaphore, #tpu.memory_space<semaphore_mem>>)
        %dma_wait3A_24 = tpu.memref_slice %arg4[%add3A_11] : memref<320000xi32, #tpu.memory_space<hbm>> -> memref<80xi32, #tpu.memory_space<hbm>>
        %dma_wait3A_25 = tpu.memref_slice %arg4[%add3A_11] : memref<320000xi32, #tpu.memory_space<hbm>> -> memref<80xi32, #tpu.memory_space<hbm>>
        tpu.wait_dma2 semaphore(%run_scoped3A : memref<!tpu.dma_semaphore, #tpu.memory_space<semaphore_mem>>) src(%dma_wait3A_25 : memref<80xi32, #tpu.memory_space<hbm>>) dst(%arg8 : memref<80xi32, #tpu.memory_space<vmem>>)
        tpu.yield
      }) : () -> ()
      "tpu.region"() ({
        %run_scoped3A = tpu.sem_alloc : memref<!tpu.dma_semaphore, #tpu.memory_space<semaphore_mem>>
        %dma_start3A_22 = tpu.memref_slice %arg5[%add3A_11] : memref<320000xi32, #tpu.memory_space<hbm>> -> memref<80xi32, #tpu.memory_space<hbm>>
        %dma_start3A_23 = tpu.memref_slice %arg5[%add3A_11] : memref<320000xi32, #tpu.memory_space<hbm>> -> memref<80xi32, #tpu.memory_space<hbm>>
        tpu.enqueue_dma source(%dma_start3A_23 : memref<80xi32, #tpu.memory_space<hbm>>) target(%arg9 : memref<80xi32, #tpu.memory_space<vmem>>) target_semaphore(%run_scoped3A : memref<!tpu.dma_semaphore, #tpu.memory_space<semaphore_mem>>)
        %dma_wait3A_24 = tpu.memref_slice %arg5[%add3A_11] : memref<320000xi32, #tpu.memory_space<hbm>> -> memref<80xi32, #tpu.memory_space<hbm>>
        %dma_wait3A_25 = tpu.memref_slice %arg5[%add3A_11] : memref<320000xi32, #tpu.memory_space<hbm>> -> memref<80xi32, #tpu.memory_space<hbm>>
        tpu.wait_dma2 semaphore(%run_scoped3A : memref<!tpu.dma_semaphore, #tpu.memory_space<semaphore_mem>>) src(%dma_wait3A_25 : memref<80xi32, #tpu.memory_space<hbm>>) dst(%arg9 : memref<80xi32, #tpu.memory_space<vmem>>)
        tpu.yield
      }) : () -> ()
      %dma_start3A = arith.constant 0 : i32
      %dma_start3A_12 = arith.constant 0 : i32
      %dma_start3A_13 = tpu.memref_slice %arg2[%dma_start3A, %dma_start3A_12] : memref<10000x384xf32, #tpu.memory_space<hbm>> -> memref<10000x384xf32, #tpu.memory_space<hbm>>
      tpu.enqueue_indirect_dma source(%dma_start3A_13 : memref<10000x384xf32, #tpu.memory_space<hbm>>) target(%arg10 : memref<80x384xf32, #tpu.memory_space<vmem>>) offsets(%arg8 : memref<80xi32, #tpu.memory_space<vmem>>) semaphore(%arg12 : memref<!tpu.dma_semaphore, #tpu.memory_space<semaphore_mem>>)
      %dma_start3A_14 = arith.constant 0 : i32
      %dma_start3A_15 = arith.constant 0 : i32
      %dma_start3A_16 = tpu.memref_slice %arg3[%dma_start3A_14, %dma_start3A_15] : memref<10000x256xf32, #tpu.memory_space<hbm>> -> memref<10000x256xf32, #tpu.memory_space<hbm>>
      tpu.enqueue_indirect_dma source(%dma_start3A_16 : memref<10000x256xf32, #tpu.memory_space<hbm>>) target(%arg11 : memref<80x256xf32, #tpu.memory_space<vmem>>) offsets(%arg9 : memref<80xi32, #tpu.memory_space<vmem>>) semaphore(%arg13 : memref<!tpu.dma_semaphore, #tpu.memory_space<semaphore_mem>>)
      %dma_wait3A = arith.constant 0 : i32
      %dma_wait3A_17 = arith.constant 0 : i32
      %dma_wait3A_18 = tpu.memref_slice %arg2[%dma_wait3A, %dma_wait3A_17] : memref<10000x384xf32, #tpu.memory_space<hbm>> -> memref<10000x384xf32, #tpu.memory_space<hbm>>
      tpu.wait_indirect_dma semaphore(%arg12 : memref<!tpu.dma_semaphore, #tpu.memory_space<semaphore_mem>>) src(%dma_wait3A_18 : memref<10000x384xf32, #tpu.memory_space<hbm>>) dst(%arg10 : memref<80x384xf32, #tpu.memory_space<vmem>>)
      %dma_wait3A_19 = arith.constant 0 : i32
      %dma_wait3A_20 = arith.constant 0 : i32
      %dma_wait3A_21 = tpu.memref_slice %arg3[%dma_wait3A_19, %dma_wait3A_20] : memref<10000x256xf32, #tpu.memory_space<hbm>> -> memref<10000x256xf32, #tpu.memory_space<hbm>>
      tpu.wait_indirect_dma semaphore(%arg13 : memref<!tpu.dma_semaphore, #tpu.memory_space<semaphore_mem>>) src(%dma_wait3A_21 : memref<10000x256xf32, #tpu.memory_space<hbm>>) dst(%arg11 : memref<80x256xf32, #tpu.memory_space<vmem>>)
      "tpu.region"() ({
        %run_scoped3A = tpu.sem_alloc : memref<!tpu.dma_semaphore, #tpu.memory_space<semaphore_mem>>
        %dma_start3A_22 = arith.constant 0 : i32
        %dma_start3A_23 = tpu.memref_slice %arg6[%add3A_11, %dma_start3A_22] : memref<320000x384xf32, #tpu.memory_space<hbm>> -> memref<80x384xf32, #tpu.memory_space<hbm>>
        %dma_start3A_24 = arith.constant 0 : i32
        %dma_start3A_25 = tpu.memref_slice %arg6[%add3A_11, %dma_start3A_24] : memref<320000x384xf32, #tpu.memory_space<hbm>> -> memref<80x384xf32, #tpu.memory_space<hbm>>
        tpu.enqueue_dma source(%arg10 : memref<80x384xf32, #tpu.memory_space<vmem>>) target(%dma_start3A_25 : memref<80x384xf32, #tpu.memory_space<hbm>>) target_semaphore(%run_scoped3A : memref<!tpu.dma_semaphore, #tpu.memory_space<semaphore_mem>>)
        %dma_wait3A_26 = arith.constant 0 : i32
        %dma_wait3A_27 = tpu.memref_slice %arg6[%add3A_11, %dma_wait3A_26] : memref<320000x384xf32, #tpu.memory_space<hbm>> -> memref<80x384xf32, #tpu.memory_space<hbm>>
        %dma_wait3A_28 = arith.constant 0 : i32
        %dma_wait3A_29 = tpu.memref_slice %arg6[%add3A_11, %dma_wait3A_28] : memref<320000x384xf32, #tpu.memory_space<hbm>> -> memref<80x384xf32, #tpu.memory_space<hbm>>
        tpu.wait_dma2 semaphore(%run_scoped3A : memref<!tpu.dma_semaphore, #tpu.memory_space<semaphore_mem>>) src(%arg10 : memref<80x384xf32, #tpu.memory_space<vmem>>) dst(%dma_wait3A_29 : memref<80x384xf32, #tpu.memory_space<hbm>>)
        tpu.yield
      }) : () -> ()
      "tpu.region"() ({
        %run_scoped3A = tpu.sem_alloc : memref<!tpu.dma_semaphore, #tpu.memory_space<semaphore_mem>>
        %dma_start3A_22 = arith.constant 0 : i32
        %dma_start3A_23 = tpu.memref_slice %arg7[%add3A_11, %dma_start3A_22] : memref<320000x256xf32, #tpu.memory_space<hbm>> -> memref<80x256xf32, #tpu.memory_space<hbm>>
        %dma_start3A_24 = arith.constant 0 : i32
        %dma_start3A_25 = tpu.memref_slice %arg7[%add3A_11, %dma_start3A_24] : memref<320000x256xf32, #tpu.memory_space<hbm>> -> memref<80x256xf32, #tpu.memory_space<hbm>>
        tpu.enqueue_dma source(%arg11 : memref<80x256xf32, #tpu.memory_space<vmem>>) target(%dma_start3A_25 : memref<80x256xf32, #tpu.memory_space<hbm>>) target_semaphore(%run_scoped3A : memref<!tpu.dma_semaphore, #tpu.memory_space<semaphore_mem>>)
        %dma_wait3A_26 = arith.constant 0 : i32
        %dma_wait3A_27 = tpu.memref_slice %arg7[%add3A_11, %dma_wait3A_26] : memref<320000x256xf32, #tpu.memory_space<hbm>> -> memref<80x256xf32, #tpu.memory_space<hbm>>
        %dma_wait3A_28 = arith.constant 0 : i32
        %dma_wait3A_29 = tpu.memref_slice %arg7[%add3A_11, %dma_wait3A_28] : memref<320000x256xf32, #tpu.memory_space<hbm>> -> memref<80x256xf32, #tpu.memory_space<hbm>>
        tpu.wait_dma2 semaphore(%run_scoped3A : memref<!tpu.dma_semaphore, #tpu.memory_space<semaphore_mem>>) src(%arg11 : memref<80x256xf32, #tpu.memory_space<vmem>>) dst(%dma_wait3A_29 : memref<80x256xf32, #tpu.memory_space<hbm>>)
        tpu.yield
      }) : () -> ()
    }
    %scan3A_7 = arith.constant 125 : i32
    return
  }
}

module attributes {stable_mosaic.version = 14 : i64} {
  func.func @_node_tables_body(%arg0: i32, %arg1: memref<2000x128xf32, #tpu.memory_space<vmem>>, %arg2: memref<2000x128xf32, #tpu.memory_space<vmem>>, %arg3: memref<2000x16xf32, #tpu.memory_space<vmem>>, %arg4: memref<2000x16xf32, #tpu.memory_space<vmem>>, %arg5: memref<256x128xf32, #tpu.memory_space<vmem>>, %arg6: memref<1x128xf32, #tpu.memory_space<vmem>>, %arg7: memref<48x128xf32, #tpu.memory_space<vmem>>, %arg8: memref<128x128xf32, #tpu.memory_space<vmem>>, %arg9: memref<1x128xf32, #tpu.memory_space<vmem>>, %arg10: memref<128x64xf32, #tpu.memory_space<vmem>>, %arg11: memref<1x64xf32, #tpu.memory_space<vmem>>, %arg12: memref<2000x384xf32, #tpu.memory_space<vmem>>, %arg13: memref<2000x256xf32, #tpu.memory_space<vmem>>) attributes {dimension_semantics = [#tpu.dimension_semantics<arbitrary>], iteration_bounds = array<i64: 5>, scalar_prefetch = 0 : i64, scratch_operands = 0 : i64, tpu.core_type = #tpu.core_type<tc>, window_params = [{transform_indices = @transform_0, window_bounds = array<i64: 2000, 128>}, {transform_indices = @transform_1, window_bounds = array<i64: 2000, 128>}, {transform_indices = @transform_2, window_bounds = array<i64: 2000, 16>}, {transform_indices = @transform_3, window_bounds = array<i64: 2000, 16>}, {pipeline_mode = #tpu.pipeline_mode<synchronous>, transform_indices = @transform_4, window_bounds = array<i64: 256, 128>}, {pipeline_mode = #tpu.pipeline_mode<synchronous>, transform_indices = @transform_5, window_bounds = array<i64: 1, 128>}, {pipeline_mode = #tpu.pipeline_mode<synchronous>, transform_indices = @transform_6, window_bounds = array<i64: 48, 128>}, {pipeline_mode = #tpu.pipeline_mode<synchronous>, transform_indices = @transform_7, window_bounds = array<i64: 128, 128>}, {pipeline_mode = #tpu.pipeline_mode<synchronous>, transform_indices = @transform_8, window_bounds = array<i64: 1, 128>}, {pipeline_mode = #tpu.pipeline_mode<synchronous>, transform_indices = @transform_9, window_bounds = array<i64: 128, 64>}, {pipeline_mode = #tpu.pipeline_mode<synchronous>, transform_indices = @transform_10, window_bounds = array<i64: 1, 64>}, {transform_indices = @transform_11, window_bounds = array<i64: 2000, 384>}, {transform_indices = @transform_12, window_bounds = array<i64: 2000, 256>}]} {
    %get3A = arith.constant 0 : index
    %get3A_0 = arith.constant 0 : index
    %get3A_1 = vector.load %arg1[%get3A, %get3A_0] : memref<2000x128xf32, #tpu.memory_space<vmem>>, vector<2000x128xf32>
    %get3A_2 = arith.constant 0 : index
    %get3A_3 = arith.constant 0 : index
    %get3A_4 = vector.load %arg5[%get3A_2, %get3A_3] : memref<256x128xf32, #tpu.memory_space<vmem>>, vector<128x128xf32>
    %dot_general3A = arith.constant dense<0.000000e+00> : vector<2000x128xf32>
    %dot_general3A_5 = tpu.matmul %get3A_1, %get3A_4, %dot_general3A {dimension_numbers = #tpu.dot_dimension_numbers<[1], [0], [0], [1], [0, 0, 1, 1], [], []>, transpose_lhs_hint = false} : vector<2000x128xf32>, vector<128x128xf32>, vector<2000x128xf32> -> vector<2000x128xf32>
    %get3A_6 = arith.constant 0 : index
    %get3A_7 = arith.constant 0 : index
    %get3A_8 = vector.load %arg6[%get3A_6, %get3A_7] : memref<1x128xf32, #tpu.memory_space<vmem>>, vector<1x128xf32>
    %add3A = vector.broadcast %get3A_8 : vector<1x128xf32> to vector<2000x128xf32>
    %add3A_9 = arith.addf %dot_general3A_5, %add3A : vector<2000x128xf32>
    %get3A_10 = arith.constant 0 : index
    %get3A_11 = arith.constant 0 : index
    %get3A_12 = vector.load %arg3[%get3A_10, %get3A_11] : memref<2000x16xf32, #tpu.memory_space<vmem>>, vector<2000x16xf32>
    %get3A_13 = arith.constant 16 : index
    %get3A_14 = arith.constant 0 : index
    %get3A_15 = vector.load %arg7[%get3A_13, %get3A_14] : memref<48x128xf32, #tpu.memory_space<vmem>>, vector<16x128xf32>
    %dot_general3A_16 = arith.constant dense<0.000000e+00> : vector<2000x128xf32>
    %dot_general3A_17 = tpu.matmul %get3A_12, %get3A_15, %dot_general3A_16 {dimension_numbers = #tpu.dot_dimension_numbers<[1], [0], [0], [1], [0, 0, 1, 1], [], []>, transpose_lhs_hint = false} : vector<2000x16xf32>, vector<16x128xf32>, vector<2000x128xf32> -> vector<2000x128xf32>
    %get3A_18 = arith.constant 0 : index
    %get3A_19 = arith.constant 0 : index
    %get3A_20 = vector.load %arg1[%get3A_18, %get3A_19] : memref<2000x128xf32, #tpu.memory_space<vmem>>, vector<2000x128xf32>
    %get3A_21 = arith.constant 0 : index
    %get3A_22 = arith.constant 0 : index
    %get3A_23 = vector.load %arg8[%get3A_21, %get3A_22] : memref<128x128xf32, #tpu.memory_space<vmem>>, vector<128x128xf32>
    %dot_general3A_24 = arith.constant dense<0.000000e+00> : vector<2000x128xf32>
    %dot_general3A_25 = tpu.matmul %get3A_20, %get3A_23, %dot_general3A_24 {dimension_numbers = #tpu.dot_dimension_numbers<[1], [0], [0], [1], [0, 0, 1, 1], [], []>, transpose_lhs_hint = false} : vector<2000x128xf32>, vector<128x128xf32>, vector<2000x128xf32> -> vector<2000x128xf32>
    %get3A_26 = arith.constant 0 : index
    %get3A_27 = arith.constant 0 : index
    %get3A_28 = vector.load %arg9[%get3A_26, %get3A_27] : memref<1x128xf32, #tpu.memory_space<vmem>>, vector<1x128xf32>
    %add3A_29 = vector.broadcast %get3A_28 : vector<1x128xf32> to vector<2000x128xf32>
    %add3A_30 = arith.addf %dot_general3A_25, %add3A_29 : vector<2000x128xf32>
    %max3A = arith.constant 0.000000e+00 : f32
    %max3A_31 = vector.broadcast %max3A : f32 to vector<2000x128xf32>
    %max3A_32 = arith.maximumf %add3A_30, %max3A_31 : vector<2000x128xf32>
    %get3A_33 = arith.constant 0 : index
    %get3A_34 = arith.constant 0 : index
    %get3A_35 = vector.load %arg10[%get3A_33, %get3A_34] : memref<128x64xf32, #tpu.memory_space<vmem>>, vector<128x64xf32>
    %dot_general3A_36 = arith.constant dense<0.000000e+00> : vector<2000x64xf32>
    %dot_general3A_37 = tpu.matmul %max3A_32, %get3A_35, %dot_general3A_36 {dimension_numbers = #tpu.dot_dimension_numbers<[1], [0], [0], [1], [0, 0, 1, 1], [], []>, transpose_lhs_hint = false} : vector<2000x128xf32>, vector<128x64xf32>, vector<2000x64xf32> -> vector<2000x64xf32>
    %get3A_38 = arith.constant 0 : index
    %get3A_39 = arith.constant 0 : index
    %get3A_40 = vector.load %arg11[%get3A_38, %get3A_39] : memref<1x64xf32, #tpu.memory_space<vmem>>, vector<1x64xf32>
    %add3A_41 = vector.broadcast %get3A_40 : vector<1x64xf32> to vector<2000x64xf32>
    %add3A_42 = arith.addf %dot_general3A_37, %add3A_41 : vector<2000x64xf32>
    %broadcast_in_dim3A = arith.constant 0.000000e+00 : f32
    %broadcast_in_dim3A_43 = vector.broadcast %broadcast_in_dim3A : f32 to vector<2000x64xf32>
    %concatenate3A = tpu.concatenate %add3A_9, %dot_general3A_17, %add3A_42, %broadcast_in_dim3A_43 in 1 : vector<2000x128xf32>, vector<2000x128xf32>, vector<2000x64xf32>, vector<2000x64xf32> -> vector<2000x384xf32>
    %swap3A = arith.constant 0 : index
    %swap3A_44 = arith.constant 0 : index
    %swap3A_45 = vector.load %arg12[%swap3A, %swap3A_44] : memref<2000x384xf32, #tpu.memory_space<vmem>>, vector<2000x384xf32>
    tpu.vector_store %arg12[%swap3A, %swap3A_44], %concatenate3A {strides = array<i32>} : memref<2000x384xf32, #tpu.memory_space<vmem>>, vector<2000x384xf32>,
    %get3A_46 = arith.constant 0 : index
    %get3A_47 = arith.constant 0 : index
    %get3A_48 = vector.load %arg2[%get3A_46, %get3A_47] : memref<2000x128xf32, #tpu.memory_space<vmem>>, vector<2000x128xf32>
    %get3A_49 = arith.constant 128 : index
    %get3A_50 = arith.constant 0 : index
    %get3A_51 = vector.load %arg5[%get3A_49, %get3A_50] : memref<256x128xf32, #tpu.memory_space<vmem>>, vector<128x128xf32>
    %dot_general3A_52 = arith.constant dense<0.000000e+00> : vector<2000x128xf32>
    %dot_general3A_53 = tpu.matmul %get3A_48, %get3A_51, %dot_general3A_52 {dimension_numbers = #tpu.dot_dimension_numbers<[1], [0], [0], [1], [0, 0, 1, 1], [], []>, transpose_lhs_hint = false} : vector<2000x128xf32>, vector<128x128xf32>, vector<2000x128xf32> -> vector<2000x128xf32>
    %get3A_54 = arith.constant 0 : index
    %get3A_55 = arith.constant 0 : index
    %get3A_56 = vector.load %arg4[%get3A_54, %get3A_55] : memref<2000x16xf32, #tpu.memory_space<vmem>>, vector<2000x16xf32>
    %get3A_57 = arith.constant 32 : index
    %get3A_58 = arith.constant 0 : index
    %get3A_59 = vector.load %arg7[%get3A_57, %get3A_58] : memref<48x128xf32, #tpu.memory_space<vmem>>, vector<16x128xf32>
    %dot_general3A_60 = arith.constant dense<0.000000e+00> : vector<2000x128xf32>
    %dot_general3A_61 = tpu.matmul %get3A_56, %get3A_59, %dot_general3A_60 {dimension_numbers = #tpu.dot_dimension_numbers<[1], [0], [0], [1], [0, 0, 1, 1], [], []>, transpose_lhs_hint = false} : vector<2000x16xf32>, vector<16x128xf32>, vector<2000x128xf32> -> vector<2000x128xf32>
    %concatenate3A_62 = tpu.concatenate %dot_general3A_53, %dot_general3A_61 in 1 : vector<2000x128xf32>, vector<2000x128xf32> -> vector<2000x256xf32>
    %swap3A_63 = arith.constant 0 : index
    %swap3A_64 = arith.constant 0 : index
    %swap3A_65 = vector.load %arg13[%swap3A_63, %swap3A_64] : memref<2000x256xf32, #tpu.memory_space<vmem>>, vector<2000x256xf32>
    tpu.vector_store %arg13[%swap3A_63, %swap3A_64], %concatenate3A_62 {strides = array<i32>} : memref<2000x256xf32, #tpu.memory_space<vmem>>, vector<2000x256xf32>,
    return
  }
  func.func @transform_0(%arg0: i32) -> (i32, i32) {
    %c0_i32 = arith.constant 0 : i32
    %c0_i32_0 = arith.constant 0 : i32
    return %arg0, %c0_i32 : i32, i32
  }
  func.func @transform_1(%arg0: i32) -> (i32, i32) {
    %c0_i32 = arith.constant 0 : i32
    %c0_i32_0 = arith.constant 0 : i32
    return %arg0, %c0_i32 : i32, i32
  }
  func.func @transform_2(%arg0: i32) -> (i32, i32) {
    %c0_i32 = arith.constant 0 : i32
    %c0_i32_0 = arith.constant 0 : i32
    return %arg0, %c0_i32 : i32, i32
  }
  func.func @transform_3(%arg0: i32) -> (i32, i32) {
    %c0_i32 = arith.constant 0 : i32
    %c0_i32_0 = arith.constant 0 : i32
    return %arg0, %c0_i32 : i32, i32
  }
  func.func @transform_4(%arg0: i32) -> (i32, i32) {
    %c0_i32 = arith.constant 0 : i32
    %c0_i32_0 = arith.constant 0 : i32
    %c0_i32_1 = arith.constant 0 : i32
    return %c0_i32, %c0_i32_0 : i32, i32
  }
  func.func @transform_5(%arg0: i32) -> (i32, i32) {
    %c0_i32 = arith.constant 0 : i32
    %c0_i32_0 = arith.constant 0 : i32
    %c0_i32_1 = arith.constant 0 : i32
    return %c0_i32, %c0_i32_0 : i32, i32
  }
  func.func @transform_6(%arg0: i32) -> (i32, i32) {
    %c0_i32 = arith.constant 0 : i32
    %c0_i32_0 = arith.constant 0 : i32
    %c0_i32_1 = arith.constant 0 : i32
    return %c0_i32, %c0_i32_0 : i32, i32
  }
  func.func @transform_7(%arg0: i32) -> (i32, i32) {
    %c0_i32 = arith.constant 0 : i32
    %c0_i32_0 = arith.constant 0 : i32
    %c0_i32_1 = arith.constant 0 : i32
    return %c0_i32, %c0_i32_0 : i32, i32
  }
  func.func @transform_8(%arg0: i32) -> (i32, i32) {
    %c0_i32 = arith.constant 0 : i32
    %c0_i32_0 = arith.constant 0 : i32
    %c0_i32_1 = arith.constant 0 : i32
    return %c0_i32, %c0_i32_0 : i32, i32
  }
  func.func @transform_9(%arg0: i32) -> (i32, i32) {
    %c0_i32 = arith.constant 0 : i32
    %c0_i32_0 = arith.constant 0 : i32
    %c0_i32_1 = arith.constant 0 : i32
    return %c0_i32, %c0_i32_0 : i32, i32
  }
  func.func @transform_10(%arg0: i32) -> (i32, i32) {
    %c0_i32 = arith.constant 0 : i32
    %c0_i32_0 = arith.constant 0 : i32
    %c0_i32_1 = arith.constant 0 : i32
    return %c0_i32, %c0_i32_0 : i32, i32
  }
  func.func @transform_11(%arg0: i32) -> (i32, i32) {
    %c0_i32 = arith.constant 0 : i32
    %c0_i32_0 = arith.constant 0 : i32
    return %arg0, %c0_i32 : i32, i32
  }
  func.func @transform_12(%arg0: i32) -> (i32, i32) {
    %c0_i32 = arith.constant 0 : i32
    %c0_i32_0 = arith.constant 0 : i32
    return %arg0, %c0_i32 : i32, i32
  }
}

module attributes {stable_mosaic.version = 14 : i64} {
  func.func @_edge_math_body(%arg0: i32, %arg1: memref<1600x384xf32, #tpu.memory_space<vmem>>, %arg2: memref<1600x256xf32, #tpu.memory_space<vmem>>, %arg3: memref<1600x16xf32, #tpu.memory_space<vmem>>, %arg4: memref<800x1xi32, #tpu.memory_space<vmem>>, %arg5: memref<800x1xi32, #tpu.memory_space<vmem>>, %arg6: memref<48x128xf32, #tpu.memory_space<vmem>>, %arg7: memref<1x128xf32, #tpu.memory_space<vmem>>, %arg8: memref<128x128xf32, #tpu.memory_space<vmem>>, %arg9: memref<1x128xf32, #tpu.memory_space<vmem>>, %arg10: memref<128x1xf32, #tpu.memory_space<vmem>>, %arg11: memref<1x1xf32, #tpu.memory_space<vmem>>, %arg12: memref<128x1xf32, #tpu.memory_space<vmem>>, %arg13: memref<1x1xf32, #tpu.memory_space<vmem>>, %arg14: memref<800x16xi32, #tpu.memory_space<vmem>>, %arg15: memref<800x16xi32, #tpu.memory_space<vmem>>, %arg16: memref<1600x8xf32, #tpu.memory_space<vmem>>, %arg17: memref<1600x8xf32, #tpu.memory_space<vmem>>, %arg18: memref<1600x8xf32, #tpu.memory_space<vmem>>, %arg19: memref<1600x8xf32, #tpu.memory_space<vmem>>, %arg20: memref<1600x8xf32, #tpu.memory_space<vmem>>, %arg21: memref<1600x8xf32, #tpu.memory_space<vmem>>, %arg22: memref<1600x8xf32, #tpu.memory_space<vmem>>, %arg23: memref<1600x8xf32, #tpu.memory_space<vmem>>) attributes {dimension_semantics = [#tpu.dimension_semantics<arbitrary>], iteration_bounds = array<i64: 200>, scalar_prefetch = 0 : i64, scratch_operands = 0 : i64, tpu.core_type = #tpu.core_type<tc>, window_params = [{transform_indices = @transform_0, window_bounds = array<i64: 1600, 384>}, {transform_indices = @transform_1, window_bounds = array<i64: 1600, 256>}, {transform_indices = @transform_2, window_bounds = array<i64: 1600, 16>}, {transform_indices = @transform_3, window_bounds = array<i64: 800, 1>}, {transform_indices = @transform_4, window_bounds = array<i64: 800, 1>}, {pipeline_mode = #tpu.pipeline_mode<synchronous>, transform_indices = @transform_5, window_bounds = array<i64: 48, 128>}, {pipeline_mode = #tpu.pipeline_mode<synchronous>, transform_indices = @transform_6, window_bounds = array<i64: 1, 128>}, {pipeline_mode = #tpu.pipeline_mode<synchronous>, transform_indices = @transform_7, window_bounds = array<i64: 128, 128>}, {pipeline_mode = #tpu.pipeline_mode<synchronous>, transform_indices = @transform_8, window_bounds = array<i64: 1, 128>}, {pipeline_mode = #tpu.pipeline_mode<synchronous>, transform_indices = @transform_9, window_bounds = array<i64: 128, 1>}, {pipeline_mode = #tpu.pipeline_mode<synchronous>, transform_indices = @transform_10, window_bounds = array<i64: 1, 1>}, {pipeline_mode = #tpu.pipeline_mode<synchronous>, transform_indices = @transform_11, window_bounds = array<i64: 128, 1>}, {pipeline_mode = #tpu.pipeline_mode<synchronous>, transform_indices = @transform_12, window_bounds = array<i64: 1, 1>}, {transform_indices = @transform_13, window_bounds = array<i64: 800, 16>}, {transform_indices = @transform_14, window_bounds = array<i64: 800, 16>}, {transform_indices = @transform_15, window_bounds = array<i64: 1600, 8>}, {transform_indices = @transform_16, window_bounds = array<i64: 1600, 8>}, {transform_indices = @transform_17, window_bounds = array<i64: 1600, 8>}, {transform_indices = @transform_18, window_bounds = array<i64: 1600, 8>}, {transform_indices = @transform_19, window_bounds = array<i64: 1600, 8>}, {transform_indices = @transform_20, window_bounds = array<i64: 1600, 8>}, {transform_indices = @transform_21, window_bounds = array<i64: 1600, 8>}, {transform_indices = @transform_22, window_bounds = array<i64: 1600, 8>}]} {
    %get3A = arith.constant 0 : index
    %get3A_0 = arith.constant 0 : index
    %get3A_1 = vector.load %arg3[%get3A, %get3A_0] : memref<1600x16xf32, #tpu.memory_space<vmem>>, vector<1600x16xf32>
    %get3A_2 = arith.constant 0 : index
    %get3A_3 = arith.constant 0 : index
    %get3A_4 = vector.load %arg6[%get3A_2, %get3A_3] : memref<48x128xf32, #tpu.memory_space<vmem>>, vector<16x128xf32>
    %dot_general3A = arith.constant dense<0.000000e+00> : vector<1600x128xf32>
    %dot_general3A_5 = tpu.matmul %get3A_1, %get3A_4, %dot_general3A {dimension_numbers = #tpu.dot_dimension_numbers<[1], [0], [0], [1], [0, 0, 1, 1], [], []>, transpose_lhs_hint = false} : vector<1600x16xf32>, vector<16x128xf32>, vector<1600x128xf32> -> vector<1600x128xf32>
    %get3A_6 = arith.constant 0 : index
    %get3A_7 = arith.constant 0 : index
    %get3A_8 = vector.load %arg7[%get3A_6, %get3A_7] : memref<1x128xf32, #tpu.memory_space<vmem>>, vector<1x128xf32>
    %add3A = vector.broadcast %get3A_8 : vector<1x128xf32> to vector<1600x128xf32>
    %add3A_9 = arith.addf %dot_general3A_5, %add3A : vector<1600x128xf32>
    %get3A_10 = arith.constant 0 : index
    %get3A_11 = arith.constant 128 : index
    %get3A_12 = vector.load %arg1[%get3A_10, %get3A_11] : memref<1600x384xf32, #tpu.memory_space<vmem>>, vector<1600x128xf32>
    %add3A_13 = arith.addf %add3A_9, %get3A_12 : vector<1600x128xf32>
    %get3A_14 = arith.constant 0 : index
    %get3A_15 = arith.constant 128 : index
    %get3A_16 = vector.load %arg2[%get3A_14, %get3A_15] : memref<1600x256xf32, #tpu.memory_space<vmem>>, vector<1600x128xf32>
    %add3A_17 = arith.addf %add3A_13, %get3A_16 : vector<1600x128xf32>
    %max3A = arith.constant 0.000000e+00 : f32
    %max3A_18 = vector.broadcast %max3A : f32 to vector<1600x128xf32>
    %max3A_19 = arith.maximumf %add3A_17, %max3A_18 : vector<1600x128xf32>
    %get3A_20 = arith.constant 0 : index
    %get3A_21 = arith.constant 0 : index
    %get3A_22 = vector.load %arg8[%get3A_20, %get3A_21] : memref<128x128xf32, #tpu.memory_space<vmem>>, vector<128x128xf32>
    %get3A_23 = arith.constant 0 : index
    %get3A_24 = arith.constant 0 : index
    %get3A_25 = vector.load %arg10[%get3A_23, %get3A_24] : memref<128x1xf32, #tpu.memory_space<vmem>>, vector<128x1xf32>
    %dot_general3A_26 = arith.constant dense<0.000000e+00> : vector<128x1xf32>
    %dot_general3A_27 = tpu.matmul %get3A_22, %get3A_25, %dot_general3A_26 {dimension_numbers = #tpu.dot_dimension_numbers<[1], [0], [0], [1], [0, 0, 1, 1], [], []>, transpose_lhs_hint = false} : vector<128x128xf32>, vector<128x1xf32>, vector<128x1xf32> -> vector<128x1xf32>
    %get3A_28 = arith.constant 0 : index
    %get3A_29 = arith.constant 0 : index
    %get3A_30 = vector.load %arg9[%get3A_28, %get3A_29] : memref<1x128xf32, #tpu.memory_space<vmem>>, vector<1x128xf32>
    %get3A_31 = arith.constant 0 : index
    %get3A_32 = arith.constant 0 : index
    %get3A_33 = vector.load %arg10[%get3A_31, %get3A_32] : memref<128x1xf32, #tpu.memory_space<vmem>>, vector<128x1xf32>
    %dot_general3A_34 = arith.constant dense<0.000000e+00> : vector<1x1xf32>
    %dot_general3A_35 = tpu.matmul %get3A_30, %get3A_33, %dot_general3A_34 {dimension_numbers = #tpu.dot_dimension_numbers<[1], [0], [0], [1], [0, 0, 1, 1], [], []>, transpose_lhs_hint = false} : vector<1x128xf32>, vector<128x1xf32>, vector<1x1xf32> -> vector<1x1xf32>
    %get3A_36 = arith.constant 0 : index
    %get3A_37 = arith.constant 0 : index
    %get3A_38 = vector.load %arg11[%get3A_36, %get3A_37] : memref<1x1xf32, #tpu.memory_space<vmem>>, vector<1x1xf32>
    %add3A_39 = arith.addf %dot_general3A_35, %get3A_38 : vector<1x1xf32>
    %dot_general3A_40 = arith.constant dense<0.000000e+00> : vector<1600x1xf32>
    %dot_general3A_41 = tpu.matmul %max3A_19, %dot_general3A_27, %dot_general3A_40 {dimension_numbers = #tpu.dot_dimension_numbers<[1], [0], [0], [1], [0, 0, 1, 1], [], []>, transpose_lhs_hint = false} : vector<1600x128xf32>, vector<128x1xf32>, vector<1600x1xf32> -> vector<1600x1xf32>
    %add3A_42 = vector.broadcast %add3A_39 : vector<1x1xf32> to vector<1600x1xf32>
    %add3A_43 = arith.addf %dot_general3A_41, %add3A_42 : vector<1600x1xf32>
    %custom_jvp_call3A = arith.constant 0.000000e+00 : f32
    %max3A_44 = vector.broadcast %custom_jvp_call3A : f32 to vector<1600x1xf32>
    %max3A_45 = arith.maximumf %add3A_43, %max3A_44 : vector<1600x1xf32>
    %sub3A = vector.broadcast %custom_jvp_call3A : f32 to vector<1600x1xf32>
    %sub3A_46 = arith.subf %add3A_43, %sub3A : vector<1600x1xf32>
    %ne3A = arith.cmpf one, %sub3A_46, %sub3A_46 : vector<1600x1xf32>
    %add3A_47 = vector.broadcast %custom_jvp_call3A : f32 to vector<1600x1xf32>
    %add3A_48 = arith.addf %add3A_43, %add3A_47 : vector<1600x1xf32>
    %abs3A = math.absf %sub3A_46 : vector<1600x1xf32>
    %neg3A = arith.constant 0.000000e+00 : f32
    %neg3A_49 = vector.broadcast %neg3A : f32 to vector<1600x1xf32>
    %neg3A_50 = arith.subf %neg3A_49, %abs3A : vector<1600x1xf32>
    %exp3A = math.exp %neg3A_50 : vector<1600x1xf32>
    %log1p3A = math.log1p %exp3A : vector<1600x1xf32>
    %add3A_51 = arith.addf %max3A_45, %log1p3A : vector<1600x1xf32>
    %select_n3A = arith.select %ne3A, %add3A_48, %add3A_51 : vector<1600x1xi1>, vector<1600x1xf32>
    %get3A_52 = arith.constant 0 : index
    %get3A_53 = arith.constant 0 : index
    %get3A_54 = vector.load %arg1[%get3A_52, %get3A_53] : memref<1600x384xf32, #tpu.memory_space<vmem>>, vector<1600x128xf32>
    %get3A_55 = arith.constant 0 : index
    %get3A_56 = arith.constant 0 : index
    %get3A_57 = vector.load %arg2[%get3A_55, %get3A_56] : memref<1600x256xf32, #tpu.memory_space<vmem>>, vector<1600x128xf32>
    %add3A_58 = arith.addf %get3A_54, %get3A_57 : vector<1600x128xf32>
    %max3A_59 = arith.constant 0.000000e+00 : f32
    %max3A_60 = vector.broadcast %max3A_59 : f32 to vector<1600x128xf32>
    %max3A_61 = arith.maximumf %add3A_58, %max3A_60 : vector<1600x128xf32>
    %get3A_62 = arith.constant 0 : index
    %get3A_63 = arith.constant 0 : index
    %get3A_64 = vector.load %arg12[%get3A_62, %get3A_63] : memref<128x1xf32, #tpu.memory_space<vmem>>, vector<128x1xf32>
    %dot_general3A_65 = arith.constant dense<0.000000e+00> : vector<1600x1xf32>
    %dot_general3A_66 = tpu.matmul %max3A_61, %get3A_64, %dot_general3A_65 {dimension_numbers = #tpu.dot_dimension_numbers<[1], [0], [0], [1], [0, 0, 1, 1], [], []>, transpose_lhs_hint = false} : vector<1600x128xf32>, vector<128x1xf32>, vector<1600x1xf32> -> vector<1600x1xf32>
    %get3A_67 = arith.constant 0 : index
    %get3A_68 = arith.constant 0 : index
    %get3A_69 = vector.load %arg13[%get3A_67, %get3A_68] : memref<1x1xf32, #tpu.memory_space<vmem>>, vector<1x1xf32>
    %add3A_70 = vector.broadcast %get3A_69 : vector<1x1xf32> to vector<1600x1xf32>
    %add3A_71 = arith.addf %dot_general3A_66, %add3A_70 : vector<1600x1xf32>
    %logistic3A = arith.negf %add3A_71 : vector<1600x1xf32>
    %logistic3A_72 = math.exp %logistic3A : vector<1600x1xf32>
    %logistic3A_73 = arith.constant 1.000000e+00 : f32
    %logistic3A_74 = vector.broadcast %logistic3A_73 : f32 to vector<1600x1xf32>
    %logistic3A_75 = arith.addf %logistic3A_74, %logistic3A_72 : vector<1600x1xf32>
    %logistic3A_76 = arith.divf %logistic3A_74, %logistic3A_75 : vector<1600x1xf32>
    %mul3A = arith.mulf %select_n3A, %logistic3A_76 : vector<1600x1xf32>
    %get3A_77 = arith.constant 0 : index
    %get3A_78 = arith.constant 256 : index
    %get3A_79 = vector.load %arg1[%get3A_77, %get3A_78] : memref<1600x384xf32, #tpu.memory_space<vmem>>, vector<1600x64xf32>
    %mul3A_80 = vector.broadcast %mul3A : vector<1600x1xf32> to vector<1600x64xf32>
    %mul3A_81 = arith.mulf %mul3A_80, %get3A_79 : vector<1600x64xf32>
    %slice3A = vector.extract_strided_slice %mul3A_81 {offsets = [0, 0], sizes = [1600, 8], strides = [1, 1]} : vector<1600x64xf32> to vector<1600x8xf32>
    %swap3A = arith.constant 0 : index
    %swap3A_82 = arith.constant 0 : index
    %swap3A_83 = vector.load %arg16[%swap3A, %swap3A_82] : memref<1600x8xf32, #tpu.memory_space<vmem>>, vector<1600x8xf32>
    tpu.vector_store %arg16[%swap3A, %swap3A_82], %slice3A {strides = array<i32>} : memref<1600x8xf32, #tpu.memory_space<vmem>>, vector<1600x8xf32>,
    %slice3A_84 = vector.extract_strided_slice %mul3A_81 {offsets = [0, 8], sizes = [1600, 8], strides = [1, 1]} : vector<1600x64xf32> to vector<1600x8xf32>
    %swap3A_85 = arith.constant 0 : index
    %swap3A_86 = arith.constant 0 : index
    %swap3A_87 = vector.load %arg17[%swap3A_85, %swap3A_86] : memref<1600x8xf32, #tpu.memory_space<vmem>>, vector<1600x8xf32>
    tpu.vector_store %arg17[%swap3A_85, %swap3A_86], %slice3A_84 {strides = array<i32>} : memref<1600x8xf32, #tpu.memory_space<vmem>>, vector<1600x8xf32>,
    %slice3A_88 = vector.extract_strided_slice %mul3A_81 {offsets = [0, 16], sizes = [1600, 8], strides = [1, 1]} : vector<1600x64xf32> to vector<1600x8xf32>
    %swap3A_89 = arith.constant 0 : index
    %swap3A_90 = arith.constant 0 : index
    %swap3A_91 = vector.load %arg18[%swap3A_89, %swap3A_90] : memref<1600x8xf32, #tpu.memory_space<vmem>>, vector<1600x8xf32>
    tpu.vector_store %arg18[%swap3A_89, %swap3A_90], %slice3A_88 {strides = array<i32>} : memref<1600x8xf32, #tpu.memory_space<vmem>>, vector<1600x8xf32>,
    %slice3A_92 = vector.extract_strided_slice %mul3A_81 {offsets = [0, 24], sizes = [1600, 8], strides = [1, 1]} : vector<1600x64xf32> to vector<1600x8xf32>
    %swap3A_93 = arith.constant 0 : index
    %swap3A_94 = arith.constant 0 : index
    %swap3A_95 = vector.load %arg19[%swap3A_93, %swap3A_94] : memref<1600x8xf32, #tpu.memory_space<vmem>>, vector<1600x8xf32>
    tpu.vector_store %arg19[%swap3A_93, %swap3A_94], %slice3A_92 {strides = array<i32>} : memref<1600x8xf32, #tpu.memory_space<vmem>>, vector<1600x8xf32>,
    %slice3A_96 = vector.extract_strided_slice %mul3A_81 {offsets = [0, 32], sizes = [1600, 8], strides = [1, 1]} : vector<1600x64xf32> to vector<1600x8xf32>
    %swap3A_97 = arith.constant 0 : index
    %swap3A_98 = arith.constant 0 : index
    %swap3A_99 = vector.load %arg20[%swap3A_97, %swap3A_98] : memref<1600x8xf32, #tpu.memory_space<vmem>>, vector<1600x8xf32>
    tpu.vector_store %arg20[%swap3A_97, %swap3A_98], %slice3A_96 {strides = array<i32>} : memref<1600x8xf32, #tpu.memory_space<vmem>>, vector<1600x8xf32>,
    %slice3A_100 = vector.extract_strided_slice %mul3A_81 {offsets = [0, 40], sizes = [1600, 8], strides = [1, 1]} : vector<1600x64xf32> to vector<1600x8xf32>
    %swap3A_101 = arith.constant 0 : index
    %swap3A_102 = arith.constant 0 : index
    %swap3A_103 = vector.load %arg21[%swap3A_101, %swap3A_102] : memref<1600x8xf32, #tpu.memory_space<vmem>>, vector<1600x8xf32>
    tpu.vector_store %arg21[%swap3A_101, %swap3A_102], %slice3A_100 {strides = array<i32>} : memref<1600x8xf32, #tpu.memory_space<vmem>>, vector<1600x8xf32>,
    %slice3A_104 = vector.extract_strided_slice %mul3A_81 {offsets = [0, 48], sizes = [1600, 8], strides = [1, 1]} : vector<1600x64xf32> to vector<1600x8xf32>
    %swap3A_105 = arith.constant 0 : index
    %swap3A_106 = arith.constant 0 : index
    %swap3A_107 = vector.load %arg22[%swap3A_105, %swap3A_106] : memref<1600x8xf32, #tpu.memory_space<vmem>>, vector<1600x8xf32>
    tpu.vector_store %arg22[%swap3A_105, %swap3A_106], %slice3A_104 {strides = array<i32>} : memref<1600x8xf32, #tpu.memory_space<vmem>>, vector<1600x8xf32>,
    %slice3A_108 = vector.extract_strided_slice %mul3A_81 {offsets = [0, 56], sizes = [1600, 8], strides = [1, 1]} : vector<1600x64xf32> to vector<1600x8xf32>
    %swap3A_109 = arith.constant 0 : index
    %swap3A_110 = arith.constant 0 : index
    %swap3A_111 = vector.load %arg23[%swap3A_109, %swap3A_110] : memref<1600x8xf32, #tpu.memory_space<vmem>>, vector<1600x8xf32>
    tpu.vector_store %arg23[%swap3A_109, %swap3A_110], %slice3A_108 {strides = array<i32>} : memref<1600x8xf32, #tpu.memory_space<vmem>>, vector<1600x8xf32>,
    %get3A_112 = arith.constant 0 : index
    %get3A_113 = arith.constant 0 : index
    %get3A_114 = vector.load %arg4[%get3A_112, %get3A_113] : memref<800x1xi32, #tpu.memory_space<vmem>>, vector<800x1xi32>
    %get3A_115 = arith.constant 0 : index
    %get3A_116 = arith.constant 0 : index
    %get3A_117 = vector.load %arg5[%get3A_115, %get3A_116] : memref<800x1xi32, #tpu.memory_space<vmem>>, vector<800x1xi32>
    %iota3A = tpu.iota {dimensions = array<i32: 1>} : vector<800x16xi32>
    %ge3A = arith.constant 8 : i32
    %ge3A_118 = vector.broadcast %ge3A : i32 to vector<800x16xi32>
    %ge3A_119 = arith.cmpi sge, %iota3A, %ge3A_118 : vector<800x16xi32>
    %iota3A_120 = tpu.iota {dimensions = array<i32: 1>} : vector<800x16xi32>
    %convert_element_type3A = arith.extui %ge3A_119 : vector<800x16xi1> to vector<800x16xi32>
    %mul3A_121 = arith.constant 8 : i32
    %mul3A_122 = vector.broadcast %mul3A_121 : i32 to vector<800x16xi32>
    %mul3A_123 = arith.muli %mul3A_122, %convert_element_type3A : vector<800x16xi32>
    %sub3A_124 = arith.subi %iota3A_120, %mul3A_123 : vector<800x16xi32>
    %mul3A_125 = arith.constant 8 : i32
    %mul3A_126 = vector.broadcast %mul3A_125 : i32 to vector<800x1xi32>
    %mul3A_127 = arith.muli %get3A_117, %mul3A_126 : vector<800x1xi32>
    %mul3A_128 = arith.constant 8 : i32
    %mul3A_129 = vector.broadcast %mul3A_128 : i32 to vector<800x1xi32>
    %mul3A_130 = arith.muli %get3A_114, %mul3A_129 : vector<800x1xi32>
    %broadcast_in_dim3A = vector.shape_cast %mul3A_127 : vector<800x1xi32> to vector<800x1xi32>
    %broadcast_in_dim3A_131 = vector.broadcast %broadcast_in_dim3A : vector<800x1xi32> to vector<800x16xi32>
    %broadcast_in_dim3A_132 = vector.shape_cast %mul3A_130 : vector<800x1xi32> to vector<800x1xi32>
    %broadcast_in_dim3A_133 = vector.broadcast %broadcast_in_dim3A_132 : vector<800x1xi32> to vector<800x16xi32>
    %select_n3A_134 = arith.select %ge3A_119, %broadcast_in_dim3A_131, %broadcast_in_dim3A_133 : vector<800x16xi1>, vector<800x16xi32>
    %add3A_135 = arith.addi %select_n3A_134, %sub3A_124 : vector<800x16xi32>
    %swap3A_136 = arith.constant 0 : index
    %swap3A_137 = arith.constant 0 : index
    %swap3A_138 = vector.load %arg14[%swap3A_136, %swap3A_137] : memref<800x16xi32, #tpu.memory_space<vmem>>, vector<800x16xi32>
    tpu.vector_store %arg14[%swap3A_136, %swap3A_137], %add3A_135 {strides = array<i32>} : memref<800x16xi32, #tpu.memory_space<vmem>>, vector<800x16xi32>,
    %eq3A = arith.cmpi eq, %get3A_114, %get3A_117 : vector<800x1xi32>
    %and3A = vector.broadcast %eq3A : vector<800x1xi1> to vector<800x16xi1>
    %and3A_139 = arith.andi %ge3A_119, %and3A : vector<800x16xi1>
    %convert_element_type3A_140 = arith.extui %and3A_139 : vector<800x16xi1> to vector<800x16xi32>
    %swap3A_141 = arith.constant 0 : index
    %swap3A_142 = arith.constant 0 : index
    %swap3A_143 = vector.load %arg15[%swap3A_141, %swap3A_142] : memref<800x16xi32, #tpu.memory_space<vmem>>, vector<800x16xi32>
    tpu.vector_store %arg15[%swap3A_141, %swap3A_142], %convert_element_type3A_140 {strides = array<i32>} : memref<800x16xi32, #tpu.memory_space<vmem>>, vector<800x16xi32>,
    return
  }
  func.func @transform_0(%arg0: i32) -> (i32, i32) {
    %c0_i32 = arith.constant 0 : i32
    %c0_i32_0 = arith.constant 0 : i32
    return %arg0, %c0_i32 : i32, i32
  }
  func.func @transform_1(%arg0: i32) -> (i32, i32) {
    %c0_i32 = arith.constant 0 : i32
    %c0_i32_0 = arith.constant 0 : i32
    return %arg0, %c0_i32 : i32, i32
  }
  func.func @transform_2(%arg0: i32) -> (i32, i32) {
    %c0_i32 = arith.constant 0 : i32
    %c0_i32_0 = arith.constant 0 : i32
    return %arg0, %c0_i32 : i32, i32
  }
  func.func @transform_3(%arg0: i32) -> (i32, i32) {
    %c0_i32 = arith.constant 0 : i32
    %c0_i32_0 = arith.constant 0 : i32
    return %arg0, %c0_i32 : i32, i32
  }
  func.func @transform_4(%arg0: i32) -> (i32, i32) {
    %c0_i32 = arith.constant 0 : i32
    %c0_i32_0 = arith.constant 0 : i32
    return %arg0, %c0_i32 : i32, i32
  }
  func.func @transform_5(%arg0: i32) -> (i32, i32) {
    %c0_i32 = arith.constant 0 : i32
    %c0_i32_0 = arith.constant 0 : i32
    %c0_i32_1 = arith.constant 0 : i32
    return %c0_i32, %c0_i32_0 : i32, i32
  }
  func.func @transform_6(%arg0: i32) -> (i32, i32) {
    %c0_i32 = arith.constant 0 : i32
    %c0_i32_0 = arith.constant 0 : i32
    %c0_i32_1 = arith.constant 0 : i32
    return %c0_i32, %c0_i32_0 : i32, i32
  }
  func.func @transform_7(%arg0: i32) -> (i32, i32) {
    %c0_i32 = arith.constant 0 : i32
    %c0_i32_0 = arith.constant 0 : i32
    %c0_i32_1 = arith.constant 0 : i32
    return %c0_i32, %c0_i32_0 : i32, i32
  }
  func.func @transform_8(%arg0: i32) -> (i32, i32) {
    %c0_i32 = arith.constant 0 : i32
    %c0_i32_0 = arith.constant 0 : i32
    %c0_i32_1 = arith.constant 0 : i32
    return %c0_i32, %c0_i32_0 : i32, i32
  }
  func.func @transform_9(%arg0: i32) -> (i32, i32) {
    %c0_i32 = arith.constant 0 : i32
    %c0_i32_0 = arith.constant 0 : i32
    %c0_i32_1 = arith.constant 0 : i32
    return %c0_i32, %c0_i32_0 : i32, i32
  }
  func.func @transform_10(%arg0: i32) -> (i32, i32) {
    %c0_i32 = arith.constant 0 : i32
    %c0_i32_0 = arith.constant 0 : i32
    %c0_i32_1 = arith.constant 0 : i32
    return %c0_i32, %c0_i32_0 : i32, i32
  }
  func.func @transform_11(%arg0: i32) -> (i32, i32) {
    %c0_i32 = arith.constant 0 : i32
    %c0_i32_0 = arith.constant 0 : i32
    %c0_i32_1 = arith.constant 0 : i32
    return %c0_i32, %c0_i32_0 : i32, i32
  }
  func.func @transform_12(%arg0: i32) -> (i32, i32) {
    %c0_i32 = arith.constant 0 : i32
    %c0_i32_0 = arith.constant 0 : i32
    %c0_i32_1 = arith.constant 0 : i32
    return %c0_i32, %c0_i32_0 : i32, i32
  }
  func.func @transform_13(%arg0: i32) -> (i32, i32) {
    %c0_i32 = arith.constant 0 : i32
    %c0_i32_0 = arith.constant 0 : i32
    return %arg0, %c0_i32 : i32, i32
  }
  func.func @transform_14(%arg0: i32) -> (i32, i32) {
    %c0_i32 = arith.constant 0 : i32
    %c0_i32_0 = arith.constant 0 : i32
    return %arg0, %c0_i32 : i32, i32
  }
  func.func @transform_15(%arg0: i32) -> (i32, i32) {
    %c0_i32 = arith.constant 0 : i32
    %c0_i32_0 = arith.constant 0 : i32
    return %arg0, %c0_i32 : i32, i32
  }
  func.func @transform_16(%arg0: i32) -> (i32, i32) {
    %c0_i32 = arith.constant 0 : i32
    %c0_i32_0 = arith.constant 0 : i32
    return %arg0, %c0_i32 : i32, i32
  }
  func.func @transform_17(%arg0: i32) -> (i32, i32) {
    %c0_i32 = arith.constant 0 : i32
    %c0_i32_0 = arith.constant 0 : i32
    return %arg0, %c0_i32 : i32, i32
  }
  func.func @transform_18(%arg0: i32) -> (i32, i32) {
    %c0_i32 = arith.constant 0 : i32
    %c0_i32_0 = arith.constant 0 : i32
    return %arg0, %c0_i32 : i32, i32
  }
  func.func @transform_19(%arg0: i32) -> (i32, i32) {
    %c0_i32 = arith.constant 0 : i32
    %c0_i32_0 = arith.constant 0 : i32
    return %arg0, %c0_i32 : i32, i32
  }
  func.func @transform_20(%arg0: i32) -> (i32, i32) {
    %c0_i32 = arith.constant 0 : i32
    %c0_i32_0 = arith.constant 0 : i32
    return %arg0, %c0_i32 : i32, i32
  }
  func.func @transform_21(%arg0: i32) -> (i32, i32) {
    %c0_i32 = arith.constant 0 : i32
    %c0_i32_0 = arith.constant 0 : i32
    return %arg0, %c0_i32 : i32, i32
  }
  func.func @transform_22(%arg0: i32) -> (i32, i32) {
    %c0_i32 = arith.constant 0 : i32
    %c0_i32_0 = arith.constant 0 : i32
    return %arg0, %c0_i32 : i32, i32
  }
}

module attributes {stable_mosaic.version = 14 : i64} {
  func.func @_sum_body(%arg0: i32, %arg1: memref<32x512x128xf32, #tpu.memory_space<vmem>>, %arg2: memref<512x128xf32, #tpu.memory_space<vmem>>) attributes {dimension_semantics = [#tpu.dimension_semantics<arbitrary>], iteration_bounds = array<i64: 10>, scalar_prefetch = 0 : i64, scratch_operands = 0 : i64, tpu.core_type = #tpu.core_type<tc>, window_params = [{transform_indices = @transform_0, window_bounds = array<i64: 32, 512, 128>}, {transform_indices = @transform_1, window_bounds = array<i64: 512, 128>}]} {
    %get3A = arith.constant 0 : index
    %get3A_0 = arith.constant 0 : index
    %get3A_1 = arith.constant 0 : index
    %get3A_2 = vector.load %arg1[%get3A, %get3A_0, %get3A_1] : memref<32x512x128xf32, #tpu.memory_space<vmem>>, vector<32x512x128xf32>
    %reduce_sum3A = arith.constant dense<0.000000e+00> : vector<512x128xf32>
    %reduce_sum3A_3 = vector.multi_reduction <add>, %get3A_2, %reduce_sum3A [0] : vector<32x512x128xf32> to vector<512x128xf32>
    %swap3A = arith.constant 0 : index
    %swap3A_4 = arith.constant 0 : index
    %swap3A_5 = vector.load %arg2[%swap3A, %swap3A_4] : memref<512x128xf32, #tpu.memory_space<vmem>>, vector<512x128xf32>
    tpu.vector_store %arg2[%swap3A, %swap3A_4], %reduce_sum3A_3 {strides = array<i32>} : memref<512x128xf32, #tpu.memory_space<vmem>>, vector<512x128xf32>,
    return
  }
  func.func @transform_0(%arg0: i32) -> (i32, i32, i32) {
    %c0_i32 = arith.constant 0 : i32
    %c0_i32_0 = arith.constant 0 : i32
    %c0_i32_1 = arith.constant 0 : i32
    return %c0_i32, %arg0, %c0_i32_0 : i32, i32, i32
  }
  func.func @transform_1(%arg0: i32) -> (i32, i32) {
    %c0_i32 = arith.constant 0 : i32
    %c0_i32_0 = arith.constant 0 : i32
    return %arg0, %c0_i32 : i32, i32
  }
}

</mosaic_0001>

<sc_bundles>
// kernel: kernel.10.cloned.1.call-start
scs
__scs_entry_jumppad:
0x0: {  	(pc) =	sbr.rel $0x88, $3  }
0x1: {  	(tag) =	ssettag $0x0;
	lr =	simm.s32 $0x1  }
0x2: {  	[smem:$0x3F8D] =	sst lr;
	_ =	strace $0xD0000000  }
0x3: {  	_ = 	snop  }
0x4: {  	_ = 	snop  }
0x5: {  	_ = 	snop  }
0x6: {  	_ = 	snop  }
0x7: {  	_ = 	snop  }
__scs_overlays_trampoline_lowered:
0x8: {  	[smem:$0x3F9C] =	sst s0  }
0x9: {  	[smem:$0x3F9D] =	sst s1  }
0xa: {  	[smem:$0x3F9E] =	sst s2  }
0xb: {  	[smem:$0x3F9F] =	sst s3  }
0xc: {  	[smem:$0x3FA0] =	sst s4  }
0xd: {  	[smem:$0x3FA1] =	sst s5  }
0xe: {  	[smem:$0x3FA2] =	sst s6  }
0xf: {  	[smem:$0x3FA3] =	sst s7  }
0x10: {  	[smem:$0x3FA4] =	sst s8  }
0x11: {  	[smem:$0x3FA5] =	sst s9;
	s0 =	simm.s32 @!p0 $0x0  }
0x12: {  	s1 =	sld [smem:$0x3F8B];
	s0 =	simm.s32 @p0 $0x1  }
0x13: {  	[smem:$0x3FA6] =	sst s0;
	s0 =	simm.s32 @!p1 $0x0  }
0x14: {  	s2 =	sld [smem:$0x3F8A];
	s0 =	simm.s32 @p1 $0x1  }
0x15: {  	[smem:$0x3FA7] =	sst s0;
	s0 =	simm.s32 @!p2 $0x0  }
0x16: {  	s3 =	sld [smem:$0x3FDB];
	s0 =	simm.s32 @p2 $0x1  }
0x17: {  	s4 =	simm.s32 $0x1BF5;
	[smem:$0x3FA9] =	sst s0  }
0x18: {  	s0 =	sld [smem:$0x3F8C];
	_ =	swait.ge [sflag:s4], $0x0  }
0x19: {  	s7 =	sld [smem:$0x3F8D]  }
0x1a: {  	s8 =	sadd.s32 $0xFFFFE003, lr  }
0x1b: {  	s9 =	sadd.s32 $0xFFFFFEF7, lr;
	s5 =	simm.s32 $0xFFFFFFFF;
	p2 =	slt.u32 s8, $0xFFFFF086  }
0x1c: {  	p1 =	slt.u32 s9, $0xF7A;
	s5 =	simm.s32 @!p2 $0x0  }
0x1d: {  	s5 =	simm.s32 @p1 $0x1;
	p0 =	seq.s32 s7, s2  }
0x1e: {  	s7 =	smul.u32 @!p0 $0xF7A, s2;
	p2 =	seq.s32 @!p0 s5, $0x0  }
0x1f: {  	s9 =	smul.u32 $0xF7A, s1;
	s8 =	simm.s32 @!p0 $0x1BF5;
	p2 =	por !p2, p0  }
0x20: {  	[sflag:s8] =	ssyncset.s32 @!p0 $0xFFFFF086;
	s6 =	sadd.s32 @!p0 s3, s7;
	s7 =	simm.s32 @!p0 $0x108  }
0x21: {  	s3 =	sadd.s32 s3, s9;
	s6 =	sadd.s32 @!p0 $0x88, s6;
	s7 =	simm.s32 @p2 $0x1082  }
0x22: {  	[simem:s7], [sflag:s8] =	dma.local @!p0 [hbm:s6], $0xF7A  }
0x23: {  	s9 =	sor.u32 $0xD0000000, s2;
	s6 =	simm.s32 $0x108;
	_ =	swait.ge @!p0 [sflag:s8], $0x0  }
0x24: {  	s3 =	sadd.s32 $0x88, s3;
	s6 =	simm.s32 @!p1 $0x1082;
	[sflag:s4] =	ssyncset.s32 $0xFFFFF086  }
0x25: {  	[simem:s6], [sflag:s4] =	dma.local [hbm:s3], $0xF7A  }
0x26: {  	[smem:$0x3F8D] =	sst s1;
	(tag) =	ssettag s2;
	_ =	strace s9  }
0x27: {  	s1 =	sld [smem:$0x3F9D]  }
0x28: {  	s2 =	sld [smem:$0x3F9E]  }
0x29: {  	s4 =	sld [smem:$0x3FA0]  }
0x2a: {  	p0 =	seq.s32 s5, $0x0;
	s5 =	sld [smem:$0x3FA1]  }
0x2b: {  	s6 =	sld [smem:$0x3FA2]  }
0x2c: {  	s7 =	sld [smem:$0x3FA3]  }
0x2d: {  	s3 =	simm.s32 $0x108;
	s8 =	sld [smem:$0x3FA4]  }
0x2e: {  	s3 =	simm.s32 @!p0 $0x1082;
	s9 =	sld [smem:$0x3FA5]  }
0x2f: {  	lr =	sadd.s32 s0, s3;
	s0 =	sld [smem:$0x3F9C]  }
0x30: {  	s3 =	sld [smem:$0x3F9F]  }
0x31: {  	[smem:$0x3FA8] =	sst s10  }
0x32: {  	s10 =	sld [smem:$0x3FA6];
	_ =	sdelay $0x3  }
0x33: {  	p0 =	seq.s32 s10, $0x1;
	s10 =	sld [smem:$0x3FA8];
	_ =	sdelay $0x3  }
0x34: {  	[smem:$0x3FA8] =	sst s10  }
0x35: {  	s10 =	sld [smem:$0x3FA7];
	_ =	sdelay $0x3  }
0x36: {  	p1 =	seq.s32 s10, $0x1;
	s10 =	sld [smem:$0x3FA8];
	_ =	sdelay $0x3  }
0x37: {  	[smem:$0x3FA8] =	sst s10  }
0x38: {  	s10 =	sld [smem:$0x3FA9]  }
0x39: {  	_ = 	snop;
	(pc) =	sbr.ind lr, $3  }
0x3a: {  	_ = 	snop  }
0x3b: {  	_ = 	snop  }
0x3c: {  	p2 =	seq.s32 s10, $0x1;
	s10 =	sld [smem:$0x3FA8]  }
0x3d: {  	_ =	shalt  }
0x3e: {  	_ =	shalt  }
0x3f: {  	_ =	shalt  }
0x40: {  	_ =	shalt  }
0x41: {  	_ =	shalt  }
0x42: {  	_ =	shalt  }
0x43: {  	_ =	shalt  }
0x44: {  	_ =	shalt  }
0x45: {  	_ =	shalt  }
0x46: {  	_ =	shalt  }
0x47: {  	_ =	shalt  }
0x48: {  	_ =	shalt  }
0x49: {  	_ =	shalt  }
0x4a: {  	_ =	shalt  }
0x4b: {  	_ =	shalt  }
0x4c: {  	_ =	shalt  }
0x4d: {  	_ =	shalt  }
0x4e: {  	_ =	shalt  }
0x4f: {  	_ =	shalt  }
0x50: {  	_ =	shalt  }
0x51: {  	_ =	shalt  }
0x52: {  	_ =	shalt  }
0x53: {  	_ =	shalt  }
0x54: {  	_ =	shalt  }
0x55: {  	_ =	shalt  }
0x56: {  	_ =	shalt  }
0x57: {  	_ =	shalt  }
0x58: {  	_ =	shalt  }
0x59: {  	_ =	shalt  }
0x5a: {  	_ =	shalt  }
0x5b: {  	_ =	shalt  }
0x5c: {  	_ =	shalt  }
0x5d: {  	_ =	shalt  }
0x5e: {  	_ =	shalt  }
0x5f: {  	_ =	shalt  }
0x60: {  	_ =	shalt  }
0x61: {  	_ =	shalt  }
0x62: {  	_ =	shalt  }
0x63: {  	_ =	shalt  }
0x64: {  	_ =	shalt  }
0x65: {  	_ =	shalt  }
0x66: {  	_ =	shalt  }
0x67: {  	_ =	shalt  }
0x68: {  	_ =	shalt  }
0x69: {  	_ =	shalt  }
0x6a: {  	_ =	shalt  }
0x6b: {  	_ =	shalt  }
0x6c: {  	_ =	shalt  }
0x6d: {  	_ =	shalt  }
0x6e: {  	_ =	shalt  }
0x6f: {  	_ =	shalt  }
0x70: {  	_ =	shalt  }
0x71: {  	_ =	shalt  }
0x72: {  	_ =	shalt  }
0x73: {  	_ =	shalt  }
0x74: {  	_ =	shalt  }
0x75: {  	_ =	shalt  }
0x76: {  	_ =	shalt  }
0x77: {  	_ =	shalt  }
0x78: {  	_ =	shalt  }
0x79: {  	_ =	shalt  }
0x7a: {  	_ =	shalt  }
0x7b: {  	_ =	shalt  }
0x7c: {  	_ =	shalt  }
0x7d: {  	_ =	shalt  }
0x7e: {  	_ =	shalt  }
0x7f: {  	_ =	shalt  }
0x80: {  	_ =	shalt  }
0x81: {  	_ =	shalt  }
0x82: {  	_ =	shalt  }
0x83: {  	_ =	shalt  }
0x84: {  	_ =	shalt  }
0x85: {  	_ =	shalt  }
0x86: {  	_ =	shalt  }
0x87: {  	_ =	shalt  }
.Lfunc_end0:
.L_simem_size_0:
called_computation.1_lowered:
.L_overlay_start_0:
0x88: {  	s2 =	sld [smem:$0x3FD9]  }
0x89: {  	s3 =	sld [smem:$0x3FFE];
	_ =	sdelay $0x1  }
0x8a: {  	s1 =	srdreg.scid  }
0x8b: {  	s0 =	sand.u32 $0x1, s1  }
0x8c: {  	s17 =	sshll.u32 s0, $0xA;
	s2 =	sadd.s32 s3, s2  }
0x8d: {  	s2 =	sadd.s32 s2, s17  }
0x8e: {  	[smem:$0x3FB4] =	sst s2  }
0x8f: {  	_ = 	snop  }
0x90: {  	s2 =	sld [smem:$0x3FD0];
	(tm) =	ssettm $0x1  }
0x91: {  	s18 =	sld [smem:$0x3FFB];
	_ =	sdelay $0x3  }
0x92: {  	_ =	strace s18  }
0x93: {  	s3 =	sld [smem:$0x3FFC];
	_ =	sdelay $0x3  }
0x94: {  	_ =	strace s3  }
0x95: {  	s3 =	sld [smem:$0x3FFD];
	_ =	sdelay $0x3  }
0x96: {  	_ =	strace s3  }
0x97: {  	_ =	strace $0x8FFFFFFF  }
0x98: {  	s19 =	sld [smem:$0x3FDB];
	_ =	sdelay $0x1  }
0x99: {  	s4 =	simm.s32 $_scs_section_size  }
0x9a: {  	s5 =	simm.s32 $_size__tile_overlayer_lowered;
	s6 =	simm.s32 $_tile_overlayer_lowered  }
0x9b: {  	s22 =	simm.s32 $0x1BFF;
	s21 =	sshll.u32 s6, $0x1;
	s3 =	sadd.s32 s4, s19  }
0x9c: {  	s7 =	simm.s32 $0x0;
	s20 =	sshll.u32 s5, $0x1;
	s5 =	sadd.s32 s21, s3  }
0x9d: {  	[timem:s7], [sflag:s22] =	dma.local [hbm:s5], s20  }
0x9e: {  	_ =	swait.ge [sflag:s22], s20  }
0x9f: {  	s4 =	ssub.s32 $0x0, s20;
	[sflag:s22] =	ssyncset.done $0x0  }
0xa0: {  	[sflag:s22] =	ssyncadd.s32 s4;
	_ =	sdelay $0x1  }
0xa1: {  	s23 =	simm.s32 $0x1B8B  }
0xa2: {  	_ =	swait.ge [sflag:s23], $0x1  }
0xa3: {  	[sflag:s23] =	ssyncset.done $0x0  }
0xa4: {  	s25 =	simm.s32 $0x1B8E;
	s24 =	sld [smem:$0x3FFE];
	[sflag:s23] =	ssyncadd.s32 $0xFFFFFFFF  }
0xa5: {  	s26 =	simm.s32 $execute0_lowered;
	[smem:$0x3FD2] =	sst s25  }
0xa6: {  	s5 =	sshll.u32 s26, $0x1;
	_ =	strace $0x80000049;
	[dreg:$0x1] =	wrdreg $0xFFFFFFFF  }
0xa7: {  	s28 =	simm.s32 $_size_execute0_lowered;
	s3 =	sadd.s32 s3, s5;
	[dreg:$0x0] =	wrdreg $0x0  }
0xa8: {  	s5 =	sshll.u32 s28, $0x1;
	[dreg:$0x2] =	wrdreg s3  }
0xa9: {  	[dreg:$0x3] =	wrdreg s5  }
0xaa: {  	[dreg:$0x4] =	wrdreg $0xC0  }
0xab: {  	_ =	task [dreg:s7], $0x5FFFF  }
0xac: {  	[dreg:$0x1] =	wrdreg $0xFFFFFFFF  }
0xad: {  	[dreg:$0x0] =	wrdreg $0x60  }
0xae: {  	[dreg:$0x2] =	wrdreg s24  }
0xaf: {  	[dreg:$0x3] =	wrdreg s2  }
0xb0: {  	[dreg:$0x4] =	wrdreg $0x9  }
0xb1: {  	_ =	task.clear_ibuf [dreg:s7], $0x5FFFF;
	_ =	strace $0x90000049  }
0xb2: {  	s29 =	simm.s32 $0x9;
	_ =	strace $0x8000004B  }
0xb3: {  	_ =	swait.ge [sflag:s29], $0x1  }
0xb4: {  	[sflag:s29] =	ssyncadd.s32 $0xFFFFFFFF  }
0xb5: {  	_ =	strace $0x9000004B  }
0xb6: {  	_ =	sfence  }
0xb7: {  	s30 =	sld [smem:$0x0];
	_ =	sdelay $0x2  }
0xb8: {  	s31 =	sshll.u32 s1, $0xD;
	s1 =	sshrl.u32 s1, $0x2  }
0xb9: {  	s3 =	sand.u32 $0x4000, s31;
	s1 =	sadd.s32 s1, s30  }
0xba: {  	s0 =	sor.u32 s3, s0;
	s1 =	sshll.u32 s1, $0x11  }
0xbb: {  	s0 =	sor.u32 s1, s0  }
0xbc: {  	s0 =	sadd.s32 $0x8F2B, s0  }
0xbd: {  	[sflag:s0] =	ssyncadd.remote.s32 $0x1  }
0xbe: {  	_ =	sfence.sel $0xFFFF  }
0xbf: {  	[dreg:$0x0] =	wrdreg $0xFFFFFFFF;
	(pc) =	sbr.abs _section_cstart, $3  }
0xc0: {  	[dreg:$0x1] =	wrdreg $0xFFFFFFFF  }
0xc1: {  	_ =	task.clear_ibuf [dreg:s7], $0x2FFFF;
	_ =	strace $0x9FFFFFFF  }
0xc2: {  	(tm) =	ssettm $0x7FFFFFFF  }
0xc3: {  	_ =	shalt  }
tec
execute0_lowered:
.L_overlay_start_1:
0x0: {  	(tag) =	ssettag $0x1  }
0x1: {  	s0 =	rddreg [dreg:$0x0]  }
0x2: {  	s1 =	rddreg [dreg:$0x1];
	s2 =	simm.s32 $0x0;
	s3 =	srdreg.scid  }
0x3: {  	s8 =	stileid.u32;
	s28 =	simm.s32 $0x3F00;
	s29 =	simm.s32 $0x80  }
0x4: {  	s30 =	simm.s32 $0x400;
	s31 =	simm.s32 $0x0;
	[smem:$0x7FF] =	sst s2  }
0x5: {  	s3 =	sand.u32 $0x1, s3;
	s4 =	sadd.s32 $0x4800, s0;
	s5 =	sadd.s32 $0x52A00, s0  }
0x6: {  	s9 =	sadd.s32 $0x1D9400, s0;
	s10 =	sadd.s32 $0x227600, s0;
	s7 =	sshll.u32 s3, $0x4  }
0x7: {  	s11 =	sadd.s32 $0x275800, s0;
	s12 =	sadd.s32 $0x2C3A00, s0;
	s14 =	sor.u32 s8, s7  }
0x8: {  	s6 =	sadd.s32 $0xA0C00, s0;
	_ =	strace $0x8000004A;
	s13 =	smul.u32 $0x14000, s14  }
0x9: {  	s23 =	ssub.s32 $0x2, s3;
	s7 =	sadd.s32 $0xEEE00, s0;
	s8 =	sadd.s32 $0x18B200, s0  }
0xa: {  	s26 =	sshrl.u32 s23, $0x1;
	s14 =	smul.u32 $0x2710, s14;
	s15 =	sadd.s32 s13, s0  }
0xb: {  	s13 =	sadd.s32 $0x13D000, s0;
	s0 =	ssub.s32 s23, s26;
	s22 =	sadd.s32 $0x311C00, s15  }
0xc: {  	s26 =	simm.s32 $0x1F80;
	s24 =	sadd.s32 $0x311C10, s15;
	[dreg:$0x3] =	wrdreg s22  }
0xd: {  	s25 =	sadd.s32 $0x311C20, s15;
	s16 =	sadd.s32 $0x311C30, s15;
	[dreg:$0x4] =	wrdreg s24  }
0xe: {  	s19 =	sadd.s32 $0x311C40, s15;
	s20 =	sadd.s32 $0x311C50, s15;
	[dreg:$0x5] =	wrdreg s25  }
0xf: {  	s21 =	sadd.s32 $0x311C60, s15;
	s23 =	smax.u32 s0, $0x1;
	[dreg:$0x6] =	wrdreg s16  }
0x10: {  	s22 =	sadd.s32 $0x311C70, s15;
	s24 =	simm.s32 $0x5E80;
	s25 =	simm.s32 $0x1  }
.LBB2_1:
0x11: {  	[tilespmem:s24], [sflag:$0x1] =	stream.linear.gather [hbm4b:s1+s2], $0x14000, $0x38;
	[tilespmem:$0x19E80] =	vst v63  }
0x12: {  	_ =	swait.ge [sflag:s25], $0x14000  }
0x13: {  	[sflag:s25] =	ssyncset.done $0x0  }
0x14: {  	s0 =	simm.s32 $0x0;
	[sflag:s25] =	ssyncadd.s32 $0xFFFEC000  }
.LBB2_2:
0x15: {  	s3 =	smul.u32 $0x3E8, s0;
	_ =	sdelay $0x1  }
0x16: {  	s3 =	sadd.s32 s14, s3  }
0x17: {  	s15 =	sadd.s32 s11, s3  }
0x18: {  	[tilespmem:s2], [sflag:$0x1] =	stream.linear.gather [hbm4b:s15+s2], $0x1F40, $0x38;
	[tilespmem:$0x19E80] =	vst v63  }
0x19: {  	_ =	swait.ge [sflag:s25], $0x1F40  }
0x1a: {  	[sflag:s25] =	ssyncset.done $0x0  }
0x1b: {  	s18 =	sadd.s32 s12, s3;
	[sflag:s25] =	ssyncadd.s32 $0xFFFFE0C0  }
0x1c: {  	[tilespmem:s26], [sflag:$0x1] =	stream.linear.gather [hbm4b:s18+s2], $0x1F40, $0x38;
	[tilespmem:$0x19E80] =	vst v63  }
0x1d: {  	_ =	swait.ge [sflag:s25], $0x1F40  }
0x1e: {  	[sflag:s25] =	ssyncset.done $0x0  }
0x1f: {  	s3 =	sadd.s32 s4, s3;
	[sflag:s25] =	ssyncadd.s32 $0xFFFFE0C0  }
0x20: {  	[tilespmem:s28], [sflag:$0x1] =	stream.linear.gather [hbm4b:s3+s2], $0x1F40, $0x38;
	[tilespmem:$0x19E80] =	vst v63  }
0x21: {  	_ =	swait.ge [sflag:s25], $0x1F40  }
0x22: {  	[sflag:s25] =	ssyncset.done $0x0  }
0x23: {  	s16 =	simm.s32 $0x1FC0;
	[sflag:s25] =	ssyncadd.s32 $0xFFFFE0C0  }
0x24: {  	v0 =	vld [tilespmem:s16+$0x30]  }
0x25: {  	v1 =	vld [tilespmem:s16+$0xFFFFFFC0]  }
0x26: {  	s3 =	simm.s32 $0x40;
	v2 =	vld [tilespmem:s16+$0xFFFFFFD0]  }
0x27: {  	v3 =	vld [tilespmem:s3+$0x30]  }
0x28: {  	v4 =	vld [tilespmem:s16+$0xFFFFFFE0]  }
0x29: {  	s15 =	simm.s32 $0x3F40;
	v5 =	vld [tilespmem:s16+$0xFFFFFFF0]  }
0x2a: {  	v56 =	vld [tilespmem:s15+$0x30]  }
0x2b: {  	v6 =	vld [tilespmem:s16+$0x0]  }
0x2c: {  	v7 =	vld [tilespmem:s16+$0x10]  }
0x2d: {  	v8 =	vld [tilespmem:s16+$0x20]  }
0x2e: {  	v9 =	vld [tilespmem:s3+$0xFFFFFFD0]  }
0x2f: {  	v57 =	vld [tilespmem:s3+$0xFFFFFFE0]  }
0x30: {  	v58 =	vld [tilespmem:s3+$0xFFFFFFC0]  }
0x31: {  	v10 =	vld [tilespmem:s3+$0xFFFFFFF0]  }
0x32: {  	v11 =	vld [tilespmem:s3+$0x0]  }
0x33: {  	v59 =	vld [tilespmem:s15+$0xFFFFFFC0]  }
0x34: {  	v12 =	vld [tilespmem:s3+$0x10]  }
0x35: {  	v13 =	vld [tilespmem:s3+$0x20]  }
0x36: {  	v14 =	vld [tilespmem:s15+$0xFFFFFFD0];
	vm0 =	vle.s32 v0, $0x0  }
0x37: {  	v15 =	vld [tilespmem:s15+$0xFFFFFFE0];
	vm7 =	vle.s32 v1, $0x0  }
0x38: {  	v60 =	vld [tilespmem:s15+$0xFFFFFFF0];
	vm2 =	vle.s32 v2, $0x0  }
0x39: {  	v61 =	vld [tilespmem:s15+$0x0];
	vm10 =	vle.s32 v4, $0x0  }
0x3a: {  	v62 =	vld [tilespmem:s15+$0x10];
	vm4 =	vle.s32 v5, $0x0  }
0x3b: {  	v63 =	vld [tilespmem:s15+$0x20];
	vm6 =	vle.s32 v6, $0x0  }
0x3c: {  	vm12 =	vle.s32 v7, $0x0;
	[tilespmem:v3+s24+$0x0] =	vst.idx.add.f32.msk vm0, v56  }
0x3d: {  	vm14 =	vle.s32 v8, $0x0;
	[tilespmem:v58+s24+$0x0] =	vst.idx.add.f32.msk vm7, v59  }
0x3e: {  	vm1 =	vgt.s32 v0, $0x0;
	[tilespmem:v9+s24+$0x0] =	vst.idx.add.f32.msk vm2, v14  }
0x3f: {  	vm8 =	vgt.s32 v1, $0x0;
	[tilespmem:v57+s24+$0x0] =	vst.idx.add.f32.msk vm10, v15  }
0x40: {  	vm9 =	vgt.s32 v2, $0x0;
	[tilespmem:v10+s24+$0x0] =	vst.idx.add.f32.msk vm4, v60  }
0x41: {  	vm3 =	vgt.s32 v4, $0x0;
	[tilespmem:v11+s24+$0x0] =	vst.idx.add.f32.msk vm6, v61  }
0x42: {  	vm5 =	vgt.s32 v5, $0x0;
	[tilespmem:v12+s24+$0x0] =	vst.idx.add.f32.msk vm12, v62  }
0x43: {  	vm11 =	vgt.s32 v6, $0x0;
	[tilespmem:v13+s24+$0x0] =	vst.idx.add.f32.msk vm14, v63  }
0x44: {  	vm13 =	vgt.s32 v7, $0x0;
	[tilespmem:v3+s24+$0x0] =	vst.idx.add.f32.msk vm1, v56  }
0x45: {  	vm15 =	vgt.s32 v8, $0x0;
	[tilespmem:v58+s24+$0x0] =	vst.idx.add.f32.msk vm8, v59  }
0x46: {  	[tilespmem:v9+s24+$0x0] =	vst.idx.add.f32.msk vm9, v14  }
0x47: {  	[tilespmem:v57+s24+$0x0] =	vst.idx.add.f32.msk vm3, v15  }
0x48: {  	[tilespmem:v10+s24+$0x0] =	vst.idx.add.f32.msk vm5, v60  }
0x49: {  	[tilespmem:v11+s24+$0x0] =	vst.idx.add.f32.msk vm11, v61  }
0x4a: {  	[tilespmem:v12+s24+$0x0] =	vst.idx.add.f32.msk vm13, v62  }
0x4b: {  	s17 =	simm.s32 $0x2040;
	s16 =	simm.s32 $0x0;
	[tilespmem:v13+s24+$0x0] =	vst.idx.add.f32.msk vm15, v63  }
.LBB2_3:
0x4c: {  	v0 =	vld [tilespmem:s17+$0x30]  }
0x4d: {  	s16 =	sadd.s32 $0x8, s16;
	v1 =	vld [tilespmem:s17+$0xFFFFFFC0]  }
0x4e: {  	s3 =	sadd.s32 $0x80, s3;
	p0 =	slt.u32 s16, $0x1E8;
	v2 =	vld [tilespmem:s17+$0xFFFFFFD0]  }
0x4f: {  	v3 =	vld [tilespmem:s3+$0x30]  }
0x50: {  	v4 =	vld [tilespmem:s17+$0xFFFFFFE0]  }
0x51: {  	s15 =	sadd.s32 $0x80, s15;
	v5 =	vld [tilespmem:s17+$0xFFFFFFF0];
	vm6 =	vle.s32 v0, $0x0  }
0x52: {  	vm9 =	vgt.s32 v0, $0x0;
	vm0 =	vgt.s32 v1, $0x0;
	vm2 =	vle.s32 v1, $0x0;
	v0 =	vld [tilespmem:s15+$0x30]  }
0x53: {  	vm1 =	vgt.s32 v2, $0x0;
	vm4 =	vle.s32 v2, $0x0;
	v1 =	vld [tilespmem:s17+$0x0]  }
0x54: {  	v2 =	vld [tilespmem:s17+$0x10]  }
0x55: {  	vm3 =	vgt.s32 v4, $0x0;
	vm7 =	vle.s32 v4, $0x0;
	v4 =	vld [tilespmem:s17+$0x20]  }
0x56: {  	v6 =	vld [tilespmem:s3+$0xFFFFFFD0];
	vm5 =	vgt.s32 v5, $0x0;
	vm8 =	vle.s32 v5, $0x0  }
0x57: {  	[tilespmem:v3+s24+$0x0] =	vst.idx.add.f32.msk vm6, v0  }
0x58: {  	s18 =	simm.s32 $0x0;
	vm6 =	vgt.s32 v1, $0x0;
	vm11 =	vle.s32 v1, $0x0;
	[tilespmem:v3+s24+$0x0] =	vst.idx.add.f32.msk vm9, v0  }
0x59: {  	v0 =	vld [tilespmem:s3+$0xFFFFFFE0];
	vm9 =	vgt.s32 v2, $0x0;
	vm12 =	vle.s32 v2, $0x0  }
0x5a: {  	v1 =	vld [tilespmem:s3+$0xFFFFFFF0];
	vm10 =	vgt.s32 v4, $0x0;
	vm13 =	vle.s32 v4, $0x0  }
0x5b: {  	v2 =	vld [tilespmem:s3+$0x0]  }
0x5c: {  	v3 =	vld [tilespmem:s3+$0x10]  }
0x5d: {  	v4 =	vld [tilespmem:s3+$0x20]  }
0x5e: {  	v5 =	vld [tilespmem:s3+$0xFFFFFFC0]  }
0x5f: {  	v7 =	vld [tilespmem:s15+$0xFFFFFFC0]  }
0x60: {  	v8 =	vld [tilespmem:s15+$0xFFFFFFD0]  }
0x61: {  	v9 =	vld [tilespmem:s15+$0xFFFFFFE0]  }
0x62: {  	v10 =	vld [tilespmem:s15+$0xFFFFFFF0]  }
0x63: {  	v11 =	vld [tilespmem:s15+$0x0]  }
0x64: {  	v12 =	vld [tilespmem:s15+$0x10]  }
0x65: {  	v13 =	vld [tilespmem:s15+$0x20]  }
0x66: {  	[tilespmem:v5+s24+$0x0] =	vst.idx.add.f32.msk vm2, v7  }
0x67: {  	[tilespmem:v5+s24+$0x0] =	vst.idx.add.f32.msk vm0, v7  }
0x68: {  	[tilespmem:v6+s24+$0x0] =	vst.idx.add.f32.msk vm4, v8  }
0x69: {  	[tilespmem:v6+s24+$0x0] =	vst.idx.add.f32.msk vm1, v8  }
0x6a: {  	[tilespmem:v0+s24+$0x0] =	vst.idx.add.f32.msk vm7, v9  }
0x6b: {  	[tilespmem:v0+s24+$0x0] =	vst.idx.add.f32.msk vm3, v9  }
0x6c: {  	[tilespmem:v1+s24+$0x0] =	vst.idx.add.f32.msk vm8, v10  }
0x6d: {  	[tilespmem:v1+s24+$0x0] =	vst.idx.add.f32.msk vm5, v10  }
0x6e: {  	[tilespmem:v2+s24+$0x0] =	vst.idx.add.f32.msk vm11, v11  }
.Ltmp0:
0x6f: {  	[tilespmem:v2+s24+$0x0] =	vst.idx.add.f32.msk vm6, v11;
	(pc) =	sbr.rel @p0 .LBB2_3-.Ltmp0, $4  }
0x70: {  	[tilespmem:v3+s24+$0x0] =	vst.idx.add.f32.msk vm12, v12  }
0x71: {  	[tilespmem:v3+s24+$0x0] =	vst.idx.add.f32.msk vm9, v12  }
0x72: {  	[tilespmem:v4+s24+$0x0] =	vst.idx.add.f32.msk vm13, v13  }
0x73: {  	s17 =	sadd.s32 $0x80, s17;
	[tilespmem:v4+s24+$0x0] =	vst.idx.add.f32.msk vm10, v13  }
.LBB2_4:
0x74: {  	s3 =	sshra.s32 s18, $0x2  }
0x75: {  	v0 =	vld [tilespmem:s3+$0x3E80];
	_ =	sdelay $0x2  }
0x76: {  	v1 =	vld [tilespmem:s3+$0x1F00];
	_ =	sdelay $0x1  }
0x77: {  	vm0 =	vle.s32 v0, $0x0  }
0x78: {  	v63 =	vld [tilespmem:s3+$0x5E00];
	vm1 =	vgt.s32 v0, $0x0  }
0x79: {  	p0 =	sne.s32 s18, $0xC0  }
.Ltmp1:
0x7a: {  	_ = 	snop;
	(pc) =	sbr.rel @p0 .LBB2_4-.Ltmp1, $3  }
0x7b: {  	_ =	sdelay $0x1  }
0x7c: {  	[tilespmem:v1+s24+$0x0] =	vst.idx.add.f32.msk vm0, v63  }
0x7d: {  	s18 =	sadd.s32 $0x40, s18;
	[tilespmem:v1+s24+$0x0] =	vst.idx.add.f32.msk vm1, v63  }
0x7e: {  	s0 =	sadd.s32 $0x1, s0  }
0x7f: {  	p0 =	sne.s32 s0, $0xA  }
.Ltmp2:
0x80: {  	_ = 	snop;
	(pc) =	sbr.rel @p0 .LBB2_2-.Ltmp2, $1  }
0x81: {  	_ =	sdelay $0x3  }
0x82: {  	s0 =	rddreg [dreg:$0x3]  }
0x83: {  	[hbm4b:s0+s29] =	stream.strided.scatter [tilespmem:s24], [sflag:$0x1], $0x14000, s30, s29, $0x38;
	[tilespmem:$0x19E80] =	vst v63  }
0x84: {  	_ =	swait.ge [sflag:s25], $0x14000  }
0x85: {  	[sflag:s25] =	ssyncset.done $0x0  }
0x86: {  	s0 =	simm.s32 $0x0;
	[sflag:s25] =	ssyncadd.s32 $0xFFFEC000  }
0x87: {  	[tilespmem:s24], [sflag:$0x1] =	stream.linear.gather [hbm4b:s1+s0], $0x14000, $0x38;
	[tilespmem:$0x19E80] =	vst v63  }
0x88: {  	_ =	swait.ge [sflag:s25], $0x14000  }
0x89: {  	[sflag:s25] =	ssyncset.done $0x0  }
0x8a: {  	[sflag:s25] =	ssyncadd.s32 $0xFFFEC000  }
.LBB2_7:
0x8b: {  	s3 =	smul.u32 $0x3E8, s0;
	_ =	sdelay $0x1  }
0x8c: {  	s3 =	sadd.s32 s14, s3  }
0x8d: {  	s15 =	sadd.s32 s11, s3  }
0x8e: {  	[tilespmem:s2], [sflag:$0x1] =	stream.linear.gather [hbm4b:s15+s2], $0x1F40, $0x38;
	[tilespmem:$0x19E80] =	vst v63  }
0x8f: {  	_ =	swait.ge [sflag:s25], $0x1F40  }
0x90: {  	[sflag:s25] =	ssyncset.done $0x0  }
0x91: {  	s18 =	sadd.s32 s12, s3;
	[sflag:s25] =	ssyncadd.s32 $0xFFFFE0C0  }
0x92: {  	[tilespmem:s26], [sflag:$0x1] =	stream.linear.gather [hbm4b:s18+s2], $0x1F40, $0x38;
	[tilespmem:$0x19E80] =	vst v63  }
0x93: {  	_ =	swait.ge [sflag:s25], $0x1F40  }
0x94: {  	[sflag:s25] =	ssyncset.done $0x0  }
0x95: {  	s3 =	sadd.s32 s5, s3;
	[sflag:s25] =	ssyncadd.s32 $0xFFFFE0C0  }
0x96: {  	[tilespmem:s28], [sflag:$0x1] =	stream.linear.gather [hbm4b:s3+s2], $0x1F40, $0x38;
	[tilespmem:$0x19E80] =	vst v63  }
0x97: {  	_ =	swait.ge [sflag:s25], $0x1F40  }
0x98: {  	[sflag:s25] =	ssyncset.done $0x0  }
0x99: {  	s16 =	simm.s32 $0x1FC0;
	[sflag:s25] =	ssyncadd.s32 $0xFFFFE0C0  }
0x9a: {  	v0 =	vld [tilespmem:s16+$0x30]  }
0x9b: {  	v1 =	vld [tilespmem:s16+$0xFFFFFFC0]  }
0x9c: {  	s3 =	simm.s32 $0x40;
	v2 =	vld [tilespmem:s16+$0xFFFFFFD0]  }
0x9d: {  	v3 =	vld [tilespmem:s3+$0x30]  }
0x9e: {  	v4 =	vld [tilespmem:s16+$0xFFFFFFE0]  }
0x9f: {  	s15 =	simm.s32 $0x3F40;
	v5 =	vld [tilespmem:s16+$0xFFFFFFF0]  }
0xa0: {  	v56 =	vld [tilespmem:s15+$0x30]  }
0xa1: {  	v6 =	vld [tilespmem:s16+$0x0]  }
0xa2: {  	v7 =	vld [tilespmem:s16+$0x10]  }
0xa3: {  	v8 =	vld [tilespmem:s16+$0x20]  }
0xa4: {  	v9 =	vld [tilespmem:s3+$0xFFFFFFD0]  }
0xa5: {  	v57 =	vld [tilespmem:s3+$0xFFFFFFE0]  }
0xa6: {  	v58 =	vld [tilespmem:s3+$0xFFFFFFC0]  }
0xa7: {  	v10 =	vld [tilespmem:s3+$0xFFFFFFF0]  }
0xa8: {  	v11 =	vld [tilespmem:s3+$0x0]  }
0xa9: {  	v59 =	vld [tilespmem:s15+$0xFFFFFFC0]  }
0xaa: {  	v12 =	vld [tilespmem:s3+$0x10]  }
0xab: {  	v13 =	vld [tilespmem:s3+$0x20]  }
0xac: {  	v14 =	vld [tilespmem:s15+$0xFFFFFFD0];
	vm0 =	vle.s32 v0, $0x0  }
0xad: {  	v15 =	vld [tilespmem:s15+$0xFFFFFFE0];
	vm7 =	vle.s32 v1, $0x0  }
0xae: {  	v60 =	vld [tilespmem:s15+$0xFFFFFFF0];
	vm2 =	vle.s32 v2, $0x0  }
0xaf: {  	v61 =	vld [tilespmem:s15+$0x0];
	vm10 =	vle.s32 v4, $0x0  }
0xb0: {  	v62 =	vld [tilespmem:s15+$0x10];
	vm4 =	vle.s32 v5, $0x0  }
0xb1: {  	v63 =	vld [tilespmem:s15+$0x20];
	vm6 =	vle.s32 v6, $0x0  }
0xb2: {  	vm12 =	vle.s32 v7, $0x0;
	[tilespmem:v3+s24+$0x0] =	vst.idx.add.f32.msk vm0, v56  }
0xb3: {  	vm14 =	vle.s32 v8, $0x0;
	[tilespmem:v58+s24+$0x0] =	vst.idx.add.f32.msk vm7, v59  }
0xb4: {  	vm1 =	vgt.s32 v0, $0x0;
	[tilespmem:v9+s24+$0x0] =	vst.idx.add.f32.msk vm2, v14  }
0xb5: {  	vm8 =	vgt.s32 v1, $0x0;
	[tilespmem:v57+s24+$0x0] =	vst.idx.add.f32.msk vm10, v15  }
0xb6: {  	vm9 =	vgt.s32 v2, $0x0;
	[tilespmem:v10+s24+$0x0] =	vst.idx.add.f32.msk vm4, v60  }
0xb7: {  	vm3 =	vgt.s32 v4, $0x0;
	[tilespmem:v11+s24+$0x0] =	vst.idx.add.f32.msk vm6, v61  }
0xb8: {  	vm5 =	vgt.s32 v5, $0x0;
	[tilespmem:v12+s24+$0x0] =	vst.idx.add.f32.msk vm12, v62  }
0xb9: {  	vm11 =	vgt.s32 v6, $0x0;
	[tilespmem:v13+s24+$0x0] =	vst.idx.add.f32.msk vm14, v63  }
0xba: {  	vm13 =	vgt.s32 v7, $0x0;
	[tilespmem:v3+s24+$0x0] =	vst.idx.add.f32.msk vm1, v56  }
0xbb: {  	vm15 =	vgt.s32 v8, $0x0;
	[tilespmem:v58+s24+$0x0] =	vst.idx.add.f32.msk vm8, v59  }
0xbc: {  	[tilespmem:v9+s24+$0x0] =	vst.idx.add.f32.msk vm9, v14  }
0xbd: {  	[tilespmem:v57+s24+$0x0] =	vst.idx.add.f32.msk vm3, v15  }
0xbe: {  	[tilespmem:v10+s24+$0x0] =	vst.idx.add.f32.msk vm5, v60  }
0xbf: {  	[tilespmem:v11+s24+$0x0] =	vst.idx.add.f32.msk vm11, v61  }
0xc0: {  	[tilespmem:v12+s24+$0x0] =	vst.idx.add.f32.msk vm13, v62  }
0xc1: {  	s17 =	simm.s32 $0x2040;
	s16 =	simm.s32 $0x0;
	[tilespmem:v13+s24+$0x0] =	vst.idx.add.f32.msk vm15, v63  }
.LBB2_8:
0xc2: {  	v0 =	vld [tilespmem:s17+$0x30]  }
0xc3: {  	s16 =	sadd.s32 $0x8, s16;
	v1 =	vld [tilespmem:s17+$0xFFFFFFC0]  }
0xc4: {  	s3 =	sadd.s32 $0x80, s3;
	p0 =	slt.u32 s16, $0x1E8;
	v2 =	vld [tilespmem:s17+$0xFFFFFFD0]  }
0xc5: {  	v3 =	vld [tilespmem:s3+$0x30]  }
0xc6: {  	v4 =	vld [tilespmem:s17+$0xFFFFFFE0]  }
0xc7: {  	s15 =	sadd.s32 $0x80, s15;
	v5 =	vld [tilespmem:s17+$0xFFFFFFF0];
	vm6 =	vle.s32 v0, $0x0  }
0xc8: {  	vm9 =	vgt.s32 v0, $0x0;
	vm0 =	vgt.s32 v1, $0x0;
	vm2 =	vle.s32 v1, $0x0;
	v0 =	vld [tilespmem:s15+$0x30]  }
0xc9: {  	vm1 =	vgt.s32 v2, $0x0;
	vm4 =	vle.s32 v2, $0x0;
	v1 =	vld [tilespmem:s17+$0x0]  }
0xca: {  	v2 =	vld [tilespmem:s17+$0x10]  }
0xcb: {  	vm3 =	vgt.s32 v4, $0x0;
	vm7 =	vle.s32 v4, $0x0;
	v4 =	vld [tilespmem:s17+$0x20]  }
0xcc: {  	v6 =	vld [tilespmem:s3+$0xFFFFFFD0];
	vm5 =	vgt.s32 v5, $0x0;
	vm8 =	vle.s32 v5, $0x0  }
0xcd: {  	[tilespmem:v3+s24+$0x0] =	vst.idx.add.f32.msk vm6, v0  }
0xce: {  	s18 =	simm.s32 $0x0;
	vm6 =	vgt.s32 v1, $0x0;
	vm11 =	vle.s32 v1, $0x0;
	[tilespmem:v3+s24+$0x0] =	vst.idx.add.f32.msk vm9, v0  }
0xcf: {  	v0 =	vld [tilespmem:s3+$0xFFFFFFE0];
	vm9 =	vgt.s32 v2, $0x0;
	vm12 =	vle.s32 v2, $0x0  }
0xd0: {  	v1 =	vld [tilespmem:s3+$0xFFFFFFF0];
	vm10 =	vgt.s32 v4, $0x0;
	vm13 =	vle.s32 v4, $0x0  }
0xd1: {  	v2 =	vld [tilespmem:s3+$0x0]  }
0xd2: {  	v3 =	vld [tilespmem:s3+$0x10]  }
0xd3: {  	v4 =	vld [tilespmem:s3+$0x20]  }
0xd4: {  	v5 =	vld [tilespmem:s3+$0xFFFFFFC0]  }
0xd5: {  	v7 =	vld [tilespmem:s15+$0xFFFFFFC0]  }
0xd6: {  	v8 =	vld [tilespmem:s15+$0xFFFFFFD0]  }
0xd7: {  	v9 =	vld [tilespmem:s15+$0xFFFFFFE0]  }
0xd8: {  	v10 =	vld [tilespmem:s15+$0xFFFFFFF0]  }
0xd9: {  	v11 =	vld [tilespmem:s15+$0x0]  }
0xda: {  	v12 =	vld [tilespmem:s15+$0x10]  }
0xdb: {  	v13 =	vld [tilespmem:s15+$0x20]  }
0xdc: {  	[tilespmem:v5+s24+$0x0] =	vst.idx.add.f32.msk vm2, v7  }
0xdd: {  	[tilespmem:v5+s24+$0x0] =	vst.idx.add.f32.msk vm0, v7  }
0xde: {  	[tilespmem:v6+s24+$0x0] =	vst.idx.add.f32.msk vm4, v8  }
0xdf: {  	[tilespmem:v6+s24+$0x0] =	vst.idx.add.f32.msk vm1, v8  }
0xe0: {  	[tilespmem:v0+s24+$0x0] =	vst.idx.add.f32.msk vm7, v9  }
0xe1: {  	[tilespmem:v0+s24+$0x0] =	vst.idx.add.f32.msk vm3, v9  }
0xe2: {  	[tilespmem:v1+s24+$0x0] =	vst.idx.add.f32.msk vm8, v10  }
0xe3: {  	[tilespmem:v1+s24+$0x0] =	vst.idx.add.f32.msk vm5, v10  }
0xe4: {  	[tilespmem:v2+s24+$0x0] =	vst.idx.add.f32.msk vm11, v11  }
.Ltmp3:
0xe5: {  	[tilespmem:v2+s24+$0x0] =	vst.idx.add.f32.msk vm6, v11;
	(pc) =	sbr.rel @p0 .LBB2_8-.Ltmp3, $4  }
0xe6: {  	[tilespmem:v3+s24+$0x0] =	vst.idx.add.f32.msk vm12, v12  }
0xe7: {  	[tilespmem:v3+s24+$0x0] =	vst.idx.add.f32.msk vm9, v12  }
0xe8: {  	[tilespmem:v4+s24+$0x0] =	vst.idx.add.f32.msk vm13, v13  }
0xe9: {  	s17 =	sadd.s32 $0x80, s17;
	[tilespmem:v4+s24+$0x0] =	vst.idx.add.f32.msk vm10, v13  }
.LBB2_9:
0xea: {  	s3 =	sshra.s32 s18, $0x2  }
0xeb: {  	v0 =	vld [tilespmem:s3+$0x3E80];
	_ =	sdelay $0x2  }
0xec: {  	v1 =	vld [tilespmem:s3+$0x1F00];
	_ =	sdelay $0x1  }
0xed: {  	vm0 =	vle.s32 v0, $0x0  }
0xee: {  	v63 =	vld [tilespmem:s3+$0x5E00];
	vm1 =	vgt.s32 v0, $0x0  }
0xef: {  	p0 =	sne.s32 s18, $0xC0  }
.Ltmp4:
0xf0: {  	_ = 	snop;
	(pc) =	sbr.rel @p0 .LBB2_9-.Ltmp4, $3  }
0xf1: {  	_ =	sdelay $0x1  }
0xf2: {  	[tilespmem:v1+s24+$0x0] =	vst.idx.add.f32.msk vm0, v63  }
0xf3: {  	s18 =	sadd.s32 $0x40, s18;
	[tilespmem:v1+s24+$0x0] =	vst.idx.add.f32.msk vm1, v63  }
0xf4: {  	s0 =	sadd.s32 $0x1, s0  }
0xf5: {  	p0 =	sne.s32 s0, $0xA  }
.Ltmp5:
0xf6: {  	_ = 	snop;
	(pc) =	sbr.rel @p0 .LBB2_7-.Ltmp5, $1  }
0xf7: {  	_ =	sdelay $0x3  }
0xf8: {  	s0 =	rddreg [dreg:$0x4]  }
0xf9: {  	[hbm4b:s0+s29] =	stream.strided.scatter [tilespmem:s24], [sflag:$0x1], $0x14000, s30, s29, $0x38;
	[tilespmem:$0x19E80] =	vst v63  }
0xfa: {  	_ =	swait.ge [sflag:s25], $0x14000  }
0xfb: {  	[sflag:s25] =	ssyncset.done $0x0  }
0xfc: {  	s0 =	simm.s32 $0x0;
	[sflag:s25] =	ssyncadd.s32 $0xFFFEC000  }
0xfd: {  	[tilespmem:s24], [sflag:$0x1] =	stream.linear.gather [hbm4b:s1+s0], $0x14000, $0x38;
	[tilespmem:$0x19E80] =	vst v63  }
0xfe: {  	_ =	swait.ge [sflag:s25], $0x14000  }
0xff: {  	[sflag:s25] =	ssyncset.done $0x0  }
0x100: {  	[sflag:s25] =	ssyncadd.s32 $0xFFFEC000  }
.LBB2_12:
0x101: {  	s3 =	smul.u32 $0x3E8, s0;
	_ =	sdelay $0x1  }
0x102: {  	s3 =	sadd.s32 s14, s3  }
0x103: {  	s15 =	sadd.s32 s11, s3  }
0x104: {  	[tilespmem:s2], [sflag:$0x1] =	stream.linear.gather [hbm4b:s15+s2], $0x1F40, $0x38;
	[tilespmem:$0x19E80] =	vst v63  }
0x105: {  	_ =	swait.ge [sflag:s25], $0x1F40  }
0x106: {  	[sflag:s25] =	ssyncset.done $0x0  }
0x107: {  	s18 =	sadd.s32 s12, s3;
	[sflag:s25] =	ssyncadd.s32 $0xFFFFE0C0  }
0x108: {  	[tilespmem:s26], [sflag:$0x1] =	stream.linear.gather [hbm4b:s18+s2], $0x1F40, $0x38;
	[tilespmem:$0x19E80] =	vst v63  }
0x109: {  	_ =	swait.ge [sflag:s25], $0x1F40  }
0x10a: {  	[sflag:s25] =	ssyncset.done $0x0  }
0x10b: {  	s3 =	sadd.s32 s6, s3;
	[sflag:s25] =	ssyncadd.s32 $0xFFFFE0C0  }
0x10c: {  	[tilespmem:s28], [sflag:$0x1] =	stream.linear.gather [hbm4b:s3+s2], $0x1F40, $0x38;
	[tilespmem:$0x19E80] =	vst v63  }
0x10d: {  	_ =	swait.ge [sflag:s25], $0x1F40  }
0x10e: {  	[sflag:s25] =	ssyncset.done $0x0  }
0x10f: {  	s16 =	simm.s32 $0x1FC0;
	[sflag:s25] =	ssyncadd.s32 $0xFFFFE0C0  }
0x110: {  	v0 =	vld [tilespmem:s16+$0x30]  }
0x111: {  	v1 =	vld [tilespmem:s16+$0xFFFFFFC0]  }
0x112: {  	s3 =	simm.s32 $0x40;
	v2 =	vld [tilespmem:s16+$0xFFFFFFD0]  }
0x113: {  	v3 =	vld [tilespmem:s3+$0x30]  }
0x114: {  	v4 =	vld [tilespmem:s16+$0xFFFFFFE0]  }
0x115: {  	s15 =	simm.s32 $0x3F40;
	v5 =	vld [tilespmem:s16+$0xFFFFFFF0]  }
0x116: {  	v56 =	vld [tilespmem:s15+$0x30]  }
0x117: {  	v6 =	vld [tilespmem:s16+$0x0]  }
0x118: {  	v7 =	vld [tilespmem:s16+$0x10]  }
0x119: {  	v8 =	vld [tilespmem:s16+$0x20]  }
0x11a: {  	v9 =	vld [tilespmem:s3+$0xFFFFFFD0]  }
0x11b: {  	v57 =	vld [tilespmem:s3+$0xFFFFFFE0]  }
0x11c: {  	v58 =	vld [tilespmem:s3+$0xFFFFFFC0]  }
0x11d: {  	v10 =	vld [tilespmem:s3+$0xFFFFFFF0]  }
0x11e: {  	v11 =	vld [tilespmem:s3+$0x0]  }
0x11f: {  	v59 =	vld [tilespmem:s15+$0xFFFFFFC0]  }
0x120: {  	v12 =	vld [tilespmem:s3+$0x10]  }
0x121: {  	v13 =	vld [tilespmem:s3+$0x20]  }
0x122: {  	v14 =	vld [tilespmem:s15+$0xFFFFFFD0];
	vm0 =	vle.s32 v0, $0x0  }
0x123: {  	v15 =	vld [tilespmem:s15+$0xFFFFFFE0];
	vm7 =	vle.s32 v1, $0x0  }
0x124: {  	v60 =	vld [tilespmem:s15+$0xFFFFFFF0];
	vm2 =	vle.s32 v2, $0x0  }
0x125: {  	v61 =	vld [tilespmem:s15+$0x0];
	vm10 =	vle.s32 v4, $0x0  }
0x126: {  	v62 =	vld [tilespmem:s15+$0x10];
	vm4 =	vle.s32 v5, $0x0  }
0x127: {  	v63 =	vld [tilespmem:s15+$0x20];
	vm6 =	vle.s32 v6, $0x0  }
0x128: {  	vm12 =	vle.s32 v7, $0x0;
	[tilespmem:v3+s24+$0x0] =	vst.idx.add.f32.msk vm0, v56  }
0x129: {  	vm14 =	vle.s32 v8, $0x0;
	[tilespmem:v58+s24+$0x0] =	vst.idx.add.f32.msk vm7, v59  }
0x12a: {  	vm1 =	vgt.s32 v0, $0x0;
	[tilespmem:v9+s24+$0x0] =	vst.idx.add.f32.msk vm2, v14  }
0x12b: {  	vm8 =	vgt.s32 v1, $0x0;
	[tilespmem:v57+s24+$0x0] =	vst.idx.add.f32.msk vm10, v15  }
0x12c: {  	vm9 =	vgt.s32 v2, $0x0;
	[tilespmem:v10+s24+$0x0] =	vst.idx.add.f32.msk vm4, v60  }
0x12d: {  	vm3 =	vgt.s32 v4, $0x0;
	[tilespmem:v11+s24+$0x0] =	vst.idx.add.f32.msk vm6, v61  }
0x12e: {  	vm5 =	vgt.s32 v5, $0x0;
	[tilespmem:v12+s24+$0x0] =	vst.idx.add.f32.msk vm12, v62  }
0x12f: {  	vm11 =	vgt.s32 v6, $0x0;
	[tilespmem:v13+s24+$0x0] =	vst.idx.add.f32.msk vm14, v63  }
0x130: {  	vm13 =	vgt.s32 v7, $0x0;
	[tilespmem:v3+s24+$0x0] =	vst.idx.add.f32.msk vm1, v56  }
0x131: {  	vm15 =	vgt.s32 v8, $0x0;
	[tilespmem:v58+s24+$0x0] =	vst.idx.add.f32.msk vm8, v59  }
0x132: {  	[tilespmem:v9+s24+$0x0] =	vst.idx.add.f32.msk vm9, v14  }
0x133: {  	[tilespmem:v57+s24+$0x0] =	vst.idx.add.f32.msk vm3, v15  }
0x134: {  	[tilespmem:v10+s24+$0x0] =	vst.idx.add.f32.msk vm5, v60  }
0x135: {  	[tilespmem:v11+s24+$0x0] =	vst.idx.add.f32.msk vm11, v61  }
0x136: {  	[tilespmem:v12+s24+$0x0] =	vst.idx.add.f32.msk vm13, v62  }
0x137: {  	s17 =	simm.s32 $0x2040;
	s16 =	simm.s32 $0x0;
	[tilespmem:v13+s24+$0x0] =	vst.idx.add.f32.msk vm15, v63  }
.LBB2_13:
0x138: {  	v0 =	vld [tilespmem:s17+$0x30]  }
0x139: {  	s16 =	sadd.s32 $0x8, s16;
	v1 =	vld [tilespmem:s17+$0xFFFFFFC0]  }
0x13a: {  	s3 =	sadd.s32 $0x80, s3;
	p0 =	slt.u32 s16, $0x1E8;
	v2 =	vld [tilespmem:s17+$0xFFFFFFD0]  }
0x13b: {  	v3 =	vld [tilespmem:s3+$0x30]  }
0x13c: {  	v4 =	vld [tilespmem:s17+$0xFFFFFFE0]  }
0x13d: {  	s15 =	sadd.s32 $0x80, s15;
	v5 =	vld [tilespmem:s17+$0xFFFFFFF0];
	vm6 =	vle.s32 v0, $0x0  }
0x13e: {  	vm9 =	vgt.s32 v0, $0x0;
	vm0 =	vgt.s32 v1, $0x0;
	vm2 =	vle.s32 v1, $0x0;
	v0 =	vld [tilespmem:s15+$0x30]  }
0x13f: {  	vm1 =	vgt.s32 v2, $0x0;
	vm4 =	vle.s32 v2, $0x0;
	v1 =	vld [tilespmem:s17+$0x0]  }
0x140: {  	v2 =	vld [tilespmem:s17+$0x10]  }
0x141: {  	vm3 =	vgt.s32 v4, $0x0;
	vm7 =	vle.s32 v4, $0x0;
	v4 =	vld [tilespmem:s17+$0x20]  }
0x142: {  	v6 =	vld [tilespmem:s3+$0xFFFFFFD0];
	vm5 =	vgt.s32 v5, $0x0;
	vm8 =	vle.s32 v5, $0x0  }
0x143: {  	[tilespmem:v3+s24+$0x0] =	vst.idx.add.f32.msk vm6, v0  }
0x144: {  	s18 =	simm.s32 $0x0;
	vm6 =	vgt.s32 v1, $0x0;
	vm11 =	vle.s32 v1, $0x0;
	[tilespmem:v3+s24+$0x0] =	vst.idx.add.f32.msk vm9, v0  }
0x145: {  	v0 =	vld [tilespmem:s3+$0xFFFFFFE0];
	vm9 =	vgt.s32 v2, $0x0;
	vm12 =	vle.s32 v2, $0x0  }
0x146: {  	v1 =	vld [tilespmem:s3+$0xFFFFFFF0];
	vm10 =	vgt.s32 v4, $0x0;
	vm13 =	vle.s32 v4, $0x0  }
0x147: {  	v2 =	vld [tilespmem:s3+$0x0]  }
0x148: {  	v3 =	vld [tilespmem:s3+$0x10]  }
0x149: {  	v4 =	vld [tilespmem:s3+$0x20]  }
0x14a: {  	v5 =	vld [tilespmem:s3+$0xFFFFFFC0]  }
0x14b: {  	v7 =	vld [tilespmem:s15+$0xFFFFFFC0]  }
0x14c: {  	v8 =	vld [tilespmem:s15+$0xFFFFFFD0]  }
0x14d: {  	v9 =	vld [tilespmem:s15+$0xFFFFFFE0]  }
0x14e: {  	v10 =	vld [tilespmem:s15+$0xFFFFFFF0]  }
0x14f: {  	v11 =	vld [tilespmem:s15+$0x0]  }
0x150: {  	v12 =	vld [tilespmem:s15+$0x10]  }
0x151: {  	v13 =	vld [tilespmem:s15+$0x20]  }
0x152: {  	[tilespmem:v5+s24+$0x0] =	vst.idx.add.f32.msk vm2, v7  }
0x153: {  	[tilespmem:v5+s24+$0x0] =	vst.idx.add.f32.msk vm0, v7  }
0x154: {  	[tilespmem:v6+s24+$0x0] =	vst.idx.add.f32.msk vm4, v8  }
0x155: {  	[tilespmem:v6+s24+$0x0] =	vst.idx.add.f32.msk vm1, v8  }
0x156: {  	[tilespmem:v0+s24+$0x0] =	vst.idx.add.f32.msk vm7, v9  }
0x157: {  	[tilespmem:v0+s24+$0x0] =	vst.idx.add.f32.msk vm3, v9  }
0x158: {  	[tilespmem:v1+s24+$0x0] =	vst.idx.add.f32.msk vm8, v10  }
0x159: {  	[tilespmem:v1+s24+$0x0] =	vst.idx.add.f32.msk vm5, v10  }
0x15a: {  	[tilespmem:v2+s24+$0x0] =	vst.idx.add.f32.msk vm11, v11  }
.Ltmp6:
0x15b: {  	[tilespmem:v2+s24+$0x0] =	vst.idx.add.f32.msk vm6, v11;
	(pc) =	sbr.rel @p0 .LBB2_13-.Ltmp6, $4  }
0x15c: {  	[tilespmem:v3+s24+$0x0] =	vst.idx.add.f32.msk vm12, v12  }
0x15d: {  	[tilespmem:v3+s24+$0x0] =	vst.idx.add.f32.msk vm9, v12  }
0x15e: {  	[tilespmem:v4+s24+$0x0] =	vst.idx.add.f32.msk vm13, v13  }
0x15f: {  	s17 =	sadd.s32 $0x80, s17;
	[tilespmem:v4+s24+$0x0] =	vst.idx.add.f32.msk vm10, v13  }
.LBB2_14:
0x160: {  	s3 =	sshra.s32 s18, $0x2  }
0x161: {  	v0 =	vld [tilespmem:s3+$0x3E80];
	_ =	sdelay $0x2  }
0x162: {  	v1 =	vld [tilespmem:s3+$0x1F00];
	_ =	sdelay $0x1  }
0x163: {  	vm0 =	vle.s32 v0, $0x0  }
0x164: {  	v63 =	vld [tilespmem:s3+$0x5E00];
	vm1 =	vgt.s32 v0, $0x0  }
0x165: {  	p0 =	sne.s32 s18, $0xC0  }
.Ltmp7:
0x166: {  	_ = 	snop;
	(pc) =	sbr.rel @p0 .LBB2_14-.Ltmp7, $3  }
0x167: {  	_ =	sdelay $0x1  }
0x168: {  	[tilespmem:v1+s24+$0x0] =	vst.idx.add.f32.msk vm0, v63  }
0x169: {  	s18 =	sadd.s32 $0x40, s18;
	[tilespmem:v1+s24+$0x0] =	vst.idx.add.f32.msk vm1, v63  }
0x16a: {  	s0 =	sadd.s32 $0x1, s0  }
0x16b: {  	p0 =	sne.s32 s0, $0xA  }
.Ltmp8:
0x16c: {  	_ = 	snop;
	(pc) =	sbr.rel @p0 .LBB2_12-.Ltmp8, $1  }
0x16d: {  	_ =	sdelay $0x3  }
0x16e: {  	s0 =	rddreg [dreg:$0x5]  }
0x16f: {  	[hbm4b:s0+s29] =	stream.strided.scatter [tilespmem:s24], [sflag:$0x1], $0x14000, s30, s29, $0x38;
	[tilespmem:$0x19E80] =	vst v63  }
0x170: {  	_ =	swait.ge [sflag:s25], $0x14000  }
0x171: {  	[sflag:s25] =	ssyncset.done $0x0  }
0x172: {  	s0 =	simm.s32 $0x0;
	[sflag:s25] =	ssyncadd.s32 $0xFFFEC000  }
0x173: {  	[tilespmem:s24], [sflag:$0x1] =	stream.linear.gather [hbm4b:s1+s0], $0x14000, $0x38;
	[tilespmem:$0x19E80] =	vst v63  }
0x174: {  	_ =	swait.ge [sflag:s25], $0x14000  }
0x175: {  	[sflag:s25] =	ssyncset.done $0x0  }
0x176: {  	[sflag:s25] =	ssyncadd.s32 $0xFFFEC000  }
.LBB2_17:
0x177: {  	s3 =	smul.u32 $0x3E8, s0;
	_ =	sdelay $0x1  }
0x178: {  	s3 =	sadd.s32 s14, s3  }
0x179: {  	s15 =	sadd.s32 s11, s3  }
0x17a: {  	[tilespmem:s2], [sflag:$0x1] =	stream.linear.gather [hbm4b:s15+s2], $0x1F40, $0x38;
	[tilespmem:$0x19E80] =	vst v63  }
0x17b: {  	_ =	swait.ge [sflag:s25], $0x1F40  }
0x17c: {  	[sflag:s25] =	ssyncset.done $0x0  }
0x17d: {  	s18 =	sadd.s32 s12, s3;
	[sflag:s25] =	ssyncadd.s32 $0xFFFFE0C0  }
0x17e: {  	[tilespmem:s26], [sflag:$0x1] =	stream.linear.gather [hbm4b:s18+s2], $0x1F40, $0x38;
	[tilespmem:$0x19E80] =	vst v63  }
0x17f: {  	_ =	swait.ge [sflag:s25], $0x1F40  }
0x180: {  	[sflag:s25] =	ssyncset.done $0x0  }
0x181: {  	s3 =	sadd.s32 s7, s3;
	[sflag:s25] =	ssyncadd.s32 $0xFFFFE0C0  }
0x182: {  	[tilespmem:s28], [sflag:$0x1] =	stream.linear.gather [hbm4b:s3+s2], $0x1F40, $0x38;
	[tilespmem:$0x19E80] =	vst v63  }
0x183: {  	_ =	swait.ge [sflag:s25], $0x1F40  }
0x184: {  	[sflag:s25] =	ssyncset.done $0x0  }
0x185: {  	s16 =	simm.s32 $0x1FC0;
	[sflag:s25] =	ssyncadd.s32 $0xFFFFE0C0  }
0x186: {  	v0 =	vld [tilespmem:s16+$0x30]  }
0x187: {  	v1 =	vld [tilespmem:s16+$0xFFFFFFC0]  }
0x188: {  	s3 =	simm.s32 $0x40;
	v2 =	vld [tilespmem:s16+$0xFFFFFFD0]  }
0x189: {  	v3 =	vld [tilespmem:s3+$0x30]  }
0x18a: {  	v4 =	vld [tilespmem:s16+$0xFFFFFFE0]  }
0x18b: {  	s15 =	simm.s32 $0x3F40;
	v5 =	vld [tilespmem:s16+$0xFFFFFFF0]  }
0x18c: {  	v56 =	vld [tilespmem:s15+$0x30]  }
0x18d: {  	v6 =	vld [tilespmem:s16+$0x0]  }
0x18e: {  	v7 =	vld [tilespmem:s16+$0x10]  }
0x18f: {  	v8 =	vld [tilespmem:s16+$0x20]  }
0x190: {  	v9 =	vld [tilespmem:s3+$0xFFFFFFD0]  }
0x191: {  	v57 =	vld [tilespmem:s3+$0xFFFFFFE0]  }
0x192: {  	v58 =	vld [tilespmem:s3+$0xFFFFFFC0]  }
0x193: {  	v10 =	vld [tilespmem:s3+$0xFFFFFFF0]  }
0x194: {  	v11 =	vld [tilespmem:s3+$0x0]  }
0x195: {  	v59 =	vld [tilespmem:s15+$0xFFFFFFC0]  }
0x196: {  	v12 =	vld [tilespmem:s3+$0x10]  }
0x197: {  	v13 =	vld [tilespmem:s3+$0x20]  }
0x198: {  	v14 =	vld [tilespmem:s15+$0xFFFFFFD0];
	vm0 =	vle.s32 v0, $0x0  }
0x199: {  	v15 =	vld [tilespmem:s15+$0xFFFFFFE0];
	vm7 =	vle.s32 v1, $0x0  }
0x19a: {  	v60 =	vld [tilespmem:s15+$0xFFFFFFF0];
	vm2 =	vle.s32 v2, $0x0  }
0x19b: {  	v61 =	vld [tilespmem:s15+$0x0];
	vm10 =	vle.s32 v4, $0x0  }
0x19c: {  	v62 =	vld [tilespmem:s15+$0x10];
	vm4 =	vle.s32 v5, $0x0  }
0x19d: {  	v63 =	vld [tilespmem:s15+$0x20];
	vm6 =	vle.s32 v6, $0x0  }
0x19e: {  	vm12 =	vle.s32 v7, $0x0;
	[tilespmem:v3+s24+$0x0] =	vst.idx.add.f32.msk vm0, v56  }
0x19f: {  	vm14 =	vle.s32 v8, $0x0;
	[tilespmem:v58+s24+$0x0] =	vst.idx.add.f32.msk vm7, v59  }
0x1a0: {  	vm1 =	vgt.s32 v0, $0x0;
	[tilespmem:v9+s24+$0x0] =	vst.idx.add.f32.msk vm2, v14  }
0x1a1: {  	vm8 =	vgt.s32 v1, $0x0;
	[tilespmem:v57+s24+$0x0] =	vst.idx.add.f32.msk vm10, v15  }
0x1a2: {  	vm9 =	vgt.s32 v2, $0x0;
	[tilespmem:v10+s24+$0x0] =	vst.idx.add.f32.msk vm4, v60  }
0x1a3: {  	vm3 =	vgt.s32 v4, $0x0;
	[tilespmem:v11+s24+$0x0] =	vst.idx.add.f32.msk vm6, v61  }
0x1a4: {  	vm5 =	vgt.s32 v5, $0x0;
	[tilespmem:v12+s24+$0x0] =	vst.idx.add.f32.msk vm12, v62  }
0x1a5: {  	vm11 =	vgt.s32 v6, $0x0;
	[tilespmem:v13+s24+$0x0] =	vst.idx.add.f32.msk vm14, v63  }
0x1a6: {  	vm13 =	vgt.s32 v7, $0x0;
	[tilespmem:v3+s24+$0x0] =	vst.idx.add.f32.msk vm1, v56  }
0x1a7: {  	vm15 =	vgt.s32 v8, $0x0;
	[tilespmem:v58+s24+$0x0] =	vst.idx.add.f32.msk vm8, v59  }
0x1a8: {  	[tilespmem:v9+s24+$0x0] =	vst.idx.add.f32.msk vm9, v14  }
0x1a9: {  	[tilespmem:v57+s24+$0x0] =	vst.idx.add.f32.msk vm3, v15  }
0x1aa: {  	[tilespmem:v10+s24+$0x0] =	vst.idx.add.f32.msk vm5, v60  }
0x1ab: {  	[tilespmem:v11+s24+$0x0] =	vst.idx.add.f32.msk vm11, v61  }
0x1ac: {  	[tilespmem:v12+s24+$0x0] =	vst.idx.add.f32.msk vm13, v62  }
0x1ad: {  	s17 =	simm.s32 $0x2040;
	s16 =	simm.s32 $0x0;
	[tilespmem:v13+s24+$0x0] =	vst.idx.add.f32.msk vm15, v63  }
.LBB2_18:
0x1ae: {  	v0 =	vld [tilespmem:s17+$0x30]  }
0x1af: {  	s16 =	sadd.s32 $0x8, s16;
	v1 =	vld [tilespmem:s17+$0xFFFFFFC0]  }
0x1b0: {  	s3 =	sadd.s32 $0x80, s3;
	p0 =	slt.u32 s16, $0x1E8;
	v2 =	vld [tilespmem:s17+$0xFFFFFFD0]  }
0x1b1: {  	v3 =	vld [tilespmem:s3+$0x30]  }
0x1b2: {  	v4 =	vld [tilespmem:s17+$0xFFFFFFE0]  }
0x1b3: {  	s15 =	sadd.s32 $0x80, s15;
	v5 =	vld [tilespmem:s17+$0xFFFFFFF0];
	vm6 =	vle.s32 v0, $0x0  }
0x1b4: {  	vm9 =	vgt.s32 v0, $0x0;
	vm0 =	vgt.s32 v1, $0x0;
	vm2 =	vle.s32 v1, $0x0;
	v0 =	vld [tilespmem:s15+$0x30]  }
0x1b5: {  	vm1 =	vgt.s32 v2, $0x0;
	vm4 =	vle.s32 v2, $0x0;
	v1 =	vld [tilespmem:s17+$0x0]  }
0x1b6: {  	v2 =	vld [tilespmem:s17+$0x10]  }
0x1b7: {  	vm3 =	vgt.s32 v4, $0x0;
	vm7 =	vle.s32 v4, $0x0;
	v4 =	vld [tilespmem:s17+$0x20]  }
0x1b8: {  	v6 =	vld [tilespmem:s3+$0xFFFFFFD0];
	vm5 =	vgt.s32 v5, $0x0;
	vm8 =	vle.s32 v5, $0x0  }
0x1b9: {  	[tilespmem:v3+s24+$0x0] =	vst.idx.add.f32.msk vm6, v0  }
0x1ba: {  	s18 =	simm.s32 $0x0;
	vm6 =	vgt.s32 v1, $0x0;
	vm11 =	vle.s32 v1, $0x0;
	[tilespmem:v3+s24+$0x0] =	vst.idx.add.f32.msk vm9, v0  }
0x1bb: {  	v0 =	vld [tilespmem:s3+$0xFFFFFFE0];
	vm9 =	vgt.s32 v2, $0x0;
	vm12 =	vle.s32 v2, $0x0  }
0x1bc: {  	v1 =	vld [tilespmem:s3+$0xFFFFFFF0];
	vm10 =	vgt.s32 v4, $0x0;
	vm13 =	vle.s32 v4, $0x0  }
0x1bd: {  	v2 =	vld [tilespmem:s3+$0x0]  }
0x1be: {  	v3 =	vld [tilespmem:s3+$0x10]  }
0x1bf: {  	v4 =	vld [tilespmem:s3+$0x20]  }
0x1c0: {  	v5 =	vld [tilespmem:s3+$0xFFFFFFC0]  }
0x1c1: {  	v7 =	vld [tilespmem:s15+$0xFFFFFFC0]  }
0x1c2: {  	v8 =	vld [tilespmem:s15+$0xFFFFFFD0]  }
0x1c3: {  	v9 =	vld [tilespmem:s15+$0xFFFFFFE0]  }
0x1c4: {  	v10 =	vld [tilespmem:s15+$0xFFFFFFF0]  }
0x1c5: {  	v11 =	vld [tilespmem:s15+$0x0]  }
0x1c6: {  	v12 =	vld [tilespmem:s15+$0x10]  }
0x1c7: {  	v13 =	vld [tilespmem:s15+$0x20]  }
0x1c8: {  	[tilespmem:v5+s24+$0x0] =	vst.idx.add.f32.msk vm2, v7  }
0x1c9: {  	[tilespmem:v5+s24+$0x0] =	vst.idx.add.f32.msk vm0, v7  }
0x1ca: {  	[tilespmem:v6+s24+$0x0] =	vst.idx.add.f32.msk vm4, v8  }
0x1cb: {  	[tilespmem:v6+s24+$0x0] =	vst.idx.add.f32.msk vm1, v8  }
0x1cc: {  	[tilespmem:v0+s24+$0x0] =	vst.idx.add.f32.msk vm7, v9  }
0x1cd: {  	[tilespmem:v0+s24+$0x0] =	vst.idx.add.f32.msk vm3, v9  }
0x1ce: {  	[tilespmem:v1+s24+$0x0] =	vst.idx.add.f32.msk vm8, v10  }
0x1cf: {  	[tilespmem:v1+s24+$0x0] =	vst.idx.add.f32.msk vm5, v10  }
0x1d0: {  	[tilespmem:v2+s24+$0x0] =	vst.idx.add.f32.msk vm11, v11  }
.Ltmp9:
0x1d1: {  	[tilespmem:v2+s24+$0x0] =	vst.idx.add.f32.msk vm6, v11;
	(pc) =	sbr.rel @p0 .LBB2_18-.Ltmp9, $4  }
0x1d2: {  	[tilespmem:v3+s24+$0x0] =	vst.idx.add.f32.msk vm12, v12  }
0x1d3: {  	[tilespmem:v3+s24+$0x0] =	vst.idx.add.f32.msk vm9, v12  }
0x1d4: {  	[tilespmem:v4+s24+$0x0] =	vst.idx.add.f32.msk vm13, v13  }
0x1d5: {  	s17 =	sadd.s32 $0x80, s17;
	[tilespmem:v4+s24+$0x0] =	vst.idx.add.f32.msk vm10, v13  }
.LBB2_19:
0x1d6: {  	s3 =	sshra.s32 s18, $0x2  }
0x1d7: {  	v0 =	vld [tilespmem:s3+$0x3E80];
	_ =	sdelay $0x2  }
0x1d8: {  	v1 =	vld [tilespmem:s3+$0x1F00];
	_ =	sdelay $0x1  }
0x1d9: {  	vm0 =	vle.s32 v0, $0x0  }
0x1da: {  	v63 =	vld [tilespmem:s3+$0x5E00];
	vm1 =	vgt.s32 v0, $0x0  }
0x1db: {  	p0 =	sne.s32 s18, $0xC0  }
.Ltmp10:
0x1dc: {  	_ = 	snop;
	(pc) =	sbr.rel @p0 .LBB2_19-.Ltmp10, $3  }
0x1dd: {  	_ =	sdelay $0x1  }
0x1de: {  	[tilespmem:v1+s24+$0x0] =	vst.idx.add.f32.msk vm0, v63  }
0x1df: {  	s18 =	sadd.s32 $0x40, s18;
	[tilespmem:v1+s24+$0x0] =	vst.idx.add.f32.msk vm1, v63  }
0x1e0: {  	s0 =	sadd.s32 $0x1, s0  }
0x1e1: {  	p0 =	sne.s32 s0, $0xA  }
.Ltmp11:
0x1e2: {  	_ = 	snop;
	(pc) =	sbr.rel @p0 .LBB2_17-.Ltmp11, $1  }
0x1e3: {  	_ =	sdelay $0x3  }
0x1e4: {  	s0 =	rddreg [dreg:$0x6]  }
0x1e5: {  	[hbm4b:s0+s29] =	stream.strided.scatter [tilespmem:s24], [sflag:$0x1], $0x14000, s30, s29, $0x38;
	[tilespmem:$0x19E80] =	vst v63  }
0x1e6: {  	_ =	swait.ge [sflag:s25], $0x14000  }
0x1e7: {  	[sflag:s25] =	ssyncset.done $0x0  }
0x1e8: {  	s0 =	simm.s32 $0x0;
	[sflag:s25] =	ssyncadd.s32 $0xFFFEC000  }
0x1e9: {  	[tilespmem:s24], [sflag:$0x1] =	stream.linear.gather [hbm4b:s1+s0], $0x14000, $0x38;
	[tilespmem:$0x19E80] =	vst v63  }
0x1ea: {  	_ =	swait.ge [sflag:s25], $0x14000  }
0x1eb: {  	[sflag:s25] =	ssyncset.done $0x0  }
0x1ec: {  	[sflag:s25] =	ssyncadd.s32 $0xFFFEC000  }
.LBB2_22:
0x1ed: {  	s3 =	smul.u32 $0x3E8, s0;
	_ =	sdelay $0x1  }
0x1ee: {  	s3 =	sadd.s32 s14, s3  }
0x1ef: {  	s15 =	sadd.s32 s11, s3  }
0x1f0: {  	[tilespmem:s2], [sflag:$0x1] =	stream.linear.gather [hbm4b:s15+s2], $0x1F40, $0x38;
	[tilespmem:$0x19E80] =	vst v63  }
0x1f1: {  	_ =	swait.ge [sflag:s25], $0x1F40  }
0x1f2: {  	[sflag:s25] =	ssyncset.done $0x0  }
0x1f3: {  	s18 =	sadd.s32 s12, s3;
	[sflag:s25] =	ssyncadd.s32 $0xFFFFE0C0  }
0x1f4: {  	[tilespmem:s26], [sflag:$0x1] =	stream.linear.gather [hbm4b:s18+s2], $0x1F40, $0x38;
	[tilespmem:$0x19E80] =	vst v63  }
0x1f5: {  	_ =	swait.ge [sflag:s25], $0x1F40  }
0x1f6: {  	[sflag:s25] =	ssyncset.done $0x0  }
0x1f7: {  	s3 =	sadd.s32 s13, s3;
	[sflag:s25] =	ssyncadd.s32 $0xFFFFE0C0  }
0x1f8: {  	[tilespmem:s28], [sflag:$0x1] =	stream.linear.gather [hbm4b:s3+s2], $0x1F40, $0x38;
	[tilespmem:$0x19E80] =	vst v63  }
0x1f9: {  	_ =	swait.ge [sflag:s25], $0x1F40  }
0x1fa: {  	[sflag:s25] =	ssyncset.done $0x0  }
0x1fb: {  	s16 =	simm.s32 $0x1FC0;
	[sflag:s25] =	ssyncadd.s32 $0xFFFFE0C0  }
0x1fc: {  	v0 =	vld [tilespmem:s16+$0x30]  }
0x1fd: {  	v1 =	vld [tilespmem:s16+$0xFFFFFFC0]  }
0x1fe: {  	s3 =	simm.s32 $0x40;
	v2 =	vld [tilespmem:s16+$0xFFFFFFD0]  }
0x1ff: {  	v3 =	vld [tilespmem:s3+$0x30]  }
0x200: {  	v4 =	vld [tilespmem:s16+$0xFFFFFFE0]  }
0x201: {  	s15 =	simm.s32 $0x3F40;
	v5 =	vld [tilespmem:s16+$0xFFFFFFF0]  }
0x202: {  	v56 =	vld [tilespmem:s15+$0x30]  }
0x203: {  	v6 =	vld [tilespmem:s16+$0x0]  }
0x204: {  	v7 =	vld [tilespmem:s16+$0x10]  }
0x205: {  	v8 =	vld [tilespmem:s16+$0x20]  }
0x206: {  	v9 =	vld [tilespmem:s3+$0xFFFFFFD0]  }
0x207: {  	v57 =	vld [tilespmem:s3+$0xFFFFFFE0]  }
0x208: {  	v58 =	vld [tilespmem:s3+$0xFFFFFFC0]  }
0x209: {  	v10 =	vld [tilespmem:s3+$0xFFFFFFF0]  }
0x20a: {  	v11 =	vld [tilespmem:s3+$0x0]  }
0x20b: {  	v59 =	vld [tilespmem:s15+$0xFFFFFFC0]  }
0x20c: {  	v12 =	vld [tilespmem:s3+$0x10]  }
0x20d: {  	v13 =	vld [tilespmem:s3+$0x20]  }
0x20e: {  	v14 =	vld [tilespmem:s15+$0xFFFFFFD0];
	vm0 =	vle.s32 v0, $0x0  }
0x20f: {  	v15 =	vld [tilespmem:s15+$0xFFFFFFE0];
	vm7 =	vle.s32 v1, $0x0  }
0x210: {  	v60 =	vld [tilespmem:s15+$0xFFFFFFF0];
	vm2 =	vle.s32 v2, $0x0  }
0x211: {  	v61 =	vld [tilespmem:s15+$0x0];
	vm10 =	vle.s32 v4, $0x0  }
0x212: {  	v62 =	vld [tilespmem:s15+$0x10];
	vm4 =	vle.s32 v5, $0x0  }
0x213: {  	v63 =	vld [tilespmem:s15+$0x20];
	vm6 =	vle.s32 v6, $0x0  }
0x214: {  	vm12 =	vle.s32 v7, $0x0;
	[tilespmem:v3+s24+$0x0] =	vst.idx.add.f32.msk vm0, v56  }
0x215: {  	vm14 =	vle.s32 v8, $0x0;
	[tilespmem:v58+s24+$0x0] =	vst.idx.add.f32.msk vm7, v59  }
0x216: {  	vm1 =	vgt.s32 v0, $0x0;
	[tilespmem:v9+s24+$0x0] =	vst.idx.add.f32.msk vm2, v14  }
0x217: {  	vm8 =	vgt.s32 v1, $0x0;
	[tilespmem:v57+s24+$0x0] =	vst.idx.add.f32.msk vm10, v15  }
0x218: {  	vm9 =	vgt.s32 v2, $0x0;
	[tilespmem:v10+s24+$0x0] =	vst.idx.add.f32.msk vm4, v60  }
0x219: {  	vm3 =	vgt.s32 v4, $0x0;
	[tilespmem:v11+s24+$0x0] =	vst.idx.add.f32.msk vm6, v61  }
0x21a: {  	vm5 =	vgt.s32 v5, $0x0;
	[tilespmem:v12+s24+$0x0] =	vst.idx.add.f32.msk vm12, v62  }
0x21b: {  	vm11 =	vgt.s32 v6, $0x0;
	[tilespmem:v13+s24+$0x0] =	vst.idx.add.f32.msk vm14, v63  }
0x21c: {  	vm13 =	vgt.s32 v7, $0x0;
	[tilespmem:v3+s24+$0x0] =	vst.idx.add.f32.msk vm1, v56  }
0x21d: {  	vm15 =	vgt.s32 v8, $0x0;
	[tilespmem:v58+s24+$0x0] =	vst.idx.add.f32.msk vm8, v59  }
0x21e: {  	[tilespmem:v9+s24+$0x0] =	vst.idx.add.f32.msk vm9, v14  }
0x21f: {  	[tilespmem:v57+s24+$0x0] =	vst.idx.add.f32.msk vm3, v15  }
0x220: {  	[tilespmem:v10+s24+$0x0] =	vst.idx.add.f32.msk vm5, v60  }
0x221: {  	[tilespmem:v11+s24+$0x0] =	vst.idx.add.f32.msk vm11, v61  }
0x222: {  	[tilespmem:v12+s24+$0x0] =	vst.idx.add.f32.msk vm13, v62  }
0x223: {  	s17 =	simm.s32 $0x2040;
	s16 =	simm.s32 $0x0;
	[tilespmem:v13+s24+$0x0] =	vst.idx.add.f32.msk vm15, v63  }
.LBB2_23:
0x224: {  	v0 =	vld [tilespmem:s17+$0x30]  }
0x225: {  	s16 =	sadd.s32 $0x8, s16;
	v1 =	vld [tilespmem:s17+$0xFFFFFFC0]  }
0x226: {  	s3 =	sadd.s32 $0x80, s3;
	p0 =	slt.u32 s16, $0x1E8;
	v2 =	vld [tilespmem:s17+$0xFFFFFFD0]  }
0x227: {  	v3 =	vld [tilespmem:s3+$0x30]  }
0x228: {  	v4 =	vld [tilespmem:s17+$0xFFFFFFE0]  }
0x229: {  	s15 =	sadd.s32 $0x80, s15;
	v5 =	vld [tilespmem:s17+$0xFFFFFFF0];
	vm6 =	vle.s32 v0, $0x0  }
0x22a: {  	vm9 =	vgt.s32 v0, $0x0;
	vm0 =	vgt.s32 v1, $0x0;
	vm2 =	vle.s32 v1, $0x0;
	v0 =	vld [tilespmem:s15+$0x30]  }
0x22b: {  	vm1 =	vgt.s32 v2, $0x0;
	vm4 =	vle.s32 v2, $0x0;
	v1 =	vld [tilespmem:s17+$0x0]  }
0x22c: {  	v2 =	vld [tilespmem:s17+$0x10]  }
0x22d: {  	vm3 =	vgt.s32 v4, $0x0;
	vm7 =	vle.s32 v4, $0x0;
	v4 =	vld [tilespmem:s17+$0x20]  }
0x22e: {  	v6 =	vld [tilespmem:s3+$0xFFFFFFD0];
	vm5 =	vgt.s32 v5, $0x0;
	vm8 =	vle.s32 v5, $0x0  }
0x22f: {  	[tilespmem:v3+s24+$0x0] =	vst.idx.add.f32.msk vm6, v0  }
0x230: {  	s18 =	simm.s32 $0x0;
	vm6 =	vgt.s32 v1, $0x0;
	vm11 =	vle.s32 v1, $0x0;
	[tilespmem:v3+s24+$0x0] =	vst.idx.add.f32.msk vm9, v0  }
0x231: {  	v0 =	vld [tilespmem:s3+$0xFFFFFFE0];
	vm9 =	vgt.s32 v2, $0x0;
	vm12 =	vle.s32 v2, $0x0  }
0x232: {  	v1 =	vld [tilespmem:s3+$0xFFFFFFF0];
	vm10 =	vgt.s32 v4, $0x0;
	vm13 =	vle.s32 v4, $0x0  }
0x233: {  	v2 =	vld [tilespmem:s3+$0x0]  }
0x234: {  	v3 =	vld [tilespmem:s3+$0x10]  }
0x235: {  	v4 =	vld [tilespmem:s3+$0x20]  }
0x236: {  	v5 =	vld [tilespmem:s3+$0xFFFFFFC0]  }
0x237: {  	v7 =	vld [tilespmem:s15+$0xFFFFFFC0]  }
0x238: {  	v8 =	vld [tilespmem:s15+$0xFFFFFFD0]  }
0x239: {  	v9 =	vld [tilespmem:s15+$0xFFFFFFE0]  }
0x23a: {  	v10 =	vld [tilespmem:s15+$0xFFFFFFF0]  }
0x23b: {  	v11 =	vld [tilespmem:s15+$0x0]  }
0x23c: {  	v12 =	vld [tilespmem:s15+$0x10]  }
0x23d: {  	v13 =	vld [tilespmem:s15+$0x20]  }
0x23e: {  	[tilespmem:v5+s24+$0x0] =	vst.idx.add.f32.msk vm2, v7  }
0x23f: {  	[tilespmem:v5+s24+$0x0] =	vst.idx.add.f32.msk vm0, v7  }
0x240: {  	[tilespmem:v6+s24+$0x0] =	vst.idx.add.f32.msk vm4, v8  }
0x241: {  	[tilespmem:v6+s24+$0x0] =	vst.idx.add.f32.msk vm1, v8  }
0x242: {  	[tilespmem:v0+s24+$0x0] =	vst.idx.add.f32.msk vm7, v9  }
0x243: {  	[tilespmem:v0+s24+$0x0] =	vst.idx.add.f32.msk vm3, v9  }
0x244: {  	[tilespmem:v1+s24+$0x0] =	vst.idx.add.f32.msk vm8, v10  }
0x245: {  	[tilespmem:v1+s24+$0x0] =	vst.idx.add.f32.msk vm5, v10  }
0x246: {  	[tilespmem:v2+s24+$0x0] =	vst.idx.add.f32.msk vm11, v11  }
.Ltmp12:
0x247: {  	[tilespmem:v2+s24+$0x0] =	vst.idx.add.f32.msk vm6, v11;
	(pc) =	sbr.rel @p0 .LBB2_23-.Ltmp12, $4  }
0x248: {  	[tilespmem:v3+s24+$0x0] =	vst.idx.add.f32.msk vm12, v12  }
0x249: {  	[tilespmem:v3+s24+$0x0] =	vst.idx.add.f32.msk vm9, v12  }
0x24a: {  	[tilespmem:v4+s24+$0x0] =	vst.idx.add.f32.msk vm13, v13  }
0x24b: {  	s17 =	sadd.s32 $0x80, s17;
	[tilespmem:v4+s24+$0x0] =	vst.idx.add.f32.msk vm10, v13  }
.LBB2_24:
0x24c: {  	s3 =	sshra.s32 s18, $0x2  }
0x24d: {  	v0 =	vld [tilespmem:s3+$0x3E80];
	_ =	sdelay $0x2  }
0x24e: {  	v1 =	vld [tilespmem:s3+$0x1F00];
	_ =	sdelay $0x1  }
0x24f: {  	vm0 =	vle.s32 v0, $0x0  }
0x250: {  	v63 =	vld [tilespmem:s3+$0x5E00];
	vm1 =	vgt.s32 v0, $0x0  }
0x251: {  	p0 =	sne.s32 s18, $0xC0  }
.Ltmp13:
0x252: {  	_ = 	snop;
	(pc) =	sbr.rel @p0 .LBB2_24-.Ltmp13, $3  }
0x253: {  	_ =	sdelay $0x1  }
0x254: {  	[tilespmem:v1+s24+$0x0] =	vst.idx.add.f32.msk vm0, v63  }
0x255: {  	s18 =	sadd.s32 $0x40, s18;
	[tilespmem:v1+s24+$0x0] =	vst.idx.add.f32.msk vm1, v63  }
0x256: {  	s0 =	sadd.s32 $0x1, s0  }
0x257: {  	p0 =	sne.s32 s0, $0xA  }
.Ltmp14:
0x258: {  	_ = 	snop;
	(pc) =	sbr.rel @p0 .LBB2_22-.Ltmp14, $1  }
0x259: {  	_ =	sdelay $0x3  }
0x25a: {  	[hbm4b:s19+s29] =	stream.strided.scatter [tilespmem:s24], [sflag:$0x1], $0x14000, s30, s29, $0x38;
	[tilespmem:$0x19E80] =	vst v63  }
0x25b: {  	_ =	swait.ge [sflag:s25], $0x14000  }
0x25c: {  	[sflag:s25] =	ssyncset.done $0x0  }
0x25d: {  	s0 =	simm.s32 $0x0;
	[sflag:s25] =	ssyncadd.s32 $0xFFFEC000  }
0x25e: {  	[tilespmem:s24], [sflag:$0x1] =	stream.linear.gather [hbm4b:s1+s0], $0x14000, $0x38;
	[tilespmem:$0x19E80] =	vst v63  }
0x25f: {  	_ =	swait.ge [sflag:s25], $0x14000  }
0x260: {  	[sflag:s25] =	ssyncset.done $0x0  }
0x261: {  	[sflag:s25] =	ssyncadd.s32 $0xFFFEC000  }
.LBB2_27:
0x262: {  	s3 =	smul.u32 $0x3E8, s0;
	_ =	sdelay $0x1  }
0x263: {  	s3 =	sadd.s32 s14, s3  }
0x264: {  	s15 =	sadd.s32 s11, s3  }
0x265: {  	[tilespmem:s2], [sflag:$0x1] =	stream.linear.gather [hbm4b:s15+s2], $0x1F40, $0x38;
	[tilespmem:$0x19E80] =	vst v63  }
0x266: {  	_ =	swait.ge [sflag:s25], $0x1F40  }
0x267: {  	[sflag:s25] =	ssyncset.done $0x0  }
0x268: {  	s18 =	sadd.s32 s12, s3;
	[sflag:s25] =	ssyncadd.s32 $0xFFFFE0C0  }
0x269: {  	[tilespmem:s26], [sflag:$0x1] =	stream.linear.gather [hbm4b:s18+s2], $0x1F40, $0x38;
	[tilespmem:$0x19E80] =	vst v63  }
0x26a: {  	_ =	swait.ge [sflag:s25], $0x1F40  }
0x26b: {  	[sflag:s25] =	ssyncset.done $0x0  }
0x26c: {  	s3 =	sadd.s32 s8, s3;
	[sflag:s25] =	ssyncadd.s32 $0xFFFFE0C0  }
0x26d: {  	[tilespmem:s28], [sflag:$0x1] =	stream.linear.gather [hbm4b:s3+s2], $0x1F40, $0x38;
	[tilespmem:$0x19E80] =	vst v63  }
0x26e: {  	_ =	swait.ge [sflag:s25], $0x1F40  }
0x26f: {  	[sflag:s25] =	ssyncset.done $0x0  }
0x270: {  	s16 =	simm.s32 $0x1FC0;
	[sflag:s25] =	ssyncadd.s32 $0xFFFFE0C0  }
0x271: {  	v0 =	vld [tilespmem:s16+$0x30]  }
0x272: {  	v1 =	vld [tilespmem:s16+$0xFFFFFFC0]  }
0x273: {  	s3 =	simm.s32 $0x40;
	v2 =	vld [tilespmem:s16+$0xFFFFFFD0]  }
0x274: {  	v3 =	vld [tilespmem:s3+$0x30]  }
0x275: {  	v4 =	vld [tilespmem:s16+$0xFFFFFFE0]  }
0x276: {  	s15 =	simm.s32 $0x3F40;
	v5 =	vld [tilespmem:s16+$0xFFFFFFF0]  }
0x277: {  	v56 =	vld [tilespmem:s15+$0x30]  }
0x278: {  	v6 =	vld [tilespmem:s16+$0x0]  }
0x279: {  	v7 =	vld [tilespmem:s16+$0x10]  }
0x27a: {  	v8 =	vld [tilespmem:s16+$0x20]  }
0x27b: {  	v9 =	vld [tilespmem:s3+$0xFFFFFFD0]  }
0x27c: {  	v57 =	vld [tilespmem:s3+$0xFFFFFFE0]  }
0x27d: {  	v58 =	vld [tilespmem:s3+$0xFFFFFFC0]  }
0x27e: {  	v10 =	vld [tilespmem:s3+$0xFFFFFFF0]  }
0x27f: {  	v11 =	vld [tilespmem:s3+$0x0]  }
0x280: {  	v59 =	vld [tilespmem:s15+$0xFFFFFFC0]  }
0x281: {  	v12 =	vld [tilespmem:s3+$0x10]  }
0x282: {  	v13 =	vld [tilespmem:s3+$0x20]  }
0x283: {  	v14 =	vld [tilespmem:s15+$0xFFFFFFD0];
	vm0 =	vle.s32 v0, $0x0  }
0x284: {  	v15 =	vld [tilespmem:s15+$0xFFFFFFE0];
	vm7 =	vle.s32 v1, $0x0  }
0x285: {  	v60 =	vld [tilespmem:s15+$0xFFFFFFF0];
	vm2 =	vle.s32 v2, $0x0  }
0x286: {  	v61 =	vld [tilespmem:s15+$0x0];
	vm10 =	vle.s32 v4, $0x0  }
0x287: {  	v62 =	vld [tilespmem:s15+$0x10];
	vm4 =	vle.s32 v5, $0x0  }
0x288: {  	v63 =	vld [tilespmem:s15+$0x20];
	vm6 =	vle.s32 v6, $0x0  }
0x289: {  	vm12 =	vle.s32 v7, $0x0;
	[tilespmem:v3+s24+$0x0] =	vst.idx.add.f32.msk vm0, v56  }
0x28a: {  	vm14 =	vle.s32 v8, $0x0;
	[tilespmem:v58+s24+$0x0] =	vst.idx.add.f32.msk vm7, v59  }
0x28b: {  	vm1 =	vgt.s32 v0, $0x0;
	[tilespmem:v9+s24+$0x0] =	vst.idx.add.f32.msk vm2, v14  }
0x28c: {  	vm8 =	vgt.s32 v1, $0x0;
	[tilespmem:v57+s24+$0x0] =	vst.idx.add.f32.msk vm10, v15  }
0x28d: {  	vm9 =	vgt.s32 v2, $0x0;
	[tilespmem:v10+s24+$0x0] =	vst.idx.add.f32.msk vm4, v60  }
0x28e: {  	vm3 =	vgt.s32 v4, $0x0;
	[tilespmem:v11+s24+$0x0] =	vst.idx.add.f32.msk vm6, v61  }
0x28f: {  	vm5 =	vgt.s32 v5, $0x0;
	[tilespmem:v12+s24+$0x0] =	vst.idx.add.f32.msk vm12, v62  }
0x290: {  	vm11 =	vgt.s32 v6, $0x0;
	[tilespmem:v13+s24+$0x0] =	vst.idx.add.f32.msk vm14, v63  }
0x291: {  	vm13 =	vgt.s32 v7, $0x0;
	[tilespmem:v3+s24+$0x0] =	vst.idx.add.f32.msk vm1, v56  }
0x292: {  	vm15 =	vgt.s32 v8, $0x0;
	[tilespmem:v58+s24+$0x0] =	vst.idx.add.f32.msk vm8, v59  }
0x293: {  	[tilespmem:v9+s24+$0x0] =	vst.idx.add.f32.msk vm9, v14  }
0x294: {  	[tilespmem:v57+s24+$0x0] =	vst.idx.add.f32.msk vm3, v15  }
0x295: {  	[tilespmem:v10+s24+$0x0] =	vst.idx.add.f32.msk vm5, v60  }
0x296: {  	[tilespmem:v11+s24+$0x0] =	vst.idx.add.f32.msk vm11, v61  }
0x297: {  	[tilespmem:v12+s24+$0x0] =	vst.idx.add.f32.msk vm13, v62  }
0x298: {  	s17 =	simm.s32 $0x2040;
	s16 =	simm.s32 $0x0;
	[tilespmem:v13+s24+$0x0] =	vst.idx.add.f32.msk vm15, v63  }
.LBB2_28:
0x299: {  	v0 =	vld [tilespmem:s17+$0x30]  }
0x29a: {  	s16 =	sadd.s32 $0x8, s16;
	v1 =	vld [tilespmem:s17+$0xFFFFFFC0]  }
0x29b: {  	s3 =	sadd.s32 $0x80, s3;
	p0 =	slt.u32 s16, $0x1E8;
	v2 =	vld [tilespmem:s17+$0xFFFFFFD0]  }
0x29c: {  	v3 =	vld [tilespmem:s3+$0x30]  }
0x29d: {  	v4 =	vld [tilespmem:s17+$0xFFFFFFE0]  }
0x29e: {  	s15 =	sadd.s32 $0x80, s15;
	v5 =	vld [tilespmem:s17+$0xFFFFFFF0];
	vm6 =	vle.s32 v0, $0x0  }
0x29f: {  	vm9 =	vgt.s32 v0, $0x0;
	vm0 =	vgt.s32 v1, $0x0;
	vm2 =	vle.s32 v1, $0x0;
	v0 =	vld [tilespmem:s15+$0x30]  }
0x2a0: {  	vm1 =	vgt.s32 v2, $0x0;
	vm4 =	vle.s32 v2, $0x0;
	v1 =	vld [tilespmem:s17+$0x0]  }
0x2a1: {  	v2 =	vld [tilespmem:s17+$0x10]  }
0x2a2: {  	vm3 =	vgt.s32 v4, $0x0;
	vm7 =	vle.s32 v4, $0x0;
	v4 =	vld [tilespmem:s17+$0x20]  }
0x2a3: {  	v6 =	vld [tilespmem:s3+$0xFFFFFFD0];
	vm5 =	vgt.s32 v5, $0x0;
	vm8 =	vle.s32 v5, $0x0  }
0x2a4: {  	[tilespmem:v3+s24+$0x0] =	vst.idx.add.f32.msk vm6, v0  }
0x2a5: {  	s18 =	simm.s32 $0x0;
	vm6 =	vgt.s32 v1, $0x0;
	vm11 =	vle.s32 v1, $0x0;
	[tilespmem:v3+s24+$0x0] =	vst.idx.add.f32.msk vm9, v0  }
0x2a6: {  	v0 =	vld [tilespmem:s3+$0xFFFFFFE0];
	vm9 =	vgt.s32 v2, $0x0;
	vm12 =	vle.s32 v2, $0x0  }
0x2a7: {  	v1 =	vld [tilespmem:s3+$0xFFFFFFF0];
	vm10 =	vgt.s32 v4, $0x0;
	vm13 =	vle.s32 v4, $0x0  }
0x2a8: {  	v2 =	vld [tilespmem:s3+$0x0]  }
0x2a9: {  	v3 =	vld [tilespmem:s3+$0x10]  }
0x2aa: {  	v4 =	vld [tilespmem:s3+$0x20]  }
0x2ab: {  	v5 =	vld [tilespmem:s3+$0xFFFFFFC0]  }
0x2ac: {  	v7 =	vld [tilespmem:s15+$0xFFFFFFC0]  }
0x2ad: {  	v8 =	vld [tilespmem:s15+$0xFFFFFFD0]  }
0x2ae: {  	v9 =	vld [tilespmem:s15+$0xFFFFFFE0]  }
0x2af: {  	v10 =	vld [tilespmem:s15+$0xFFFFFFF0]  }
0x2b0: {  	v11 =	vld [tilespmem:s15+$0x0]  }
0x2b1: {  	v12 =	vld [tilespmem:s15+$0x10]  }
0x2b2: {  	v13 =	vld [tilespmem:s15+$0x20]  }
0x2b3: {  	[tilespmem:v5+s24+$0x0] =	vst.idx.add.f32.msk vm2, v7  }
0x2b4: {  	[tilespmem:v5+s24+$0x0] =	vst.idx.add.f32.msk vm0, v7  }
0x2b5: {  	[tilespmem:v6+s24+$0x0] =	vst.idx.add.f32.msk vm4, v8  }
0x2b6: {  	[tilespmem:v6+s24+$0x0] =	vst.idx.add.f32.msk vm1, v8  }
0x2b7: {  	[tilespmem:v0+s24+$0x0] =	vst.idx.add.f32.msk vm7, v9  }
0x2b8: {  	[tilespmem:v0+s24+$0x0] =	vst.idx.add.f32.msk vm3, v9  }
0x2b9: {  	[tilespmem:v1+s24+$0x0] =	vst.idx.add.f32.msk vm8, v10  }
0x2ba: {  	[tilespmem:v1+s24+$0x0] =	vst.idx.add.f32.msk vm5, v10  }
0x2bb: {  	[tilespmem:v2+s24+$0x0] =	vst.idx.add.f32.msk vm11, v11  }
.Ltmp15:
0x2bc: {  	[tilespmem:v2+s24+$0x0] =	vst.idx.add.f32.msk vm6, v11;
	(pc) =	sbr.rel @p0 .LBB2_28-.Ltmp15, $4  }
0x2bd: {  	[tilespmem:v3+s24+$0x0] =	vst.idx.add.f32.msk vm12, v12  }
0x2be: {  	[tilespmem:v3+s24+$0x0] =	vst.idx.add.f32.msk vm9, v12  }
0x2bf: {  	[tilespmem:v4+s24+$0x0] =	vst.idx.add.f32.msk vm13, v13  }
0x2c0: {  	s17 =	sadd.s32 $0x80, s17;
	[tilespmem:v4+s24+$0x0] =	vst.idx.add.f32.msk vm10, v13  }
.LBB2_29:
0x2c1: {  	s3 =	sshra.s32 s18, $0x2  }
0x2c2: {  	v0 =	vld [tilespmem:s3+$0x3E80];
	_ =	sdelay $0x2  }
0x2c3: {  	v1 =	vld [tilespmem:s3+$0x1F00];
	_ =	sdelay $0x1  }
0x2c4: {  	vm0 =	vle.s32 v0, $0x0  }
0x2c5: {  	v63 =	vld [tilespmem:s3+$0x5E00];
	vm1 =	vgt.s32 v0, $0x0  }
0x2c6: {  	p0 =	sne.s32 s18, $0xC0  }
.Ltmp16:
0x2c7: {  	_ = 	snop;
	(pc) =	sbr.rel @p0 .LBB2_29-.Ltmp16, $3  }
0x2c8: {  	_ =	sdelay $0x1  }
0x2c9: {  	[tilespmem:v1+s24+$0x0] =	vst.idx.add.f32.msk vm0, v63  }
0x2ca: {  	s18 =	sadd.s32 $0x40, s18;
	[tilespmem:v1+s24+$0x0] =	vst.idx.add.f32.msk vm1, v63  }
0x2cb: {  	s0 =	sadd.s32 $0x1, s0  }
0x2cc: {  	p0 =	sne.s32 s0, $0xA  }
.Ltmp17:
0x2cd: {  	_ = 	snop;
	(pc) =	sbr.rel @p0 .LBB2_27-.Ltmp17, $1  }
0x2ce: {  	_ =	sdelay $0x3  }
0x2cf: {  	[hbm4b:s20+s29] =	stream.strided.scatter [tilespmem:s24], [sflag:$0x1], $0x14000, s30, s29, $0x38;
	[tilespmem:$0x19E80] =	vst v63  }
0x2d0: {  	_ =	swait.ge [sflag:s25], $0x14000  }
0x2d1: {  	[sflag:s25] =	ssyncset.done $0x0  }
0x2d2: {  	s0 =	simm.s32 $0x0;
	[sflag:s25] =	ssyncadd.s32 $0xFFFEC000  }
0x2d3: {  	[tilespmem:s24], [sflag:$0x1] =	stream.linear.gather [hbm4b:s1+s0], $0x14000, $0x38;
	[tilespmem:$0x19E80] =	vst v63  }
0x2d4: {  	_ =	swait.ge [sflag:s25], $0x14000  }
0x2d5: {  	[sflag:s25] =	ssyncset.done $0x0  }
0x2d6: {  	[sflag:s25] =	ssyncadd.s32 $0xFFFEC000  }
.LBB2_32:
0x2d7: {  	s3 =	smul.u32 $0x3E8, s0;
	_ =	sdelay $0x1  }
0x2d8: {  	s3 =	sadd.s32 s14, s3  }
0x2d9: {  	s15 =	sadd.s32 s11, s3  }
0x2da: {  	[tilespmem:s2], [sflag:$0x1] =	stream.linear.gather [hbm4b:s15+s2], $0x1F40, $0x38;
	[tilespmem:$0x19E80] =	vst v63  }
0x2db: {  	_ =	swait.ge [sflag:s25], $0x1F40  }
0x2dc: {  	[sflag:s25] =	ssyncset.done $0x0  }
0x2dd: {  	s18 =	sadd.s32 s12, s3;
	[sflag:s25] =	ssyncadd.s32 $0xFFFFE0C0  }
0x2de: {  	[tilespmem:s26], [sflag:$0x1] =	stream.linear.gather [hbm4b:s18+s2], $0x1F40, $0x38;
	[tilespmem:$0x19E80] =	vst v63  }
0x2df: {  	_ =	swait.ge [sflag:s25], $0x1F40  }
0x2e0: {  	[sflag:s25] =	ssyncset.done $0x0  }
0x2e1: {  	s3 =	sadd.s32 s9, s3;
	[sflag:s25] =	ssyncadd.s32 $0xFFFFE0C0  }
0x2e2: {  	[tilespmem:s28], [sflag:$0x1] =	stream.linear.gather [hbm4b:s3+s2], $0x1F40, $0x38;
	[tilespmem:$0x19E80] =	vst v63  }
0x2e3: {  	_ =	swait.ge [sflag:s25], $0x1F40  }
0x2e4: {  	[sflag:s25] =	ssyncset.done $0x0  }
0x2e5: {  	s16 =	simm.s32 $0x1FC0;
	[sflag:s25] =	ssyncadd.s32 $0xFFFFE0C0  }
0x2e6: {  	v0 =	vld [tilespmem:s16+$0x30]  }
0x2e7: {  	v1 =	vld [tilespmem:s16+$0xFFFFFFC0]  }
0x2e8: {  	s3 =	simm.s32 $0x40;
	v2 =	vld [tilespmem:s16+$0xFFFFFFD0]  }
0x2e9: {  	v3 =	vld [tilespmem:s3+$0x30]  }
0x2ea: {  	v4 =	vld [tilespmem:s16+$0xFFFFFFE0]  }
0x2eb: {  	s15 =	simm.s32 $0x3F40;
	v5 =	vld [tilespmem:s16+$0xFFFFFFF0]  }
0x2ec: {  	v56 =	vld [tilespmem:s15+$0x30]  }
0x2ed: {  	v6 =	vld [tilespmem:s16+$0x0]  }
0x2ee: {  	v7 =	vld [tilespmem:s16+$0x10]  }
0x2ef: {  	v8 =	vld [tilespmem:s16+$0x20]  }
0x2f0: {  	v9 =	vld [tilespmem:s3+$0xFFFFFFD0]  }
0x2f1: {  	v57 =	vld [tilespmem:s3+$0xFFFFFFE0]  }
0x2f2: {  	v58 =	vld [tilespmem:s3+$0xFFFFFFC0]  }
0x2f3: {  	v10 =	vld [tilespmem:s3+$0xFFFFFFF0]  }
0x2f4: {  	v11 =	vld [tilespmem:s3+$0x0]  }
0x2f5: {  	v59 =	vld [tilespmem:s15+$0xFFFFFFC0]  }
0x2f6: {  	v12 =	vld [tilespmem:s3+$0x10]  }
0x2f7: {  	v13 =	vld [tilespmem:s3+$0x20]  }
0x2f8: {  	v14 =	vld [tilespmem:s15+$0xFFFFFFD0];
	vm0 =	vle.s32 v0, $0x0  }
0x2f9: {  	v15 =	vld [tilespmem:s15+$0xFFFFFFE0];
	vm7 =	vle.s32 v1, $0x0  }
0x2fa: {  	v60 =	vld [tilespmem:s15+$0xFFFFFFF0];
	vm2 =	vle.s32 v2, $0x0  }
0x2fb: {  	v61 =	vld [tilespmem:s15+$0x0];
	vm10 =	vle.s32 v4, $0x0  }
0x2fc: {  	v62 =	vld [tilespmem:s15+$0x10];
	vm4 =	vle.s32 v5, $0x0  }
0x2fd: {  	v63 =	vld [tilespmem:s15+$0x20];
	vm6 =	vle.s32 v6, $0x0  }
0x2fe: {  	vm12 =	vle.s32 v7, $0x0;
	[tilespmem:v3+s24+$0x0] =	vst.idx.add.f32.msk vm0, v56  }
0x2ff: {  	vm14 =	vle.s32 v8, $0x0;
	[tilespmem:v58+s24+$0x0] =	vst.idx.add.f32.msk vm7, v59  }
0x300: {  	vm1 =	vgt.s32 v0, $0x0;
	[tilespmem:v9+s24+$0x0] =	vst.idx.add.f32.msk vm2, v14  }
0x301: {  	vm8 =	vgt.s32 v1, $0x0;
	[tilespmem:v57+s24+$0x0] =	vst.idx.add.f32.msk vm10, v15  }
0x302: {  	vm9 =	vgt.s32 v2, $0x0;
	[tilespmem:v10+s24+$0x0] =	vst.idx.add.f32.msk vm4, v60  }
0x303: {  	vm3 =	vgt.s32 v4, $0x0;
	[tilespmem:v11+s24+$0x0] =	vst.idx.add.f32.msk vm6, v61  }
0x304: {  	vm5 =	vgt.s32 v5, $0x0;
	[tilespmem:v12+s24+$0x0] =	vst.idx.add.f32.msk vm12, v62  }
0x305: {  	vm11 =	vgt.s32 v6, $0x0;
	[tilespmem:v13+s24+$0x0] =	vst.idx.add.f32.msk vm14, v63  }
0x306: {  	vm13 =	vgt.s32 v7, $0x0;
	[tilespmem:v3+s24+$0x0] =	vst.idx.add.f32.msk vm1, v56  }
0x307: {  	vm15 =	vgt.s32 v8, $0x0;
	[tilespmem:v58+s24+$0x0] =	vst.idx.add.f32.msk vm8, v59  }
0x308: {  	[tilespmem:v9+s24+$0x0] =	vst.idx.add.f32.msk vm9, v14  }
0x309: {  	[tilespmem:v57+s24+$0x0] =	vst.idx.add.f32.msk vm3, v15  }
0x30a: {  	[tilespmem:v10+s24+$0x0] =	vst.idx.add.f32.msk vm5, v60  }
0x30b: {  	[tilespmem:v11+s24+$0x0] =	vst.idx.add.f32.msk vm11, v61  }
0x30c: {  	[tilespmem:v12+s24+$0x0] =	vst.idx.add.f32.msk vm13, v62  }
0x30d: {  	s17 =	simm.s32 $0x2040;
	s16 =	simm.s32 $0x0;
	[tilespmem:v13+s24+$0x0] =	vst.idx.add.f32.msk vm15, v63  }
.LBB2_33:
0x30e: {  	v0 =	vld [tilespmem:s17+$0x30]  }
0x30f: {  	s16 =	sadd.s32 $0x8, s16;
	v1 =	vld [tilespmem:s17+$0xFFFFFFC0]  }
0x310: {  	s3 =	sadd.s32 $0x80, s3;
	p0 =	slt.u32 s16, $0x1E8;
	v2 =	vld [tilespmem:s17+$0xFFFFFFD0]  }
0x311: {  	v3 =	vld [tilespmem:s3+$0x30]  }
0x312: {  	v4 =	vld [tilespmem:s17+$0xFFFFFFE0]  }
0x313: {  	s15 =	sadd.s32 $0x80, s15;
	v5 =	vld [tilespmem:s17+$0xFFFFFFF0];
	vm6 =	vle.s32 v0, $0x0  }
0x314: {  	vm9 =	vgt.s32 v0, $0x0;
	vm0 =	vgt.s32 v1, $0x0;
	vm2 =	vle.s32 v1, $0x0;
	v0 =	vld [tilespmem:s15+$0x30]  }
0x315: {  	vm1 =	vgt.s32 v2, $0x0;
	vm4 =	vle.s32 v2, $0x0;
	v1 =	vld [tilespmem:s17+$0x0]  }
0x316: {  	v2 =	vld [tilespmem:s17+$0x10]  }
0x317: {  	vm3 =	vgt.s32 v4, $0x0;
	vm7 =	vle.s32 v4, $0x0;
	v4 =	vld [tilespmem:s17+$0x20]  }
0x318: {  	v6 =	vld [tilespmem:s3+$0xFFFFFFD0];
	vm5 =	vgt.s32 v5, $0x0;
	vm8 =	vle.s32 v5, $0x0  }
0x319: {  	[tilespmem:v3+s24+$0x0] =	vst.idx.add.f32.msk vm6, v0  }
0x31a: {  	s18 =	simm.s32 $0x0;
	vm6 =	vgt.s32 v1, $0x0;
	vm11 =	vle.s32 v1, $0x0;
	[tilespmem:v3+s24+$0x0] =	vst.idx.add.f32.msk vm9, v0  }
0x31b: {  	v0 =	vld [tilespmem:s3+$0xFFFFFFE0];
	vm9 =	vgt.s32 v2, $0x0;
	vm12 =	vle.s32 v2, $0x0  }
0x31c: {  	v1 =	vld [tilespmem:s3+$0xFFFFFFF0];
	vm10 =	vgt.s32 v4, $0x0;
	vm13 =	vle.s32 v4, $0x0  }
0x31d: {  	v2 =	vld [tilespmem:s3+$0x0]  }
0x31e: {  	v3 =	vld [tilespmem:s3+$0x10]  }
0x31f: {  	v4 =	vld [tilespmem:s3+$0x20]  }
0x320: {  	v5 =	vld [tilespmem:s3+$0xFFFFFFC0]  }
0x321: {  	v7 =	vld [tilespmem:s15+$0xFFFFFFC0]  }
0x322: {  	v8 =	vld [tilespmem:s15+$0xFFFFFFD0]  }
0x323: {  	v9 =	vld [tilespmem:s15+$0xFFFFFFE0]  }
0x324: {  	v10 =	vld [tilespmem:s15+$0xFFFFFFF0]  }
0x325: {  	v11 =	vld [tilespmem:s15+$0x0]  }
0x326: {  	v12 =	vld [tilespmem:s15+$0x10]  }
0x327: {  	v13 =	vld [tilespmem:s15+$0x20]  }
0x328: {  	[tilespmem:v5+s24+$0x0] =	vst.idx.add.f32.msk vm2, v7  }
0x329: {  	[tilespmem:v5+s24+$0x0] =	vst.idx.add.f32.msk vm0, v7  }
0x32a: {  	[tilespmem:v6+s24+$0x0] =	vst.idx.add.f32.msk vm4, v8  }
0x32b: {  	[tilespmem:v6+s24+$0x0] =	vst.idx.add.f32.msk vm1, v8  }
0x32c: {  	[tilespmem:v0+s24+$0x0] =	vst.idx.add.f32.msk vm7, v9  }
0x32d: {  	[tilespmem:v0+s24+$0x0] =	vst.idx.add.f32.msk vm3, v9  }
0x32e: {  	[tilespmem:v1+s24+$0x0] =	vst.idx.add.f32.msk vm8, v10  }
0x32f: {  	[tilespmem:v1+s24+$0x0] =	vst.idx.add.f32.msk vm5, v10  }
0x330: {  	[tilespmem:v2+s24+$0x0] =	vst.idx.add.f32.msk vm11, v11  }
.Ltmp18:
0x331: {  	[tilespmem:v2+s24+$0x0] =	vst.idx.add.f32.msk vm6, v11;
	(pc) =	sbr.rel @p0 .LBB2_33-.Ltmp18, $4  }
0x332: {  	[tilespmem:v3+s24+$0x0] =	vst.idx.add.f32.msk vm12, v12  }
0x333: {  	[tilespmem:v3+s24+$0x0] =	vst.idx.add.f32.msk vm9, v12  }
0x334: {  	[tilespmem:v4+s24+$0x0] =	vst.idx.add.f32.msk vm13, v13  }
0x335: {  	s17 =	sadd.s32 $0x80, s17;
	[tilespmem:v4+s24+$0x0] =	vst.idx.add.f32.msk vm10, v13  }
.LBB2_34:
0x336: {  	s3 =	sshra.s32 s18, $0x2  }
0x337: {  	v0 =	vld [tilespmem:s3+$0x3E80];
	_ =	sdelay $0x2  }
0x338: {  	v1 =	vld [tilespmem:s3+$0x1F00];
	_ =	sdelay $0x1  }
0x339: {  	vm0 =	vle.s32 v0, $0x0  }
0x33a: {  	v63 =	vld [tilespmem:s3+$0x5E00];
	vm1 =	vgt.s32 v0, $0x0  }
0x33b: {  	p0 =	sne.s32 s18, $0xC0  }
.Ltmp19:
0x33c: {  	_ = 	snop;
	(pc) =	sbr.rel @p0 .LBB2_34-.Ltmp19, $3  }
0x33d: {  	_ =	sdelay $0x1  }
0x33e: {  	[tilespmem:v1+s24+$0x0] =	vst.idx.add.f32.msk vm0, v63  }
0x33f: {  	s18 =	sadd.s32 $0x40, s18;
	[tilespmem:v1+s24+$0x0] =	vst.idx.add.f32.msk vm1, v63  }
0x340: {  	s0 =	sadd.s32 $0x1, s0  }
0x341: {  	p0 =	sne.s32 s0, $0xA  }
.Ltmp20:
0x342: {  	_ = 	snop;
	(pc) =	sbr.rel @p0 .LBB2_32-.Ltmp20, $1  }
0x343: {  	_ =	sdelay $0x3  }
0x344: {  	[hbm4b:s21+s29] =	stream.strided.scatter [tilespmem:s24], [sflag:$0x1], $0x14000, s30, s29, $0x38;
	[tilespmem:$0x19E80] =	vst v63  }
0x345: {  	_ =	swait.ge [sflag:s25], $0x14000  }
0x346: {  	[sflag:s25] =	ssyncset.done $0x0  }
0x347: {  	s0 =	simm.s32 $0x0;
	[sflag:s25] =	ssyncadd.s32 $0xFFFEC000  }
0x348: {  	[tilespmem:s24], [sflag:$0x1] =	stream.linear.gather [hbm4b:s1+s0], $0x14000, $0x38;
	[tilespmem:$0x19E80] =	vst v63  }
0x349: {  	_ =	swait.ge [sflag:s25], $0x14000  }
0x34a: {  	[sflag:s25] =	ssyncset.done $0x0  }
0x34b: {  	[sflag:s25] =	ssyncadd.s32 $0xFFFEC000  }
.LBB2_37:
0x34c: {  	s3 =	smul.u32 $0x3E8, s0;
	_ =	sdelay $0x1  }
0x34d: {  	s3 =	sadd.s32 s14, s3  }
0x34e: {  	s15 =	sadd.s32 s11, s3  }
0x34f: {  	[tilespmem:s2], [sflag:$0x1] =	stream.linear.gather [hbm4b:s15+s2], $0x1F40, $0x38;
	[tilespmem:$0x19E80] =	vst v63  }
0x350: {  	_ =	swait.ge [sflag:s25], $0x1F40  }
0x351: {  	[sflag:s25] =	ssyncset.done $0x0  }
0x352: {  	s18 =	sadd.s32 s12, s3;
	[sflag:s25] =	ssyncadd.s32 $0xFFFFE0C0  }
0x353: {  	[tilespmem:s26], [sflag:$0x1] =	stream.linear.gather [hbm4b:s18+s2], $0x1F40, $0x38;
	[tilespmem:$0x19E80] =	vst v63  }
0x354: {  	_ =	swait.ge [sflag:s25], $0x1F40  }
0x355: {  	[sflag:s25] =	ssyncset.done $0x0  }
0x356: {  	s3 =	sadd.s32 s10, s3;
	[sflag:s25] =	ssyncadd.s32 $0xFFFFE0C0  }
0x357: {  	[tilespmem:s28], [sflag:$0x1] =	stream.linear.gather [hbm4b:s3+s2], $0x1F40, $0x38;
	[tilespmem:$0x19E80] =	vst v63  }
0x358: {  	_ =	swait.ge [sflag:s25], $0x1F40  }
0x359: {  	[sflag:s25] =	ssyncset.done $0x0  }
0x35a: {  	s16 =	simm.s32 $0x1FC0;
	[sflag:s25] =	ssyncadd.s32 $0xFFFFE0C0  }
0x35b: {  	v0 =	vld [tilespmem:s16+$0x30]  }
0x35c: {  	v1 =	vld [tilespmem:s16+$0xFFFFFFC0]  }
0x35d: {  	s3 =	simm.s32 $0x40;
	v2 =	vld [tilespmem:s16+$0xFFFFFFD0]  }
0x35e: {  	v3 =	vld [tilespmem:s3+$0x30]  }
0x35f: {  	v4 =	vld [tilespmem:s16+$0xFFFFFFE0]  }
0x360: {  	s15 =	simm.s32 $0x3F40;
	v5 =	vld [tilespmem:s16+$0xFFFFFFF0]  }
0x361: {  	v56 =	vld [tilespmem:s15+$0x30]  }
0x362: {  	v6 =	vld [tilespmem:s16+$0x0]  }
0x363: {  	v7 =	vld [tilespmem:s16+$0x10]  }
0x364: {  	v8 =	vld [tilespmem:s16+$0x20]  }
0x365: {  	v9 =	vld [tilespmem:s3+$0xFFFFFFD0]  }
0x366: {  	v57 =	vld [tilespmem:s3+$0xFFFFFFE0]  }
0x367: {  	v58 =	vld [tilespmem:s3+$0xFFFFFFC0]  }
0x368: {  	v10 =	vld [tilespmem:s3+$0xFFFFFFF0]  }
0x369: {  	v11 =	vld [tilespmem:s3+$0x0]  }
0x36a: {  	v59 =	vld [tilespmem:s15+$0xFFFFFFC0]  }
0x36b: {  	v12 =	vld [tilespmem:s3+$0x10]  }
0x36c: {  	v13 =	vld [tilespmem:s3+$0x20]  }
0x36d: {  	v14 =	vld [tilespmem:s15+$0xFFFFFFD0];
	vm0 =	vle.s32 v0, $0x0  }
0x36e: {  	v15 =	vld [tilespmem:s15+$0xFFFFFFE0];
	vm7 =	vle.s32 v1, $0x0  }
0x36f: {  	v60 =	vld [tilespmem:s15+$0xFFFFFFF0];
	vm2 =	vle.s32 v2, $0x0  }
0x370: {  	v61 =	vld [tilespmem:s15+$0x0];
	vm10 =	vle.s32 v4, $0x0  }
0x371: {  	v62 =	vld [tilespmem:s15+$0x10];
	vm4 =	vle.s32 v5, $0x0  }
0x372: {  	v63 =	vld [tilespmem:s15+$0x20];
	vm6 =	vle.s32 v6, $0x0  }
0x373: {  	vm12 =	vle.s32 v7, $0x0;
	[tilespmem:v3+s24+$0x0] =	vst.idx.add.f32.msk vm0, v56  }
0x374: {  	vm14 =	vle.s32 v8, $0x0;
	[tilespmem:v58+s24+$0x0] =	vst.idx.add.f32.msk vm7, v59  }
0x375: {  	vm1 =	vgt.s32 v0, $0x0;
	[tilespmem:v9+s24+$0x0] =	vst.idx.add.f32.msk vm2, v14  }
0x376: {  	vm8 =	vgt.s32 v1, $0x0;
	[tilespmem:v57+s24+$0x0] =	vst.idx.add.f32.msk vm10, v15  }
0x377: {  	vm9 =	vgt.s32 v2, $0x0;
	[tilespmem:v10+s24+$0x0] =	vst.idx.add.f32.msk vm4, v60  }
0x378: {  	vm3 =	vgt.s32 v4, $0x0;
	[tilespmem:v11+s24+$0x0] =	vst.idx.add.f32.msk vm6, v61  }
0x379: {  	vm5 =	vgt.s32 v5, $0x0;
	[tilespmem:v12+s24+$0x0] =	vst.idx.add.f32.msk vm12, v62  }
0x37a: {  	vm11 =	vgt.s32 v6, $0x0;
	[tilespmem:v13+s24+$0x0] =	vst.idx.add.f32.msk vm14, v63  }
0x37b: {  	vm13 =	vgt.s32 v7, $0x0;
	[tilespmem:v3+s24+$0x0] =	vst.idx.add.f32.msk vm1, v56  }
0x37c: {  	vm15 =	vgt.s32 v8, $0x0;
	[tilespmem:v58+s24+$0x0] =	vst.idx.add.f32.msk vm8, v59  }
0x37d: {  	[tilespmem:v9+s24+$0x0] =	vst.idx.add.f32.msk vm9, v14  }
0x37e: {  	[tilespmem:v57+s24+$0x0] =	vst.idx.add.f32.msk vm3, v15  }
0x37f: {  	[tilespmem:v10+s24+$0x0] =	vst.idx.add.f32.msk vm5, v60  }
0x380: {  	[tilespmem:v11+s24+$0x0] =	vst.idx.add.f32.msk vm11, v61  }
0x381: {  	[tilespmem:v12+s24+$0x0] =	vst.idx.add.f32.msk vm13, v62  }
0x382: {  	s17 =	simm.s32 $0x2040;
	s16 =	simm.s32 $0x0;
	[tilespmem:v13+s24+$0x0] =	vst.idx.add.f32.msk vm15, v63  }
.LBB2_38:
0x383: {  	v0 =	vld [tilespmem:s17+$0x30]  }
0x384: {  	s16 =	sadd.s32 $0x8, s16;
	v1 =	vld [tilespmem:s17+$0xFFFFFFC0]  }
0x385: {  	s3 =	sadd.s32 $0x80, s3;
	p0 =	slt.u32 s16, $0x1E8;
	v2 =	vld [tilespmem:s17+$0xFFFFFFD0]  }
0x386: {  	v3 =	vld [tilespmem:s3+$0x30]  }
0x387: {  	v4 =	vld [tilespmem:s17+$0xFFFFFFE0]  }
0x388: {  	s15 =	sadd.s32 $0x80, s15;
	v5 =	vld [tilespmem:s17+$0xFFFFFFF0];
	vm6 =	vle.s32 v0, $0x0  }
0x389: {  	vm9 =	vgt.s32 v0, $0x0;
	vm0 =	vgt.s32 v1, $0x0;
	vm2 =	vle.s32 v1, $0x0;
	v0 =	vld [tilespmem:s15+$0x30]  }
0x38a: {  	vm1 =	vgt.s32 v2, $0x0;
	vm4 =	vle.s32 v2, $0x0;
	v1 =	vld [tilespmem:s17+$0x0]  }
0x38b: {  	v2 =	vld [tilespmem:s17+$0x10]  }
0x38c: {  	vm3 =	vgt.s32 v4, $0x0;
	vm7 =	vle.s32 v4, $0x0;
	v4 =	vld [tilespmem:s17+$0x20]  }
0x38d: {  	v6 =	vld [tilespmem:s3+$0xFFFFFFD0];
	vm5 =	vgt.s32 v5, $0x0;
	vm8 =	vle.s32 v5, $0x0  }
0x38e: {  	[tilespmem:v3+s24+$0x0] =	vst.idx.add.f32.msk vm6, v0  }
0x38f: {  	s18 =	simm.s32 $0x0;
	vm6 =	vgt.s32 v1, $0x0;
	vm11 =	vle.s32 v1, $0x0;
	[tilespmem:v3+s24+$0x0] =	vst.idx.add.f32.msk vm9, v0  }
0x390: {  	v0 =	vld [tilespmem:s3+$0xFFFFFFE0];
	vm9 =	vgt.s32 v2, $0x0;
	vm12 =	vle.s32 v2, $0x0  }
0x391: {  	v1 =	vld [tilespmem:s3+$0xFFFFFFF0];
	vm10 =	vgt.s32 v4, $0x0;
	vm13 =	vle.s32 v4, $0x0  }
0x392: {  	v2 =	vld [tilespmem:s3+$0x0]  }
0x393: {  	v3 =	vld [tilespmem:s3+$0x10]  }
0x394: {  	v4 =	vld [tilespmem:s3+$0x20]  }
0x395: {  	v5 =	vld [tilespmem:s3+$0xFFFFFFC0]  }
0x396: {  	v7 =	vld [tilespmem:s15+$0xFFFFFFC0]  }
0x397: {  	v8 =	vld [tilespmem:s15+$0xFFFFFFD0]  }
0x398: {  	v9 =	vld [tilespmem:s15+$0xFFFFFFE0]  }
0x399: {  	v10 =	vld [tilespmem:s15+$0xFFFFFFF0]  }
0x39a: {  	v11 =	vld [tilespmem:s15+$0x0]  }
0x39b: {  	v12 =	vld [tilespmem:s15+$0x10]  }
0x39c: {  	v13 =	vld [tilespmem:s15+$0x20]  }
0x39d: {  	[tilespmem:v5+s24+$0x0] =	vst.idx.add.f32.msk vm2, v7  }
0x39e: {  	[tilespmem:v5+s24+$0x0] =	vst.idx.add.f32.msk vm0, v7  }
0x39f: {  	[tilespmem:v6+s24+$0x0] =	vst.idx.add.f32.msk vm4, v8  }
0x3a0: {  	[tilespmem:v6+s24+$0x0] =	vst.idx.add.f32.msk vm1, v8  }
0x3a1: {  	[tilespmem:v0+s24+$0x0] =	vst.idx.add.f32.msk vm7, v9  }
0x3a2: {  	[tilespmem:v0+s24+$0x0] =	vst.idx.add.f32.msk vm3, v9  }
0x3a3: {  	[tilespmem:v1+s24+$0x0] =	vst.idx.add.f32.msk vm8, v10  }
0x3a4: {  	[tilespmem:v1+s24+$0x0] =	vst.idx.add.f32.msk vm5, v10  }
0x3a5: {  	[tilespmem:v2+s24+$0x0] =	vst.idx.add.f32.msk vm11, v11  }
.Ltmp21:
0x3a6: {  	[tilespmem:v2+s24+$0x0] =	vst.idx.add.f32.msk vm6, v11;
	(pc) =	sbr.rel @p0 .LBB2_38-.Ltmp21, $4  }
0x3a7: {  	[tilespmem:v3+s24+$0x0] =	vst.idx.add.f32.msk vm12, v12  }
0x3a8: {  	[tilespmem:v3+s24+$0x0] =	vst.idx.add.f32.msk vm9, v12  }
0x3a9: {  	[tilespmem:v4+s24+$0x0] =	vst.idx.add.f32.msk vm13, v13  }
0x3aa: {  	s17 =	sadd.s32 $0x80, s17;
	[tilespmem:v4+s24+$0x0] =	vst.idx.add.f32.msk vm10, v13  }
.LBB2_39:
0x3ab: {  	s3 =	sshra.s32 s18, $0x2  }
0x3ac: {  	v0 =	vld [tilespmem:s3+$0x3E80];
	_ =	sdelay $0x2  }
0x3ad: {  	v1 =	vld [tilespmem:s3+$0x1F00];
	_ =	sdelay $0x1  }
0x3ae: {  	vm0 =	vle.s32 v0, $0x0  }
0x3af: {  	v63 =	vld [tilespmem:s3+$0x5E00];
	vm1 =	vgt.s32 v0, $0x0  }
0x3b0: {  	p0 =	sne.s32 s18, $0xC0  }
.Ltmp22:
0x3b1: {  	_ = 	snop;
	(pc) =	sbr.rel @p0 .LBB2_39-.Ltmp22, $3  }
0x3b2: {  	_ =	sdelay $0x1  }
0x3b3: {  	[tilespmem:v1+s24+$0x0] =	vst.idx.add.f32.msk vm0, v63  }
0x3b4: {  	s18 =	sadd.s32 $0x40, s18;
	[tilespmem:v1+s24+$0x0] =	vst.idx.add.f32.msk vm1, v63  }
0x3b5: {  	s0 =	sadd.s32 $0x1, s0  }
0x3b6: {  	p0 =	sne.s32 s0, $0xA  }
.Ltmp23:
0x3b7: {  	_ = 	snop;
	(pc) =	sbr.rel @p0 .LBB2_37-.Ltmp23, $1  }
0x3b8: {  	_ =	sdelay $0x3  }
0x3b9: {  	s31 =	sadd.s32 $0x1, s31  }
0x3ba: {  	p0 =	sne.s32 s31, s23  }
.Ltmp24:
0x3bb: {  	_ = 	snop;
	(pc) =	sbr.rel @p0 .LBB2_1-.Ltmp24, $4  }
0x3bc: {  	[hbm4b:s22+s29] =	stream.strided.scatter [tilespmem:s24], [sflag:$0x1], $0x14000, s30, s29, $0x38;
	[tilespmem:$0x19E80] =	vst v63  }
0x3bd: {  	_ =	swait.ge [sflag:s25], $0x14000  }
0x3be: {  	[sflag:s25] =	ssyncset.done $0x0  }
0x3bf: {  	[sflag:s25] =	ssyncadd.s32 $0xFFFEC000  }
0x3c0: {  	_ =	sfence.sel $0x180000  }
0x3c1: {  	[bflag:$0x0] =	sbarrier.arrive $0xFFFF  }
0x3c2: {  	_ =	strace $0x9000004A  }
0x3c3: {  	s0 =	stileid.u32;
	[bflag:$0x2] =	sbarrier.arrive $0xFFFF  }
0x3c4: {  	p0 =	sne.s32 s0, $0x0;
	s0 =	rddreg [dreg:$0x2]  }
0x3c5: {  	s0 =	sadd.s32 @!p0 $0x100000, s0  }
0x3c6: {  	[sflag:s0] =	ssyncadd.tile.s32 @!p0 $0x1;
	_ =	shalt  }
.Lfunc_end2:
_tile_overlayer_lowered:
.L_overlay_start_2:
0x3c7: {  	(tag) =	ssettag $0x2  }
0x3c8: {  	s0 =	rddreg [dreg:$0x0];
	s2 =	stileid.u32  }
0x3c9: {  	s1 =	rddreg [dreg:$0x1];
	p0 =	sne.s32 s2, $0x0  }
0x3ca: {  	s3 =	rddreg [dreg:$0x2];
	[bflag:$0x3] =	sbarrier.arrive $0xFFFF;
	s2 =	simm.s32 @!p0 $0x1C01  }
0x3cb: {  	[timem:s3], [sflag:s2] =	dma.local @!p0 [hbm:s0], s1  }
0x3cc: {  	s0 =	simm.s32 @!p0 $0x1  }
0x3cd: {  	_ =	swait.ge @!p0 [sflag:s0], s1  }
0x3ce: {  	s1 =	ssub.s32 @!p0 $0x0, s1;
	[sflag:s0] =	ssyncset.done @!p0 $0x0  }
0x3cf: {  	[sflag:s0] =	ssyncadd.s32 @!p0 s1  }
0x3d0: {  	[bflag:$0x3] =	sbarrier.arrive $0xFFFF  }
0x3d1: {  	_ =	shalt  }

// kernel: kernel.7.cloned.1.call-start
scs
__scs_entry_jumppad:
0x0: {  	(pc) =	sbr.rel $0x88, $3  }
0x1: {  	(tag) =	ssettag $0x0;
	lr =	simm.s32 $0x1  }
0x2: {  	[smem:$0x3F8D] =	sst lr;
	_ =	strace $0xD0000000  }
0x3: {  	_ = 	snop  }
0x4: {  	_ = 	snop  }
0x5: {  	_ = 	snop  }
0x6: {  	_ = 	snop  }
0x7: {  	_ = 	snop  }
__scs_overlays_trampoline_lowered:
0x8: {  	[smem:$0x3F9C] =	sst s0  }
0x9: {  	[smem:$0x3F9D] =	sst s1  }
0xa: {  	[smem:$0x3F9E] =	sst s2  }
0xb: {  	[smem:$0x3F9F] =	sst s3  }
0xc: {  	[smem:$0x3FA0] =	sst s4  }
0xd: {  	[smem:$0x3FA1] =	sst s5  }
0xe: {  	[smem:$0x3FA2] =	sst s6  }
0xf: {  	[smem:$0x3FA3] =	sst s7  }
0x10: {  	[smem:$0x3FA4] =	sst s8  }
0x11: {  	[smem:$0x3FA5] =	sst s9;
	s0 =	simm.s32 @!p0 $0x0  }
0x12: {  	s1 =	sld [smem:$0x3F8B];
	s0 =	simm.s32 @p0 $0x1  }
0x13: {  	[smem:$0x3FA6] =	sst s0;
	s0 =	simm.s32 @!p1 $0x0  }
0x14: {  	s2 =	sld [smem:$0x3F8A];
	s0 =	simm.s32 @p1 $0x1  }
0x15: {  	[smem:$0x3FA7] =	sst s0;
	s0 =	simm.s32 @!p2 $0x0  }
0x16: {  	s3 =	sld [smem:$0x3FDB];
	s0 =	simm.s32 @p2 $0x1  }
0x17: {  	s4 =	simm.s32 $0x1BF5;
	[smem:$0x3FA9] =	sst s0  }
0x18: {  	s0 =	sld [smem:$0x3F8C];
	_ =	swait.ge [sflag:s4], $0x0  }
0x19: {  	s7 =	sld [smem:$0x3F8D]  }
0x1a: {  	s8 =	sadd.s32 $0xFFFFE003, lr  }
0x1b: {  	s9 =	sadd.s32 $0xFFFFFEF7, lr;
	s5 =	simm.s32 $0xFFFFFFFF;
	p2 =	slt.u32 s8, $0xFFFFF086  }
0x1c: {  	p1 =	slt.u32 s9, $0xF7A;
	s5 =	simm.s32 @!p2 $0x0  }
0x1d: {  	s5 =	simm.s32 @p1 $0x1;
	p0 =	seq.s32 s7, s2  }
0x1e: {  	s7 =	smul.u32 @!p0 $0xF7A, s2;
	p2 =	seq.s32 @!p0 s5, $0x0  }
0x1f: {  	s9 =	smul.u32 $0xF7A, s1;
	s8 =	simm.s32 @!p0 $0x1BF5;
	p2 =	por !p2, p0  }
0x20: {  	[sflag:s8] =	ssyncset.s32 @!p0 $0xFFFFF086;
	s6 =	sadd.s32 @!p0 s3, s7;
	s7 =	simm.s32 @!p0 $0x108  }
0x21: {  	s3 =	sadd.s32 s3, s9;
	s6 =	sadd.s32 @!p0 $0x88, s6;
	s7 =	simm.s32 @p2 $0x1082  }
0x22: {  	[simem:s7], [sflag:s8] =	dma.local @!p0 [hbm:s6], $0xF7A  }
0x23: {  	s9 =	sor.u32 $0xD0000000, s2;
	s6 =	simm.s32 $0x108;
	_ =	swait.ge @!p0 [sflag:s8], $0x0  }
0x24: {  	s3 =	sadd.s32 $0x88, s3;
	s6 =	simm.s32 @!p1 $0x1082;
	[sflag:s4] =	ssyncset.s32 $0xFFFFF086  }
0x25: {  	[simem:s6], [sflag:s4] =	dma.local [hbm:s3], $0xF7A  }
0x26: {  	[smem:$0x3F8D] =	sst s1;
	(tag) =	ssettag s2;
	_ =	strace s9  }
0x27: {  	s1 =	sld [smem:$0x3F9D]  }
0x28: {  	s2 =	sld [smem:$0x3F9E]  }
0x29: {  	s4 =	sld [smem:$0x3FA0]  }
0x2a: {  	p0 =	seq.s32 s5, $0x0;
	s5 =	sld [smem:$0x3FA1]  }
0x2b: {  	s6 =	sld [smem:$0x3FA2]  }
0x2c: {  	s7 =	sld [smem:$0x3FA3]  }
0x2d: {  	s3 =	simm.s32 $0x108;
	s8 =	sld [smem:$0x3FA4]  }
0x2e: {  	s3 =	simm.s32 @!p0 $0x1082;
	s9 =	sld [smem:$0x3FA5]  }
0x2f: {  	lr =	sadd.s32 s0, s3;
	s0 =	sld [smem:$0x3F9C]  }
0x30: {  	s3 =	sld [smem:$0x3F9F]  }
0x31: {  	[smem:$0x3FA8] =	sst s10  }
0x32: {  	s10 =	sld [smem:$0x3FA6];
	_ =	sdelay $0x3  }
0x33: {  	p0 =	seq.s32 s10, $0x1;
	s10 =	sld [smem:$0x3FA8];
	_ =	sdelay $0x3  }
0x34: {  	[smem:$0x3FA8] =	sst s10  }
0x35: {  	s10 =	sld [smem:$0x3FA7];
	_ =	sdelay $0x3  }
0x36: {  	p1 =	seq.s32 s10, $0x1;
	s10 =	sld [smem:$0x3FA8];
	_ =	sdelay $0x3  }
0x37: {  	[smem:$0x3FA8] =	sst s10  }
0x38: {  	s10 =	sld [smem:$0x3FA9]  }
0x39: {  	_ = 	snop;
	(pc) =	sbr.ind lr, $3  }
0x3a: {  	_ = 	snop  }
0x3b: {  	_ = 	snop  }
0x3c: {  	p2 =	seq.s32 s10, $0x1;
	s10 =	sld [smem:$0x3FA8]  }
0x3d: {  	_ =	shalt  }
0x3e: {  	_ =	shalt  }
0x3f: {  	_ =	shalt  }
0x40: {  	_ =	shalt  }
0x41: {  	_ =	shalt  }
0x42: {  	_ =	shalt  }
0x43: {  	_ =	shalt  }
0x44: {  	_ =	shalt  }
0x45: {  	_ =	shalt  }
0x46: {  	_ =	shalt  }
0x47: {  	_ =	shalt  }
0x48: {  	_ =	shalt  }
0x49: {  	_ =	shalt  }
0x4a: {  	_ =	shalt  }
0x4b: {  	_ =	shalt  }
0x4c: {  	_ =	shalt  }
0x4d: {  	_ =	shalt  }
0x4e: {  	_ =	shalt  }
0x4f: {  	_ =	shalt  }
0x50: {  	_ =	shalt  }
0x51: {  	_ =	shalt  }
0x52: {  	_ =	shalt  }
0x53: {  	_ =	shalt  }
0x54: {  	_ =	shalt  }
0x55: {  	_ =	shalt  }
0x56: {  	_ =	shalt  }
0x57: {  	_ =	shalt  }
0x58: {  	_ =	shalt  }
0x59: {  	_ =	shalt  }
0x5a: {  	_ =	shalt  }
0x5b: {  	_ =	shalt  }
0x5c: {  	_ =	shalt  }
0x5d: {  	_ =	shalt  }
0x5e: {  	_ =	shalt  }
0x5f: {  	_ =	shalt  }
0x60: {  	_ =	shalt  }
0x61: {  	_ =	shalt  }
0x62: {  	_ =	shalt  }
0x63: {  	_ =	shalt  }
0x64: {  	_ =	shalt  }
0x65: {  	_ =	shalt  }
0x66: {  	_ =	shalt  }
0x67: {  	_ =	shalt  }
0x68: {  	_ =	shalt  }
0x69: {  	_ =	shalt  }
0x6a: {  	_ =	shalt  }
0x6b: {  	_ =	shalt  }
0x6c: {  	_ =	shalt  }
0x6d: {  	_ =	shalt  }
0x6e: {  	_ =	shalt  }
0x6f: {  	_ =	shalt  }
0x70: {  	_ =	shalt  }
0x71: {  	_ =	shalt  }
0x72: {  	_ =	shalt  }
0x73: {  	_ =	shalt  }
0x74: {  	_ =	shalt  }
0x75: {  	_ =	shalt  }
0x76: {  	_ =	shalt  }
0x77: {  	_ =	shalt  }
0x78: {  	_ =	shalt  }
0x79: {  	_ =	shalt  }
0x7a: {  	_ =	shalt  }
0x7b: {  	_ =	shalt  }
0x7c: {  	_ =	shalt  }
0x7d: {  	_ =	shalt  }
0x7e: {  	_ =	shalt  }
0x7f: {  	_ =	shalt  }
0x80: {  	_ =	shalt  }
0x81: {  	_ =	shalt  }
0x82: {  	_ =	shalt  }
0x83: {  	_ =	shalt  }
0x84: {  	_ =	shalt  }
0x85: {  	_ =	shalt  }
0x86: {  	_ =	shalt  }
0x87: {  	_ =	shalt  }
.Lfunc_end0:
.L_simem_size_0:
called_computation_lowered:
.L_overlay_start_0:
0x88: {  	s2 =	sld [smem:$0x3FD9]  }
0x89: {  	s3 =	sld [smem:$0x3FFE];
	_ =	sdelay $0x1  }
0x8a: {  	s1 =	srdreg.scid  }
0x8b: {  	s0 =	sand.u32 $0x1, s1  }
0x8c: {  	s17 =	sshll.u32 s0, $0xA;
	s2 =	sadd.s32 s3, s2  }
0x8d: {  	s2 =	sadd.s32 s2, s17  }
0x8e: {  	[smem:$0x3FB4] =	sst s2  }
0x8f: {  	_ = 	snop  }
0x90: {  	s2 =	sld [smem:$0x3FD0];
	(tm) =	ssettm $0x1  }
0x91: {  	s18 =	sld [smem:$0x3FFB];
	_ =	sdelay $0x3  }
0x92: {  	_ =	strace s18  }
0x93: {  	s3 =	sld [smem:$0x3FFC];
	_ =	sdelay $0x3  }
0x94: {  	_ =	strace s3  }
0x95: {  	s3 =	sld [smem:$0x3FFD];
	_ =	sdelay $0x3  }
0x96: {  	_ =	strace s3  }
0x97: {  	_ =	strace $0x8FFFFFFF  }
0x98: {  	s19 =	sld [smem:$0x3FDB];
	_ =	sdelay $0x1  }
0x99: {  	s4 =	simm.s32 $_scs_section_size  }
0x9a: {  	s5 =	simm.s32 $_size__tile_overlayer_lowered;
	s6 =	simm.s32 $_tile_overlayer_lowered  }
0x9b: {  	s22 =	simm.s32 $0x1BFF;
	s21 =	sshll.u32 s6, $0x1;
	s3 =	sadd.s32 s4, s19  }
0x9c: {  	s7 =	simm.s32 $0x0;
	s20 =	sshll.u32 s5, $0x1;
	s5 =	sadd.s32 s21, s3  }
0x9d: {  	[timem:s7], [sflag:s22] =	dma.local [hbm:s5], s20  }
0x9e: {  	_ =	swait.ge [sflag:s22], s20  }
0x9f: {  	s4 =	ssub.s32 $0x0, s20;
	[sflag:s22] =	ssyncset.done $0x0  }
0xa0: {  	[sflag:s22] =	ssyncadd.s32 s4;
	_ =	sdelay $0x1  }
0xa1: {  	s23 =	simm.s32 $0x1B8B  }
0xa2: {  	_ =	swait.ge [sflag:s23], $0x1  }
0xa3: {  	[sflag:s23] =	ssyncset.done $0x0  }
0xa4: {  	s25 =	simm.s32 $0x1B8E;
	s24 =	sld [smem:$0x3FFE];
	[sflag:s23] =	ssyncadd.s32 $0xFFFFFFFF  }
0xa5: {  	s26 =	simm.s32 $execute0_lowered;
	[smem:$0x3FD2] =	sst s25  }
0xa6: {  	s5 =	sshll.u32 s26, $0x1;
	_ =	strace $0x80000046;
	[dreg:$0x1] =	wrdreg $0xFFFFFFFF  }
0xa7: {  	s28 =	simm.s32 $_size_execute0_lowered;
	s3 =	sadd.s32 s3, s5;
	[dreg:$0x0] =	wrdreg $0x0  }
0xa8: {  	s5 =	sshll.u32 s28, $0x1;
	[dreg:$0x2] =	wrdreg s3  }
0xa9: {  	[dreg:$0x3] =	wrdreg s5  }
0xaa: {  	[dreg:$0x4] =	wrdreg $0xC0  }
0xab: {  	_ =	task [dreg:s7], $0x5FFFF  }
0xac: {  	[dreg:$0x1] =	wrdreg $0xFFFFFFFF  }
0xad: {  	[dreg:$0x0] =	wrdreg $0x60  }
0xae: {  	[dreg:$0x2] =	wrdreg s24  }
0xaf: {  	[dreg:$0x3] =	wrdreg s2  }
0xb0: {  	[dreg:$0x4] =	wrdreg $0x9  }
0xb1: {  	_ =	task.clear_ibuf [dreg:s7], $0x5FFFF;
	_ =	strace $0x90000046  }
0xb2: {  	s29 =	simm.s32 $0x9;
	_ =	strace $0x80000048  }
0xb3: {  	_ =	swait.ge [sflag:s29], $0x1  }
0xb4: {  	[sflag:s29] =	ssyncadd.s32 $0xFFFFFFFF  }
0xb5: {  	_ =	strace $0x90000048  }
0xb6: {  	_ =	sfence  }
0xb7: {  	s30 =	sld [smem:$0x0];
	_ =	sdelay $0x2  }
0xb8: {  	s31 =	sshll.u32 s1, $0xD;
	s1 =	sshrl.u32 s1, $0x2  }
0xb9: {  	s3 =	sand.u32 $0x4000, s31;
	s1 =	sadd.s32 s1, s30  }
0xba: {  	s0 =	sor.u32 s3, s0;
	s1 =	sshll.u32 s1, $0x11  }
0xbb: {  	s0 =	sor.u32 s1, s0  }
0xbc: {  	s0 =	sadd.s32 $0x8F2B, s0  }
0xbd: {  	[sflag:s0] =	ssyncadd.remote.s32 $0x1  }
0xbe: {  	_ =	sfence.sel $0xFFFF  }
0xbf: {  	[dreg:$0x0] =	wrdreg $0xFFFFFFFF;
	(pc) =	sbr.abs _section_cstart, $3  }
0xc0: {  	[dreg:$0x1] =	wrdreg $0xFFFFFFFF  }
0xc1: {  	_ =	task.clear_ibuf [dreg:s7], $0x2FFFF;
	_ =	strace $0x9FFFFFFF  }
0xc2: {  	(tm) =	ssettm $0x7FFFFFFF  }
0xc3: {  	_ =	shalt  }
tec
execute0_lowered:
.L_overlay_start_1:
0x0: {  	(tag) =	ssettag $0x1  }
0x1: {  	s5 =	rddreg [dreg:$0x0]  }
0x2: {  	s6 =	rddreg [dreg:$0x1];
	s2 =	simm.s32 $0x0  }
0x3: {  	s11 =	simm.s32 $0x80;
	[smem:$0x7FF] =	sst s2  }
0x4: {  	s12 =	simm.s32 $0x900;
	_ =	strace $0x80000047;
	[dreg:$0x5] =	wrdreg s11  }
0x5: {  	s13 =	simm.s32 $0xD00;
	[dreg:$0x6] =	wrdreg s12  }
0x6: {  	s14 =	simm.s32 $0x1500;
	[dreg:$0x7] =	wrdreg s13  }
0x7: {  	s15 =	simm.s32 $0x1900;
	[dreg:$0x8] =	wrdreg s14  }
0x8: {  	s1 =	srdreg.scid;
	s17 =	simm.s32 $0x2100;
	[dreg:$0x9] =	wrdreg s15  }
0x9: {  	s0 =	stileid.u32;
	s19 =	simm.s32 $0x2500;
	[dreg:$0xa] =	wrdreg s17  }
0xa: {  	s20 =	simm.s32 $0x2D00;
	s21 =	simm.s32 $0x3100;
	[dreg:$0xb] =	wrdreg s19  }
0xb: {  	s22 =	simm.s32 $0x3900;
	s23 =	simm.s32 $0x3D00;
	[dreg:$0xc] =	wrdreg s20  }
0xc: {  	s25 =	simm.s32 $0x4500;
	s26 =	simm.s32 $0x4900;
	[dreg:$0xd] =	wrdreg s21  }
0xd: {  	s30 =	simm.s32 $0x5100;
	s31 =	simm.s32 $0x5500;
	[dreg:$0xe] =	wrdreg s22  }
0xe: {  	s28 =	simm.s32 $0x2;
	s3 =	smul.u32 $0x4E20, s0;
	[dreg:$0xf] =	wrdreg s23  }
0xf: {  	s1 =	sand.u32 $0x1, s1;
	s8 =	smul.u32 $0x9C400, s0;
	[dreg:$0x10] =	wrdreg s25  }
0x10: {  	s29 =	simm.s32 $0x0;
	s4 =	smul.u32 $0x2710, s1;
	[dreg:$0x11] =	wrdreg s26  }
0x11: {  	s18 =	ssub.s32 $0x2, s1;
	s1 =	smul.u32 $0x4E200, s1;
	[dreg:$0x12] =	wrdreg s30  }
0x12: {  	[dreg:$0x13] =	wrdreg s31;
	s11 =	simm.s32 $0x5D00;
	s12 =	simm.s32 $0x6100  }
0x13: {  	s13 =	simm.s32 $0x6900;
	s14 =	simm.s32 $0x6D00;
	s15 =	simm.s32 $0x7500  }
0x14: {  	s17 =	simm.s32 $0x8100;
	s19 =	simm.s32 $0x9100;
	s20 =	simm.s32 $0x9900  }
0x15: {  	s21 =	simm.s32 $0xA100;
	s22 =	simm.s32 $0xA900;
	s23 =	simm.s32 $0xB100  }
0x16: {  	s25 =	simm.s32 $0xC100;
	s26 =	simm.s32 $0x1;
	s3 =	sadd.s32 s4, s3  }
0x17: {  	s16 =	sadd.s32 s8, s5;
	s4 =	sadd.s32 $0x83A00, s5;
	s7 =	sshrl.u32 s3, $0x3  }
0x18: {  	s1 =	sadd.s32 s1, s16;
	s3 =	sadd.s32 s7, s5;
	s9 =	sadd.s32 s7, s6  }
0x19: {  	s7 =	smul.u32 $0x180, s7;
	[dreg:$0x3] =	wrdreg s9;
	s10 =	sadd.s32 $0x4800, s3  }
0x1a: {  	s16 =	simm.s32 $0x7900;
	s3 =	sadd.s32 $0xE600, s5;
	[dreg:$0x4] =	wrdreg s10  }
0x1b: {  	s9 =	sadd.s32 s7, s5;
	s10 =	sshrl.u32 s18, $0x1;
	s5 =	sadd.s32 $0xE700, s5  }
0x1c: {  	v2 =	vlaneseq.u32;
	s7 =	sadd.s32 $0xF77C00, s1;
	s8 =	ssub.s32 s18, s10;
	s10 =	simm.s32 $0x100  }
0x1d: {  	vm0 =	vmmov $0xffff;
	vm1 =	vmmov $0xff;
	v1 =	vshrl.u32 v2, $0x3;
	s18 =	simm.s32 $0x8900;
	s24 =	smax.u32 s8, $0x1;
	s8 =	sadd.s32 $0xD1C00, s9  }
0x1e: {  	v0 =	vand.u32 $0x7, v2;
	v2 =	vor.u32 $0x8, v2;
	v1 =	vmul.u32 $0x8, v1;
	s9 =	simm.s32 $0x3;
	[dreg:$0x14] =	wrdreg s24;
	s24 =	simm.s32 $0xB900  }
.LBB2_1:
0x1f: {  	s30 =	smov.u32 s8;
	s31 =	smov.u32 s7;
	s1 =	simm.s32 $0x0  }
.LBB2_2:
0x20: {  	s0 =	rddreg [dreg:$0x4]  }
0x21: {  	s0 =	sadd.s32 s1, s0  }
0x22: {  	[tilespmem:s2], [sflag:$0x3] =	stream.linear.gather [hbm4b:s0+s2], $0x50, $0x38;
	[tilespmem:$0xC900] =	vst v63  }
0x23: {  	_ =	swait.ge [sflag:s9], $0x50  }
0x24: {  	s0 =	rddreg [dreg:$0x3];
	[sflag:s9] =	ssyncset.done $0x0  }
0x25: {  	s6 =	rddreg [dreg:$0x5];
	[sflag:s9] =	ssyncadd.s32 $0xFFFFFFB0;
	s0 =	sadd.s32 s1, s0  }
0x26: {  	[tilespmem:s6], [sflag:$0x3] =	stream.linear.gather [hbm4b:s0+s2], $0x50, $0x38;
	[tilespmem:$0xC900] =	vst v63  }
0x27: {  	_ =	swait.ge [sflag:s9], $0x50  }
0x28: {  	[sflag:s9] =	ssyncset.done $0x0  }
0x29: {  	[sflag:s9] =	ssyncadd.s32 $0xFFFFFFB0  }
0x2a: {  	v3 =	vld [tilespmem:$0x0];
	_ =	sdelay $0x4  }
0x2b: {  	v4 =	vshrl.u32 v3, $0x3  }
0x2c: {  	v4 =	vmul.u32 $0x18, v4  }
0x2d: {  	v3 =	vand.u32 $0x7, v3  }
0x2e: {  	v3 =	vor.u32 v3, v4  }
0x2f: {  	v4 =	vperm.xlane v3, v0;
	_ =	sdelay $0x1  }
0x30: {  	v4 =	vadd.s32 v1, v4;
	_ =	sdelay $0x1  }
0x31: {  	v3 =	vperm.xlane v3, v2;
	_ =	sdelay $0x1  }
0x32: {  	v3 =	vadd.s32 v1, v3  }
0x33: {  	[tilespmem:s10], [sflag:$0x1] =	stream.indirect_vreg.gather [hbm4b:s3+s2], $0x80, v4, vm0, $0xb8;
	[tilespmem:$0xC900] =	vst v63  }
0x34: {  	s0 =	rddreg [dreg:$0x6]  }
0x35: {  	[tilespmem:s0], [sflag:$0x1] =	stream.indirect_vreg.gather [hbm4b:s5+s2], $0x80, v4, vm1, $0xb8;
	[tilespmem:$0xC900] =	vst v63  }
0x36: {  	s6 =	rddreg [dreg:$0x7]  }
0x37: {  	[tilespmem:s6], [sflag:$0x1] =	stream.indirect_vreg.gather [hbm4b:s3+s2], $0x80, v3, vm0, $0xb8;
	[tilespmem:$0xC900] =	vst v63  }
0x38: {  	s0 =	rddreg [dreg:$0x8]  }
0x39: {  	[tilespmem:s0], [sflag:$0x1] =	stream.indirect_vreg.gather [hbm4b:s5+s2], $0x80, v3, vm1, $0xb8;
	[tilespmem:$0xC900] =	vst v63  }
0x3a: {  	v3 =	vld [tilespmem:$0x10];
	_ =	sdelay $0x4  }
0x3b: {  	v55 =	vshrl.u32 v3, $0x3  }
0x3c: {  	v4 =	vmul.u32 $0x18, v55  }
0x3d: {  	v3 =	vand.u32 $0x7, v3  }
0x3e: {  	v3 =	vor.u32 v3, v4  }
0x3f: {  	v4 =	vperm.xlane v3, v0;
	_ =	sdelay $0x1  }
0x40: {  	v4 =	vadd.s32 v1, v4;
	_ =	sdelay $0x1  }
0x41: {  	v3 =	vperm.xlane v3, v2;
	_ =	sdelay $0x1  }
0x42: {  	s0 =	rddreg [dreg:$0x9];
	v3 =	vadd.s32 v1, v3  }
0x43: {  	[tilespmem:s0], [sflag:$0x1] =	stream.indirect_vreg.gather [hbm4b:s3+s2], $0x80, v4, vm0, $0xb8;
	[tilespmem:$0xC900] =	vst v63  }
0x44: {  	s6 =	rddreg [dreg:$0xa]  }
0x45: {  	[tilespmem:s6], [sflag:$0x1] =	stream.indirect_vreg.gather [hbm4b:s5+s2], $0x80, v4, vm1, $0xb8;
	[tilespmem:$0xC900] =	vst v63  }
0x46: {  	s0 =	rddreg [dreg:$0xb]  }
0x47: {  	[tilespmem:s0], [sflag:$0x1] =	stream.indirect_vreg.gather [hbm4b:s3+s2], $0x80, v3, vm0, $0xb8;
	[tilespmem:$0xC900] =	vst v63  }
0x48: {  	s6 =	rddreg [dreg:$0xc]  }
0x49: {  	[tilespmem:s6], [sflag:$0x1] =	stream.indirect_vreg.gather [hbm4b:s5+s2], $0x80, v3, vm1, $0xb8;
	[tilespmem:$0xC900] =	vst v63  }
0x4a: {  	v3 =	vld [tilespmem:$0x20];
	_ =	sdelay $0x4  }
0x4b: {  	v56 =	vshrl.u32 v3, $0x3  }
0x4c: {  	v4 =	vmul.u32 $0x18, v56  }
0x4d: {  	v3 =	vand.u32 $0x7, v3  }
0x4e: {  	v3 =	vor.u32 v3, v4  }
0x4f: {  	v4 =	vperm.xlane v3, v0;
	_ =	sdelay $0x1  }
0x50: {  	v4 =	vadd.s32 v1, v4;
	_ =	sdelay $0x1  }
0x51: {  	v3 =	vperm.xlane v3, v2;
	_ =	sdelay $0x1  }
0x52: {  	s0 =	rddreg [dreg:$0xd];
	v3 =	vadd.s32 v1, v3  }
0x53: {  	[tilespmem:s0], [sflag:$0x1] =	stream.indirect_vreg.gather [hbm4b:s3+s2], $0x80, v4, vm0, $0xb8;
	[tilespmem:$0xC900] =	vst v63  }
0x54: {  	s6 =	rddreg [dreg:$0xe]  }
0x55: {  	[tilespmem:s6], [sflag:$0x1] =	stream.indirect_vreg.gather [hbm4b:s5+s2], $0x80, v4, vm1, $0xb8;
	[tilespmem:$0xC900] =	vst v63  }
0x56: {  	s0 =	rddreg [dreg:$0xf]  }
0x57: {  	[tilespmem:s0], [sflag:$0x1] =	stream.indirect_vreg.gather [hbm4b:s3+s2], $0x80, v3, vm0, $0xb8;
	[tilespmem:$0xC900] =	vst v63  }
0x58: {  	s6 =	rddreg [dreg:$0x10]  }
0x59: {  	[tilespmem:s6], [sflag:$0x1] =	stream.indirect_vreg.gather [hbm4b:s5+s2], $0x80, v3, vm1, $0xb8;
	[tilespmem:$0xC900] =	vst v63  }
0x5a: {  	v3 =	vld [tilespmem:$0x30];
	_ =	sdelay $0x4  }
0x5b: {  	v57 =	vshrl.u32 v3, $0x3  }
0x5c: {  	v4 =	vmul.u32 $0x18, v57  }
0x5d: {  	v3 =	vand.u32 $0x7, v3  }
0x5e: {  	v3 =	vor.u32 v3, v4  }
0x5f: {  	v4 =	vperm.xlane v3, v0;
	_ =	sdelay $0x1  }
0x60: {  	v4 =	vadd.s32 v1, v4;
	_ =	sdelay $0x1  }
0x61: {  	v3 =	vperm.xlane v3, v2;
	_ =	sdelay $0x1  }
0x62: {  	s0 =	rddreg [dreg:$0x11];
	v3 =	vadd.s32 v1, v3  }
0x63: {  	[tilespmem:s0], [sflag:$0x1] =	stream.indirect_vreg.gather [hbm4b:s3+s2], $0x80, v4, vm0, $0xb8;
	[tilespmem:$0xC900] =	vst v63  }
0x64: {  	s6 =	rddreg [dreg:$0x12]  }
0x65: {  	[tilespmem:s6], [sflag:$0x1] =	stream.indirect_vreg.gather [hbm4b:s5+s2], $0x80, v4, vm1, $0xb8;
	[tilespmem:$0xC900] =	vst v63  }
0x66: {  	s0 =	rddreg [dreg:$0x13]  }
0x67: {  	[tilespmem:s0], [sflag:$0x1] =	stream.indirect_vreg.gather [hbm4b:s3+s2], $0x80, v3, vm0, $0xb8;
	[tilespmem:$0xC900] =	vst v63  }
0x68: {  	_ = 	snop  }
0x69: {  	[tilespmem:s11], [sflag:$0x1] =	stream.indirect_vreg.gather [hbm4b:s5+s2], $0x80, v3, vm1, $0xb8;
	[tilespmem:$0xC900] =	vst v63  }
0x6a: {  	v3 =	vld [tilespmem:$0x40];
	_ =	sdelay $0x4  }
0x6b: {  	v58 =	vshrl.u32 v3, $0x3  }
0x6c: {  	v4 =	vmul.u32 $0x18, v58  }
0x6d: {  	v3 =	vand.u32 $0x7, v3  }
0x6e: {  	v3 =	vor.u32 v3, v4  }
0x6f: {  	v4 =	vperm.xlane v3, v0;
	_ =	sdelay $0x1  }
0x70: {  	v4 =	vadd.s32 v1, v4;
	_ =	sdelay $0x1  }
0x71: {  	v3 =	vperm.xlane v3, v2;
	_ =	sdelay $0x1  }
0x72: {  	v3 =	vadd.s32 v1, v3  }
0x73: {  	[tilespmem:s12], [sflag:$0x1] =	stream.indirect_vreg.gather [hbm4b:s3+s2], $0x80, v4, vm0, $0xb8;
	[tilespmem:$0xC900] =	vst v63  }
0x74: {  	_ = 	snop  }
0x75: {  	[tilespmem:s13], [sflag:$0x1] =	stream.indirect_vreg.gather [hbm4b:s5+s2], $0x80, v4, vm1, $0xb8;
	[tilespmem:$0xC900] =	vst v63  }
0x76: {  	_ = 	snop  }
0x77: {  	[tilespmem:s14], [sflag:$0x1] =	stream.indirect_vreg.gather [hbm4b:s3+s2], $0x80, v3, vm0, $0xb8;
	[tilespmem:$0xC900] =	vst v63  }
0x78: {  	_ = 	snop  }
0x79: {  	[tilespmem:s15], [sflag:$0x1] =	stream.indirect_vreg.gather [hbm4b:s5+s2], $0x80, v3, vm1, $0xb8;
	[tilespmem:$0xC900] =	vst v63  }
0x7a: {  	v3 =	vld [tilespmem:$0x80];
	_ =	sdelay $0x4  }
0x7b: {  	v59 =	vshll.u32 v3, $0x1  }
0x7c: {  	v3 =	vand.u32 $0x7, v3;
	v4 =	vand.u32 $0xFFFFFFF0, v59  }
0x7d: {  	v3 =	vor.u32 v3, v4  }
0x7e: {  	v4 =	vperm.xlane v3, v0;
	_ =	sdelay $0x1  }
0x7f: {  	v3 =	vperm.xlane v3, v2;
	v4 =	vadd.s32 v1, v4;
	_ =	sdelay $0x1  }
0x80: {  	v3 =	vadd.s32 v1, v3;
	_ =	sdelay $0x2  }
0x81: {  	[tilespmem:s16], [sflag:$0x2] =	stream.indirect_vreg.gather [hbm4b:s4+s2], $0x80, v4, vm0, $0xb8;
	[tilespmem:$0xC900] =	vst v63  }
0x82: {  	_ = 	snop  }
0x83: {  	[tilespmem:s17], [sflag:$0x2] =	stream.indirect_vreg.gather [hbm4b:s4+s2], $0x80, v3, vm0, $0xb8;
	[tilespmem:$0xC900] =	vst v63  }
0x84: {  	v3 =	vld [tilespmem:$0x90];
	_ =	sdelay $0x4  }
0x85: {  	v60 =	vshll.u32 v3, $0x1  }
0x86: {  	v3 =	vand.u32 $0x7, v3;
	v4 =	vand.u32 $0xFFFFFFF0, v60  }
0x87: {  	v3 =	vor.u32 v3, v4  }
0x88: {  	v4 =	vperm.xlane v3, v0;
	_ =	sdelay $0x1  }
0x89: {  	v3 =	vperm.xlane v3, v2;
	v4 =	vadd.s32 v1, v4;
	_ =	sdelay $0x1  }
0x8a: {  	v3 =	vadd.s32 v1, v3;
	_ =	sdelay $0x2  }
0x8b: {  	[tilespmem:s18], [sflag:$0x2] =	stream.indirect_vreg.gather [hbm4b:s4+s2], $0x80, v4, vm0, $0xb8;
	[tilespmem:$0xC900] =	vst v63  }
0x8c: {  	_ = 	snop  }
0x8d: {  	[tilespmem:s19], [sflag:$0x2] =	stream.indirect_vreg.gather [hbm4b:s4+s2], $0x80, v3, vm0, $0xb8;
	[tilespmem:$0xC900] =	vst v63  }
0x8e: {  	v3 =	vld [tilespmem:$0xA0];
	_ =	sdelay $0x4  }
0x8f: {  	v61 =	vshll.u32 v3, $0x1  }
0x90: {  	v3 =	vand.u32 $0x7, v3;
	v4 =	vand.u32 $0xFFFFFFF0, v61  }
0x91: {  	v3 =	vor.u32 v3, v4  }
0x92: {  	v4 =	vperm.xlane v3, v0;
	_ =	sdelay $0x1  }
0x93: {  	v3 =	vperm.xlane v3, v2;
	v4 =	vadd.s32 v1, v4;
	_ =	sdelay $0x1  }
0x94: {  	v3 =	vadd.s32 v1, v3;
	_ =	sdelay $0x2  }
0x95: {  	[tilespmem:s20], [sflag:$0x2] =	stream.indirect_vreg.gather [hbm4b:s4+s2], $0x80, v4, vm0, $0xb8;
	[tilespmem:$0xC900] =	vst v63  }
0x96: {  	_ = 	snop  }
0x97: {  	[tilespmem:s21], [sflag:$0x2] =	stream.indirect_vreg.gather [hbm4b:s4+s2], $0x80, v3, vm0, $0xb8;
	[tilespmem:$0xC900] =	vst v63  }
0x98: {  	v3 =	vld [tilespmem:$0xB0];
	_ =	sdelay $0x4  }
0x99: {  	v62 =	vshll.u32 v3, $0x1  }
0x9a: {  	v3 =	vand.u32 $0x7, v3;
	v4 =	vand.u32 $0xFFFFFFF0, v62  }
0x9b: {  	v3 =	vor.u32 v3, v4  }
0x9c: {  	v4 =	vperm.xlane v3, v0;
	_ =	sdelay $0x1  }
0x9d: {  	v3 =	vperm.xlane v3, v2;
	v4 =	vadd.s32 v1, v4;
	_ =	sdelay $0x1  }
0x9e: {  	v3 =	vadd.s32 v1, v3;
	_ =	sdelay $0x2  }
0x9f: {  	[tilespmem:s22], [sflag:$0x2] =	stream.indirect_vreg.gather [hbm4b:s4+s2], $0x80, v4, vm0, $0xb8;
	[tilespmem:$0xC900] =	vst v63  }
0xa0: {  	_ = 	snop  }
0xa1: {  	[tilespmem:s23], [sflag:$0x2] =	stream.indirect_vreg.gather [hbm4b:s4+s2], $0x80, v3, vm0, $0xb8;
	[tilespmem:$0xC900] =	vst v63  }
0xa2: {  	v3 =	vld [tilespmem:$0xC0];
	_ =	sdelay $0x4  }
0xa3: {  	v63 =	vshll.u32 v3, $0x1  }
0xa4: {  	v3 =	vand.u32 $0x7, v3;
	v4 =	vand.u32 $0xFFFFFFF0, v63  }
0xa5: {  	v3 =	vor.u32 v3, v4  }
0xa6: {  	v4 =	vperm.xlane v3, v0;
	_ =	sdelay $0x1  }
0xa7: {  	v3 =	vperm.xlane v3, v2;
	v4 =	vadd.s32 v1, v4;
	_ =	sdelay $0x1  }
0xa8: {  	v3 =	vadd.s32 v1, v3;
	_ =	sdelay $0x2  }
0xa9: {  	[tilespmem:s24], [sflag:$0x2] =	stream.indirect_vreg.gather [hbm4b:s4+s2], $0x80, v4, vm0, $0xb8;
	[tilespmem:$0xC900] =	vst v63  }
0xaa: {  	_ = 	snop  }
0xab: {  	[tilespmem:s25], [sflag:$0x2] =	stream.indirect_vreg.gather [hbm4b:s4+s2], $0x80, v3, vm0, $0xb8;
	[tilespmem:$0xC900] =	vst v63  }
0xac: {  	_ =	swait.ge [sflag:s26], $0x7800  }
0xad: {  	[sflag:s26] =	ssyncset.done $0x0  }
0xae: {  	[sflag:s26] =	ssyncadd.s32 $0xFFFF8800  }
0xaf: {  	_ =	swait.ge [sflag:s28], $0x5000  }
0xb0: {  	[sflag:s28] =	ssyncset.done $0x0  }
0xb1: {  	[sflag:s28] =	ssyncadd.s32 $0xFFFFB000  }
0xb2: {  	[hbm4b:s30+s2] =	stream.linear.scatter [tilespmem:s10], [sflag:$0x3], $0x7800, $0x38;
	[tilespmem:$0xC900] =	vst v63  }
0xb3: {  	_ =	swait.ge [sflag:s9], $0x7800  }
0xb4: {  	p0 =	sne.s32 s1, $0x4D8;
	[sflag:s9] =	ssyncset.done $0x0  }
.Ltmp0:
0xb5: {  	[sflag:s9] =	ssyncadd.s32 $0xFFFF8800;
	(pc) =	sbr.rel @p0 .LBB2_2-.Ltmp0, $4  }
0xb6: {  	[hbm4b:s31+s2] =	stream.linear.scatter [tilespmem:s16], [sflag:$0x3], $0x5000, $0x38;
	[tilespmem:$0xC900] =	vst v63  }
0xb7: {  	_ =	swait.ge [sflag:s9], $0x5000  }
0xb8: {  	s1 =	sadd.s32 $0xA, s1;
	[sflag:s9] =	ssyncset.done $0x0  }
0xb9: {  	s30 =	sadd.s32 $0xF00, s30;
	s31 =	sadd.s32 $0xA00, s31;
	[sflag:s9] =	ssyncadd.s32 $0xFFFFB000  }
0xba: {  	s29 =	sadd.s32 $0x1, s29;
	s0 =	rddreg [dreg:$0x14]  }
0xbb: {  	p0 =	sne.s32 s29, s0  }
.Ltmp1:
0xbc: {  	_ = 	snop;
	(pc) =	sbr.rel @p0 .LBB2_1-.Ltmp1, $1  }
0xbd: {  	_ =	sdelay $0x3  }
0xbe: {  	_ =	sfence.sel $0x180000  }
0xbf: {  	[bflag:$0x0] =	sbarrier.arrive $0xFFFF  }
0xc0: {  	_ =	strace $0x90000047  }
0xc1: {  	s0 =	stileid.u32;
	[bflag:$0x2] =	sbarrier.arrive $0xFFFF  }
0xc2: {  	p0 =	sne.s32 s0, $0x0;
	s0 =	rddreg [dreg:$0x2]  }
0xc3: {  	s0 =	sadd.s32 @!p0 $0x100000, s0  }
0xc4: {  	[sflag:s0] =	ssyncadd.tile.s32 @!p0 $0x1;
	_ =	shalt  }
.Lfunc_end2:
_tile_overlayer_lowered:
.L_overlay_start_2:
0xc5: {  	(tag) =	ssettag $0x2  }
0xc6: {  	s0 =	rddreg [dreg:$0x0];
	s2 =	stileid.u32  }
0xc7: {  	s1 =	rddreg [dreg:$0x1];
	p0 =	sne.s32 s2, $0x0  }
0xc8: {  	s3 =	rddreg [dreg:$0x2];
	[bflag:$0x3] =	sbarrier.arrive $0xFFFF;
	s2 =	simm.s32 @!p0 $0x1C03  }
0xc9: {  	[timem:s3], [sflag:s2] =	dma.local @!p0 [hbm:s0], s1  }
0xca: {  	s0 =	simm.s32 @!p0 $0x3  }
0xcb: {  	_ =	swait.ge @!p0 [sflag:s0], s1  }
0xcc: {  	s1 =	ssub.s32 @!p0 $0x0, s1;
	[sflag:s0] =	ssyncset.done @!p0 $0x0  }
0xcd: {  	[sflag:s0] =	ssyncadd.s32 @!p0 s1  }
0xce: {  	[bflag:$0x3] =	sbarrier.arrive $0xFFFF  }
0xcf: {  	_ =	shalt  }

</sc_bundles>
